<compile_context>
chip_gen: v7x
topology: tpu7x:2x2x1
jax: 0.10.2.dev20260603
libtpu: 0.0.44.dev20260713+nightly
codegen_flags: <defaults>
</compile_context>

<pallas_src>
import functools

import jax
import jax.numpy as jnp
from jax import lax
from jax.experimental import pallas as pl
from jax.experimental.pallas import tpu as pltpu
from jax.experimental.pallas import tpu_sc as plsc

N = 10000
D = 256
DH = D // 2
E = 160000
NC, NS, L = 2, 16, 16
N_PAD = 10240
E_PAD = 163840
EPW = E_PAD // NS
CH = 64
NCHUNK = EPW // CH
NB = 4

_mesh = plsc.VectorSubcoreMesh(
    core_axis_name="c", subcore_axis_name="s", num_cores=NC, num_subcores=NS)


@functools.partial(
    pl.kernel,
    out_type=jax.ShapeDtypeStruct((N_PAD,), jnp.float32),
    mesh=_mesh,
    scratch_types=[
        pltpu.VMEM((NCHUNK, CH), jnp.int32),
        pltpu.VMEM((CH,), jnp.float32),
        pltpu.VMEM((640,), jnp.float32),
        pltpu.SemaphoreType.DMA,
        pltpu.VMEM_SHARED((N_PAD,), jnp.float32),
    ],
)
def _sc_degree(dst_hbm, deg_out, dstb, onesb, zb, sem, shared):
    c = lax.axis_index("c")
    s = lax.axis_index("s")
    for i in range(640 // L):
        zb[pl.ds(i * L, L)] = jnp.zeros((L,), jnp.float32)
    for i in range(CH // L):
        onesb[pl.ds(i * L, L)] = jnp.ones((L,), jnp.float32)
    pltpu.sync_copy(dst_hbm.at[s], dstb)
    pltpu.sync_copy(zb, shared.at[pl.ds(s * 640, 640)])
    plsc.subcore_barrier()

    def body(k, carry):
        pltpu.async_copy(onesb, shared.at[dstb.at[k]], sem, add=True)
        return carry

    lax.fori_loop(0, NCHUNK, body, 0)

    def drain(k, carry):
        pltpu.make_async_copy(onesb, shared.at[dstb.at[k]], sem).wait()
        return carry

    lax.fori_loop(0, NCHUNK, drain, 0)
    plsc.subcore_barrier()
    off = c * (N_PAD // NC) + s * 320
    pltpu.sync_copy(shared.at[pl.ds(off, 320)], zb.at[pl.ds(0, 320)])
    pltpu.sync_copy(zb.at[pl.ds(0, 320)], deg_out.at[pl.ds(off, 320)])


@functools.partial(
    pl.kernel,
    out_type=[
        jax.ShapeDtypeStruct((N_PAD, DH), jnp.float32),
        jax.ShapeDtypeStruct((N_PAD, DH), jnp.float32),
    ],
    mesh=_mesh,
    scratch_types=(
        [pltpu.VMEM((CH,), jnp.int32)] * NB
        + [pltpu.VMEM((CH,), jnp.int32)] * NB
        + [pltpu.VMEM((CH, DH), jnp.float32)] * NB
        + [pltpu.SemaphoreType.DMA] * (3 * NB)
        + [pltpu.VMEM_SHARED((N_PAD, DH), jnp.float32)]
    ),
)
def _sc_segsum(hp0_hbm, hp1_hbm, src_hbm, dst_hbm, out0_hbm, out1_hbm,
               sb0, sb1, sb2, sb3, db0, db1, db2, db3, rw0, rw1, rw2, rw3,
               is0, is1, is2, is3, gs0, gs1, gs2, gs3, ss0, ss1, ss2, ss3,
               shared):
    c = lax.axis_index("c")
    s = lax.axis_index("s")
    srcb = (sb0, sb1, sb2, sb3)
    dstb = (db0, db1, db2, db3)
    rows = (rw0, rw1, rw2, rw3)
    isem = (is0, is1, is2, is3)
    gsem = (gs0, gs1, gs2, gs3)
    ssem = (ss0, ss1, ss2, ss3)
    rows0 = rw0

    def start_load_idx(k, b):
        pltpu.async_copy(src_hbm.at[s, k], srcb[b], isem[b])
        pltpu.async_copy(dst_hbm.at[s, k], dstb[b], isem[b])

    def wait_load_idx(b):
        pltpu.make_async_copy(src_hbm.at[s, 0], srcb[b], isem[b]).wait()
        pltpu.make_async_copy(dst_hbm.at[s, 0], dstb[b], isem[b]).wait()

    def start_gather(b):
        @pl.when(c == 0)
        def _():
            pltpu.async_copy(hp0_hbm.at[srcb[b]], rows[b], gsem[b])

        @pl.when(c == 1)
        def _():
            pltpu.async_copy(hp1_hbm.at[srcb[b]], rows[b], gsem[b])

    def wait_gather(b):
        pltpu.make_async_copy(hp0_hbm.at[srcb[b]], rows[b], gsem[b]).wait()

    def start_scatter(b):
        pltpu.async_copy(rows[b], shared.at[dstb[b]], ssem[b], add=True)

    def wait_scatter(b):
        pltpu.make_async_copy(rows[b], shared.at[dstb[b]], ssem[b]).wait()

    def zbody(i, carry):
        rows0[i // (DH // L), pl.ds((i % (DH // L)) * L, L)] = (
            jnp.zeros((L,), jnp.float32))
        return carry

    lax.fori_loop(0, CH * (DH // L), zbody, 0)
    r0 = s * (N_PAD // NS)
    for j in range(N_PAD // NS // CH):
        pltpu.sync_copy(rows0, shared.at[pl.ds(r0 + j * CH, CH)])
    plsc.subcore_barrier()

    LAG = NB - 1

    def body(k0, carry):
        for b in range(NB):
            k = NB * k0 + b

            @pl.when(k0 > 0)
            def _(b=b):
                wait_scatter(b)

            start_load_idx(k, b)

            bc = (b + 1) % NB

            @pl.when(k >= LAG)
            def _(bc=bc):
                wait_gather(bc)
                start_scatter(bc)

            wait_load_idx(b)
            start_gather(b)
        return carry

    lax.fori_loop(0, NCHUNK // NB, body, 0)
    for kc in range(NCHUNK - LAG, NCHUNK):
        wait_gather(kc % NB)
        start_scatter(kc % NB)
    for b in range(NB):
        wait_scatter(b)
    plsc.subcore_barrier()

    for j in range(N_PAD // NS // CH):
        pltpu.sync_copy(shared.at[pl.ds(r0 + j * CH, CH)], rows0)

        @pl.when(c == 0)
        def _():
            pltpu.sync_copy(rows0, out0_hbm.at[pl.ds(r0 + j * CH, CH)])

        @pl.when(c == 1)
        def _():
            pltpu.sync_copy(rows0, out1_hbm.at[pl.ds(r0 + j * CH, CH)])


def _mm_body(x_ref, w_ref, deg_ref, hp0_ref, hp1_ref, dinv_ref):
    di = lax.rsqrt(deg_ref[...] + 1.0)
    h = jnp.dot(x_ref[...], w_ref[...], preferred_element_type=jnp.float32)
    hp = h * di
    hp0_ref[...] = hp[:, :DH]
    hp1_ref[...] = hp[:, DH:]
    dinv_ref[...] = di


BR = 1000
_mm_call = pl.pallas_call(
    _mm_body,
    grid=(N // BR,),
    in_specs=[
        pl.BlockSpec((BR, D), lambda i: (i, 0)),
        pl.BlockSpec((D, D), lambda i: (0, 0)),
        pl.BlockSpec((BR, 1), lambda i: (i, 0)),
    ],
    out_specs=[
        pl.BlockSpec((BR, DH), lambda i: (i, 0)),
        pl.BlockSpec((BR, DH), lambda i: (i, 0)),
        pl.BlockSpec((BR, 1), lambda i: (i, 0)),
    ],
    out_shape=[
        jax.ShapeDtypeStruct((N, DH), jnp.float32),
        jax.ShapeDtypeStruct((N, DH), jnp.float32),
        jax.ShapeDtypeStruct((N, 1), jnp.float32),
    ],
)


def _final_body(s0_ref, s1_ref, hp0_ref, hp1_ref, dinv_ref, x_ref, b_ref,
                g_ref, be_ref, o_ref):
    sfull = jnp.concatenate([s0_ref[...], s1_ref[...]], axis=1)
    hpfull = jnp.concatenate([hp0_ref[...], hp1_ref[...]], axis=1)
    res = dinv_ref[...] * (sfull + hpfull) + b_ref[...] + x_ref[...]
    mean = jnp.mean(res, axis=-1, keepdims=True)
    cent = res - mean
    var = jnp.mean(cent * cent, axis=-1, keepdims=True)
    o = cent * lax.rsqrt(var + 1e-5) * g_ref[...] + be_ref[...]
    o_ref[...] = jnp.maximum(o, 0.0)


_final_call = pl.pallas_call(
    _final_body,
    grid=(N // BR,),
    in_specs=[
        pl.BlockSpec((BR, DH), lambda i: (i, 0)),
        pl.BlockSpec((BR, DH), lambda i: (i, 0)),
        pl.BlockSpec((BR, DH), lambda i: (i, 0)),
        pl.BlockSpec((BR, DH), lambda i: (i, 0)),
        pl.BlockSpec((BR, 1), lambda i: (i, 0)),
        pl.BlockSpec((BR, D), lambda i: (i, 0)),
        pl.BlockSpec((1, D), lambda i: (0, 0)),
        pl.BlockSpec((1, D), lambda i: (0, 0)),
        pl.BlockSpec((1, D), lambda i: (0, 0)),
    ],
    out_specs=pl.BlockSpec((BR, D), lambda i: (i, 0)),
    out_shape=jax.ShapeDtypeStruct((N, D), jnp.float32),
)


def kernel(x, edge_index, W, b, gamma, beta):
    ei = edge_index.astype(jnp.int32)
    pad = E_PAD - E
    arange_pad = jnp.arange(pad, dtype=jnp.int32)
    pad_src = (arange_pad * 613) % N
    pad_dst = N + arange_pad % (N_PAD - N)
    src_p = jnp.concatenate([ei[0], pad_src]).reshape(NS, NCHUNK, CH)
    dst_p = jnp.concatenate([ei[1], pad_dst]).reshape(NS, NCHUNK, CH)

    deg = _sc_degree(dst_p)
    hp0, hp1, dinv = _mm_call(x, W, deg.reshape(N_PAD, 1)[:N])
    s0, s1 = _sc_segsum(hp0, hp1, src_p, dst_p)
    return _final_call(s0, s1, hp0, hp1, dinv, x, b.reshape(1, D),
                       gamma.reshape(1, D), beta.reshape(1, D))

# --- scband reference (transcript-rebuilt; emitter-appended) ---
"""Pipeline reference for scband-residual-gcnlayer-78546361909458 (READ-ONLY COPY).

The authoritative reference and input builder live on the scoring server;
editing this copy changes nothing except your own understanding.
"""

import jax, jax.numpy as jnp
import numpy as np

N_NODES = 10000
N_EDGES = 160000
D_IN = 256
D_OUT = 256

def setup_inputs(seed: int = 0) -> dict:
    key = jax.random.key(seed)
    k1, k2, k3, k4 = jax.random.split(key, 4)
    x = jax.random.normal(k1, (N_NODES, D_IN), dtype=jnp.float32)
    edge_index = jax.random.randint(k2, (2, N_EDGES), 0, N_NODES, dtype=jnp.int64)
    # GCNConv weight (Glorot) and bias
    limit = float(np.sqrt(6.0 / (D_IN + D_OUT)))
    W = jax.random.uniform(k3, (D_IN, D_OUT), minval=-limit, maxval=limit, dtype=jnp.float32)
    b = jnp.zeros((D_OUT,), dtype=jnp.float32)
    # LayerNorm params
    gamma = jnp.ones((D_OUT,), dtype=jnp.float32)
    beta = jnp.zeros((D_OUT,), dtype=jnp.float32)
    return {"x": x, "edge_index": edge_index, "W": W, "b": b, "gamma": gamma, "beta": beta}

def reference(x, edge_index, W, b, gamma, beta):
    N = x.shape[0]
    # residual branch: in_channels == out_channels -> Identity
    identity = x
    # --- GCNConv: add self-loops, symmetric normalization ---
    src = edge_index[0]
    dst = edge_index[1]
    loop = jnp.arange(N, dtype=edge_index.dtype)
    src = jnp.concatenate([src, loop], axis=0)
    dst = jnp.concatenate([dst, loop], axis=0)
    ones = jnp.ones((src.shape[0],), dtype=x.dtype)
    deg = jnp.zeros((N,), dtype=x.dtype).at[dst].add(ones)
    deg_inv_sqrt = jnp.where(deg > 0, jax.lax.rsqrt(jnp.maximum(deg, 1e-12)), 0.0)
    norm = deg_inv_sqrt[src] * deg_inv_sqrt[dst]
    h = x @ W
    msg = h[src] * norm[:, None]
    agg = jax.ops.segment_sum(msg, dst, num_segments=N)
    conv_out = agg + b
    # --- residual add ---
    out = conv_out + identity
    # --- LayerNorm ---
    mean = jnp.mean(out, axis=-1, keepdims=True)
    var = jnp.mean(jnp.square(out - mean), axis=-1, keepdims=True)
    out = (out - mean) * jax.lax.rsqrt(var + 1e-5)
    out = out * gamma + beta
    # --- ReLU ---
    out = jax.nn.relu(out)
    # --- Dropout: identity in eval mode ---
    return out

if False:  # reference __main__ guard neutralized (emitter)
    inp = setup_inputs()
    y = reference(**inp)
    print(y.shape, y.dtype)

if __name__ == "__main__":
    import jax
    _d = setup_inputs()
    print(jax.jit(kernel)(*tuple(_d.values())))

</pallas_src>

<mosaic_0001>
#map = affine_map<(d0, d1) -> (0, 0, 0)>
#map1 = affine_map<(d0, d1) -> (0)>
module attributes {stable_mosaic.version = 14 : i64} {
  func.func @_sc_degree(%arg0: i32, %arg1: i32, %arg2: memref<16x160x64xi32, #tpu.memory_space<hbm>>, %arg3: memref<10240xf32, #tpu.memory_space<hbm>>, %arg4: memref<160x64xi32, #tpu.memory_space<vmem>>, %arg5: memref<64xf32, #tpu.memory_space<vmem>>, %arg6: memref<640xf32, #tpu.memory_space<vmem>>, %arg7: memref<!tpu.dma_semaphore, #tpu.memory_space<semaphore_mem>>, %arg8: memref<10240xf32, #tpu.memory_space<vmem_shared>>) attributes {dimension_semantics = [#tpu.dimension_semantics<core_parallel>, #tpu.dimension_semantics<subcore_parallel>], iteration_bounds = array<i64: 2, 16>, scalar_prefetch = 0 : i64, scratch_operands = 5 : i64, tpu.core_type = #tpu.core_type<sc_vector_subcore>, window_params = [{transform_indices = #map}, {transform_indices = #map1}]} {
    %broadcast_in_dim3A = arith.constant 0.000000e+00 : f32
    %broadcast_in_dim3A_0 = vector.broadcast %broadcast_in_dim3A : f32 to vector<16xf32>
    %swap3A = arith.constant 0 : index
    %swap3A_1 = tpu.vector_load %arg6[%swap3A] {strides = array<i32>} : memref<640xf32, #tpu.memory_space<vmem>>, vector<16xf32>,
    %swap3A_2 = vector.shape_cast %swap3A_1 : vector<16xf32> to vector<16xf32>
    %swap3A_3 = vector.shape_cast %broadcast_in_dim3A_0 : vector<16xf32> to vector<16xf32>
    tpu.vector_store %arg6[%swap3A], %swap3A_3 {strides = array<i32>} : memref<640xf32, #tpu.memory_space<vmem>>, vector<16xf32>,
    %broadcast_in_dim3A_4 = arith.constant 0.000000e+00 : f32
    %broadcast_in_dim3A_5 = vector.broadcast %broadcast_in_dim3A_4 : f32 to vector<16xf32>
    %swap3A_6 = arith.constant 16 : index
    %swap3A_7 = tpu.vector_load %arg6[%swap3A_6] {strides = array<i32>} : memref<640xf32, #tpu.memory_space<vmem>>, vector<16xf32>,
    %swap3A_8 = vector.shape_cast %swap3A_7 : vector<16xf32> to vector<16xf32>
    %swap3A_9 = vector.shape_cast %broadcast_in_dim3A_5 : vector<16xf32> to vector<16xf32>
    tpu.vector_store %arg6[%swap3A_6], %swap3A_9 {strides = array<i32>} : memref<640xf32, #tpu.memory_space<vmem>>, vector<16xf32>,
    %broadcast_in_dim3A_10 = arith.constant 0.000000e+00 : f32
    %broadcast_in_dim3A_11 = vector.broadcast %broadcast_in_dim3A_10 : f32 to vector<16xf32>
    %swap3A_12 = arith.constant 32 : index
    %swap3A_13 = tpu.vector_load %arg6[%swap3A_12] {strides = array<i32>} : memref<640xf32, #tpu.memory_space<vmem>>, vector<16xf32>,
    %swap3A_14 = vector.shape_cast %swap3A_13 : vector<16xf32> to vector<16xf32>
    %swap3A_15 = vector.shape_cast %broadcast_in_dim3A_11 : vector<16xf32> to vector<16xf32>
    tpu.vector_store %arg6[%swap3A_12], %swap3A_15 {strides = array<i32>} : memref<640xf32, #tpu.memory_space<vmem>>, vector<16xf32>,
    %broadcast_in_dim3A_16 = arith.constant 0.000000e+00 : f32
    %broadcast_in_dim3A_17 = vector.broadcast %broadcast_in_dim3A_16 : f32 to vector<16xf32>
    %swap3A_18 = arith.constant 48 : index
    %swap3A_19 = tpu.vector_load %arg6[%swap3A_18] {strides = array<i32>} : memref<640xf32, #tpu.memory_space<vmem>>, vector<16xf32>,
    %swap3A_20 = vector.shape_cast %swap3A_19 : vector<16xf32> to vector<16xf32>
    %swap3A_21 = vector.shape_cast %broadcast_in_dim3A_17 : vector<16xf32> to vector<16xf32>
    tpu.vector_store %arg6[%swap3A_18], %swap3A_21 {strides = array<i32>} : memref<640xf32, #tpu.memory_space<vmem>>, vector<16xf32>,
    %broadcast_in_dim3A_22 = arith.constant 0.000000e+00 : f32
    %broadcast_in_dim3A_23 = vector.broadcast %broadcast_in_dim3A_22 : f32 to vector<16xf32>
    %swap3A_24 = arith.constant 64 : index
    %swap3A_25 = tpu.vector_load %arg6[%swap3A_24] {strides = array<i32>} : memref<640xf32, #tpu.memory_space<vmem>>, vector<16xf32>,
    %swap3A_26 = vector.shape_cast %swap3A_25 : vector<16xf32> to vector<16xf32>
    %swap3A_27 = vector.shape_cast %broadcast_in_dim3A_23 : vector<16xf32> to vector<16xf32>
    tpu.vector_store %arg6[%swap3A_24], %swap3A_27 {strides = array<i32>} : memref<640xf32, #tpu.memory_space<vmem>>, vector<16xf32>,
    %broadcast_in_dim3A_28 = arith.constant 0.000000e+00 : f32
    %broadcast_in_dim3A_29 = vector.broadcast %broadcast_in_dim3A_28 : f32 to vector<16xf32>
    %swap3A_30 = arith.constant 80 : index
    %swap3A_31 = tpu.vector_load %arg6[%swap3A_30] {strides = array<i32>} : memref<640xf32, #tpu.memory_space<vmem>>, vector<16xf32>,
    %swap3A_32 = vector.shape_cast %swap3A_31 : vector<16xf32> to vector<16xf32>
    %swap3A_33 = vector.shape_cast %broadcast_in_dim3A_29 : vector<16xf32> to vector<16xf32>
    tpu.vector_store %arg6[%swap3A_30], %swap3A_33 {strides = array<i32>} : memref<640xf32, #tpu.memory_space<vmem>>, vector<16xf32>,
    %broadcast_in_dim3A_34 = arith.constant 0.000000e+00 : f32
    %broadcast_in_dim3A_35 = vector.broadcast %broadcast_in_dim3A_34 : f32 to vector<16xf32>
    %swap3A_36 = arith.constant 96 : index
    %swap3A_37 = tpu.vector_load %arg6[%swap3A_36] {strides = array<i32>} : memref<640xf32, #tpu.memory_space<vmem>>, vector<16xf32>,
    %swap3A_38 = vector.shape_cast %swap3A_37 : vector<16xf32> to vector<16xf32>
    %swap3A_39 = vector.shape_cast %broadcast_in_dim3A_35 : vector<16xf32> to vector<16xf32>
    tpu.vector_store %arg6[%swap3A_36], %swap3A_39 {strides = array<i32>} : memref<640xf32, #tpu.memory_space<vmem>>, vector<16xf32>,
    %broadcast_in_dim3A_40 = arith.constant 0.000000e+00 : f32
    %broadcast_in_dim3A_41 = vector.broadcast %broadcast_in_dim3A_40 : f32 to vector<16xf32>
    %swap3A_42 = arith.constant 112 : index
    %swap3A_43 = tpu.vector_load %arg6[%swap3A_42] {strides = array<i32>} : memref<640xf32, #tpu.memory_space<vmem>>, vector<16xf32>,
    %swap3A_44 = vector.shape_cast %swap3A_43 : vector<16xf32> to vector<16xf32>
    %swap3A_45 = vector.shape_cast %broadcast_in_dim3A_41 : vector<16xf32> to vector<16xf32>
    tpu.vector_store %arg6[%swap3A_42], %swap3A_45 {strides = array<i32>} : memref<640xf32, #tpu.memory_space<vmem>>, vector<16xf32>,
    %broadcast_in_dim3A_46 = arith.constant 0.000000e+00 : f32
    %broadcast_in_dim3A_47 = vector.broadcast %broadcast_in_dim3A_46 : f32 to vector<16xf32>
    %swap3A_48 = arith.constant 128 : index
    %swap3A_49 = tpu.vector_load %arg6[%swap3A_48] {strides = array<i32>} : memref<640xf32, #tpu.memory_space<vmem>>, vector<16xf32>,
    %swap3A_50 = vector.shape_cast %swap3A_49 : vector<16xf32> to vector<16xf32>
    %swap3A_51 = vector.shape_cast %broadcast_in_dim3A_47 : vector<16xf32> to vector<16xf32>
    tpu.vector_store %arg6[%swap3A_48], %swap3A_51 {strides = array<i32>} : memref<640xf32, #tpu.memory_space<vmem>>, vector<16xf32>,
    %broadcast_in_dim3A_52 = arith.constant 0.000000e+00 : f32
    %broadcast_in_dim3A_53 = vector.broadcast %broadcast_in_dim3A_52 : f32 to vector<16xf32>
    %swap3A_54 = arith.constant 144 : index
    %swap3A_55 = tpu.vector_load %arg6[%swap3A_54] {strides = array<i32>} : memref<640xf32, #tpu.memory_space<vmem>>, vector<16xf32>,
    %swap3A_56 = vector.shape_cast %swap3A_55 : vector<16xf32> to vector<16xf32>
    %swap3A_57 = vector.shape_cast %broadcast_in_dim3A_53 : vector<16xf32> to vector<16xf32>
    tpu.vector_store %arg6[%swap3A_54], %swap3A_57 {strides = array<i32>} : memref<640xf32, #tpu.memory_space<vmem>>, vector<16xf32>,
    %broadcast_in_dim3A_58 = arith.constant 0.000000e+00 : f32
    %broadcast_in_dim3A_59 = vector.broadcast %broadcast_in_dim3A_58 : f32 to vector<16xf32>
    %swap3A_60 = arith.constant 160 : index
    %swap3A_61 = tpu.vector_load %arg6[%swap3A_60] {strides = array<i32>} : memref<640xf32, #tpu.memory_space<vmem>>, vector<16xf32>,
    %swap3A_62 = vector.shape_cast %swap3A_61 : vector<16xf32> to vector<16xf32>
    %swap3A_63 = vector.shape_cast %broadcast_in_dim3A_59 : vector<16xf32> to vector<16xf32>
    tpu.vector_store %arg6[%swap3A_60], %swap3A_63 {strides = array<i32>} : memref<640xf32, #tpu.memory_space<vmem>>, vector<16xf32>,
    %broadcast_in_dim3A_64 = arith.constant 0.000000e+00 : f32
    %broadcast_in_dim3A_65 = vector.broadcast %broadcast_in_dim3A_64 : f32 to vector<16xf32>
    %swap3A_66 = arith.constant 176 : index
    %swap3A_67 = tpu.vector_load %arg6[%swap3A_66] {strides = array<i32>} : memref<640xf32, #tpu.memory_space<vmem>>, vector<16xf32>,
    %swap3A_68 = vector.shape_cast %swap3A_67 : vector<16xf32> to vector<16xf32>
    %swap3A_69 = vector.shape_cast %broadcast_in_dim3A_65 : vector<16xf32> to vector<16xf32>
    tpu.vector_store %arg6[%swap3A_66], %swap3A_69 {strides = array<i32>} : memref<640xf32, #tpu.memory_space<vmem>>, vector<16xf32>,
    %broadcast_in_dim3A_70 = arith.constant 0.000000e+00 : f32
    %broadcast_in_dim3A_71 = vector.broadcast %broadcast_in_dim3A_70 : f32 to vector<16xf32>
    %swap3A_72 = arith.constant 192 : index
    %swap3A_73 = tpu.vector_load %arg6[%swap3A_72] {strides = array<i32>} : memref<640xf32, #tpu.memory_space<vmem>>, vector<16xf32>,
    %swap3A_74 = vector.shape_cast %swap3A_73 : vector<16xf32> to vector<16xf32>
    %swap3A_75 = vector.shape_cast %broadcast_in_dim3A_71 : vector<16xf32> to vector<16xf32>
    tpu.vector_store %arg6[%swap3A_72], %swap3A_75 {strides = array<i32>} : memref<640xf32, #tpu.memory_space<vmem>>, vector<16xf32>,
    %broadcast_in_dim3A_76 = arith.constant 0.000000e+00 : f32
    %broadcast_in_dim3A_77 = vector.broadcast %broadcast_in_dim3A_76 : f32 to vector<16xf32>
    %swap3A_78 = arith.constant 208 : index
    %swap3A_79 = tpu.vector_load %arg6[%swap3A_78] {strides = array<i32>} : memref<640xf32, #tpu.memory_space<vmem>>, vector<16xf32>,
    %swap3A_80 = vector.shape_cast %swap3A_79 : vector<16xf32> to vector<16xf32>
    %swap3A_81 = vector.shape_cast %broadcast_in_dim3A_77 : vector<16xf32> to vector<16xf32>
    tpu.vector_store %arg6[%swap3A_78], %swap3A_81 {strides = array<i32>} : memref<640xf32, #tpu.memory_space<vmem>>, vector<16xf32>,
    %broadcast_in_dim3A_82 = arith.constant 0.000000e+00 : f32
    %broadcast_in_dim3A_83 = vector.broadcast %broadcast_in_dim3A_82 : f32 to vector<16xf32>
    %swap3A_84 = arith.constant 224 : index
    %swap3A_85 = tpu.vector_load %arg6[%swap3A_84] {strides = array<i32>} : memref<640xf32, #tpu.memory_space<vmem>>, vector<16xf32>,
    %swap3A_86 = vector.shape_cast %swap3A_85 : vector<16xf32> to vector<16xf32>
    %swap3A_87 = vector.shape_cast %broadcast_in_dim3A_83 : vector<16xf32> to vector<16xf32>
    tpu.vector_store %arg6[%swap3A_84], %swap3A_87 {strides = array<i32>} : memref<640xf32, #tpu.memory_space<vmem>>, vector<16xf32>,
    %broadcast_in_dim3A_88 = arith.constant 0.000000e+00 : f32
    %broadcast_in_dim3A_89 = vector.broadcast %broadcast_in_dim3A_88 : f32 to vector<16xf32>
    %swap3A_90 = arith.constant 240 : index
    %swap3A_91 = tpu.vector_load %arg6[%swap3A_90] {strides = array<i32>} : memref<640xf32, #tpu.memory_space<vmem>>, vector<16xf32>,
    %swap3A_92 = vector.shape_cast %swap3A_91 : vector<16xf32> to vector<16xf32>
    %swap3A_93 = vector.shape_cast %broadcast_in_dim3A_89 : vector<16xf32> to vector<16xf32>
    tpu.vector_store %arg6[%swap3A_90], %swap3A_93 {strides = array<i32>} : memref<640xf32, #tpu.memory_space<vmem>>, vector<16xf32>,
    %broadcast_in_dim3A_94 = arith.constant 0.000000e+00 : f32
    %broadcast_in_dim3A_95 = vector.broadcast %broadcast_in_dim3A_94 : f32 to vector<16xf32>
    %swap3A_96 = arith.constant 256 : index
    %swap3A_97 = tpu.vector_load %arg6[%swap3A_96] {strides = array<i32>} : memref<640xf32, #tpu.memory_space<vmem>>, vector<16xf32>,
    %swap3A_98 = vector.shape_cast %swap3A_97 : vector<16xf32> to vector<16xf32>
    %swap3A_99 = vector.shape_cast %broadcast_in_dim3A_95 : vector<16xf32> to vector<16xf32>
    tpu.vector_store %arg6[%swap3A_96], %swap3A_99 {strides = array<i32>} : memref<640xf32, #tpu.memory_space<vmem>>, vector<16xf32>,
    %broadcast_in_dim3A_100 = arith.constant 0.000000e+00 : f32
    %broadcast_in_dim3A_101 = vector.broadcast %broadcast_in_dim3A_100 : f32 to vector<16xf32>
    %swap3A_102 = arith.constant 272 : index
    %swap3A_103 = tpu.vector_load %arg6[%swap3A_102] {strides = array<i32>} : memref<640xf32, #tpu.memory_space<vmem>>, vector<16xf32>,
    %swap3A_104 = vector.shape_cast %swap3A_103 : vector<16xf32> to vector<16xf32>
    %swap3A_105 = vector.shape_cast %broadcast_in_dim3A_101 : vector<16xf32> to vector<16xf32>
    tpu.vector_store %arg6[%swap3A_102], %swap3A_105 {strides = array<i32>} : memref<640xf32, #tpu.memory_space<vmem>>, vector<16xf32>,
    %broadcast_in_dim3A_106 = arith.constant 0.000000e+00 : f32
    %broadcast_in_dim3A_107 = vector.broadcast %broadcast_in_dim3A_106 : f32 to vector<16xf32>
    %swap3A_108 = arith.constant 288 : index
    %swap3A_109 = tpu.vector_load %arg6[%swap3A_108] {strides = array<i32>} : memref<640xf32, #tpu.memory_space<vmem>>, vector<16xf32>,
    %swap3A_110 = vector.shape_cast %swap3A_109 : vector<16xf32> to vector<16xf32>
    %swap3A_111 = vector.shape_cast %broadcast_in_dim3A_107 : vector<16xf32> to vector<16xf32>
    tpu.vector_store %arg6[%swap3A_108], %swap3A_111 {strides = array<i32>} : memref<640xf32, #tpu.memory_space<vmem>>, vector<16xf32>,
    %broadcast_in_dim3A_112 = arith.constant 0.000000e+00 : f32
    %broadcast_in_dim3A_113 = vector.broadcast %broadcast_in_dim3A_112 : f32 to vector<16xf32>
    %swap3A_114 = arith.constant 304 : index
    %swap3A_115 = tpu.vector_load %arg6[%swap3A_114] {strides = array<i32>} : memref<640xf32, #tpu.memory_space<vmem>>, vector<16xf32>,
    %swap3A_116 = vector.shape_cast %swap3A_115 : vector<16xf32> to vector<16xf32>
    %swap3A_117 = vector.shape_cast %broadcast_in_dim3A_113 : vector<16xf32> to vector<16xf32>
    tpu.vector_store %arg6[%swap3A_114], %swap3A_117 {strides = array<i32>} : memref<640xf32, #tpu.memory_space<vmem>>, vector<16xf32>,
    %broadcast_in_dim3A_118 = arith.constant 0.000000e+00 : f32
    %broadcast_in_dim3A_119 = vector.broadcast %broadcast_in_dim3A_118 : f32 to vector<16xf32>
    %swap3A_120 = arith.constant 320 : index
    %swap3A_121 = tpu.vector_load %arg6[%swap3A_120] {strides = array<i32>} : memref<640xf32, #tpu.memory_space<vmem>>, vector<16xf32>,
    %swap3A_122 = vector.shape_cast %swap3A_121 : vector<16xf32> to vector<16xf32>
    %swap3A_123 = vector.shape_cast %broadcast_in_dim3A_119 : vector<16xf32> to vector<16xf32>
    tpu.vector_store %arg6[%swap3A_120], %swap3A_123 {strides = array<i32>} : memref<640xf32, #tpu.memory_space<vmem>>, vector<16xf32>,
    %broadcast_in_dim3A_124 = arith.constant 0.000000e+00 : f32
    %broadcast_in_dim3A_125 = vector.broadcast %broadcast_in_dim3A_124 : f32 to vector<16xf32>
    %swap3A_126 = arith.constant 336 : index
    %swap3A_127 = tpu.vector_load %arg6[%swap3A_126] {strides = array<i32>} : memref<640xf32, #tpu.memory_space<vmem>>, vector<16xf32>,
    %swap3A_128 = vector.shape_cast %swap3A_127 : vector<16xf32> to vector<16xf32>
    %swap3A_129 = vector.shape_cast %broadcast_in_dim3A_125 : vector<16xf32> to vector<16xf32>
    tpu.vector_store %arg6[%swap3A_126], %swap3A_129 {strides = array<i32>} : memref<640xf32, #tpu.memory_space<vmem>>, vector<16xf32>,
    %broadcast_in_dim3A_130 = arith.constant 0.000000e+00 : f32
    %broadcast_in_dim3A_131 = vector.broadcast %broadcast_in_dim3A_130 : f32 to vector<16xf32>
    %swap3A_132 = arith.constant 352 : index
    %swap3A_133 = tpu.vector_load %arg6[%swap3A_132] {strides = array<i32>} : memref<640xf32, #tpu.memory_space<vmem>>, vector<16xf32>,
    %swap3A_134 = vector.shape_cast %swap3A_133 : vector<16xf32> to vector<16xf32>
    %swap3A_135 = vector.shape_cast %broadcast_in_dim3A_131 : vector<16xf32> to vector<16xf32>
    tpu.vector_store %arg6[%swap3A_132], %swap3A_135 {strides = array<i32>} : memref<640xf32, #tpu.memory_space<vmem>>, vector<16xf32>,
    %broadcast_in_dim3A_136 = arith.constant 0.000000e+00 : f32
    %broadcast_in_dim3A_137 = vector.broadcast %broadcast_in_dim3A_136 : f32 to vector<16xf32>
    %swap3A_138 = arith.constant 368 : index
    %swap3A_139 = tpu.vector_load %arg6[%swap3A_138] {strides = array<i32>} : memref<640xf32, #tpu.memory_space<vmem>>, vector<16xf32>,
    %swap3A_140 = vector.shape_cast %swap3A_139 : vector<16xf32> to vector<16xf32>
    %swap3A_141 = vector.shape_cast %broadcast_in_dim3A_137 : vector<16xf32> to vector<16xf32>
    tpu.vector_store %arg6[%swap3A_138], %swap3A_141 {strides = array<i32>} : memref<640xf32, #tpu.memory_space<vmem>>, vector<16xf32>,
    %broadcast_in_dim3A_142 = arith.constant 0.000000e+00 : f32
    %broadcast_in_dim3A_143 = vector.broadcast %broadcast_in_dim3A_142 : f32 to vector<16xf32>
    %swap3A_144 = arith.constant 384 : index
    %swap3A_145 = tpu.vector_load %arg6[%swap3A_144] {strides = array<i32>} : memref<640xf32, #tpu.memory_space<vmem>>, vector<16xf32>,
    %swap3A_146 = vector.shape_cast %swap3A_145 : vector<16xf32> to vector<16xf32>
    %swap3A_147 = vector.shape_cast %broadcast_in_dim3A_143 : vector<16xf32> to vector<16xf32>
    tpu.vector_store %arg6[%swap3A_144], %swap3A_147 {strides = array<i32>} : memref<640xf32, #tpu.memory_space<vmem>>, vector<16xf32>,
    %broadcast_in_dim3A_148 = arith.constant 0.000000e+00 : f32
    %broadcast_in_dim3A_149 = vector.broadcast %broadcast_in_dim3A_148 : f32 to vector<16xf32>
    %swap3A_150 = arith.constant 400 : index
    %swap3A_151 = tpu.vector_load %arg6[%swap3A_150] {strides = array<i32>} : memref<640xf32, #tpu.memory_space<vmem>>, vector<16xf32>,
    %swap3A_152 = vector.shape_cast %swap3A_151 : vector<16xf32> to vector<16xf32>
    %swap3A_153 = vector.shape_cast %broadcast_in_dim3A_149 : vector<16xf32> to vector<16xf32>
    tpu.vector_store %arg6[%swap3A_150], %swap3A_153 {strides = array<i32>} : memref<640xf32, #tpu.memory_space<vmem>>, vector<16xf32>,
    %broadcast_in_dim3A_154 = arith.constant 0.000000e+00 : f32
    %broadcast_in_dim3A_155 = vector.broadcast %broadcast_in_dim3A_154 : f32 to vector<16xf32>
    %swap3A_156 = arith.constant 416 : index
    %swap3A_157 = tpu.vector_load %arg6[%swap3A_156] {strides = array<i32>} : memref<640xf32, #tpu.memory_space<vmem>>, vector<16xf32>,
    %swap3A_158 = vector.shape_cast %swap3A_157 : vector<16xf32> to vector<16xf32>
    %swap3A_159 = vector.shape_cast %broadcast_in_dim3A_155 : vector<16xf32> to vector<16xf32>
    tpu.vector_store %arg6[%swap3A_156], %swap3A_159 {strides = array<i32>} : memref<640xf32, #tpu.memory_space<vmem>>, vector<16xf32>,
    %broadcast_in_dim3A_160 = arith.constant 0.000000e+00 : f32
    %broadcast_in_dim3A_161 = vector.broadcast %broadcast_in_dim3A_160 : f32 to vector<16xf32>
    %swap3A_162 = arith.constant 432 : index
    %swap3A_163 = tpu.vector_load %arg6[%swap3A_162] {strides = array<i32>} : memref<640xf32, #tpu.memory_space<vmem>>, vector<16xf32>,
    %swap3A_164 = vector.shape_cast %swap3A_163 : vector<16xf32> to vector<16xf32>
    %swap3A_165 = vector.shape_cast %broadcast_in_dim3A_161 : vector<16xf32> to vector<16xf32>
    tpu.vector_store %arg6[%swap3A_162], %swap3A_165 {strides = array<i32>} : memref<640xf32, #tpu.memory_space<vmem>>, vector<16xf32>,
    %broadcast_in_dim3A_166 = arith.constant 0.000000e+00 : f32
    %broadcast_in_dim3A_167 = vector.broadcast %broadcast_in_dim3A_166 : f32 to vector<16xf32>
    %swap3A_168 = arith.constant 448 : index
    %swap3A_169 = tpu.vector_load %arg6[%swap3A_168] {strides = array<i32>} : memref<640xf32, #tpu.memory_space<vmem>>, vector<16xf32>,
    %swap3A_170 = vector.shape_cast %swap3A_169 : vector<16xf32> to vector<16xf32>
    %swap3A_171 = vector.shape_cast %broadcast_in_dim3A_167 : vector<16xf32> to vector<16xf32>
    tpu.vector_store %arg6[%swap3A_168], %swap3A_171 {strides = array<i32>} : memref<640xf32, #tpu.memory_space<vmem>>, vector<16xf32>,
    %broadcast_in_dim3A_172 = arith.constant 0.000000e+00 : f32
    %broadcast_in_dim3A_173 = vector.broadcast %broadcast_in_dim3A_172 : f32 to vector<16xf32>
    %swap3A_174 = arith.constant 464 : index
    %swap3A_175 = tpu.vector_load %arg6[%swap3A_174] {strides = array<i32>} : memref<640xf32, #tpu.memory_space<vmem>>, vector<16xf32>,
    %swap3A_176 = vector.shape_cast %swap3A_175 : vector<16xf32> to vector<16xf32>
    %swap3A_177 = vector.shape_cast %broadcast_in_dim3A_173 : vector<16xf32> to vector<16xf32>
    tpu.vector_store %arg6[%swap3A_174], %swap3A_177 {strides = array<i32>} : memref<640xf32, #tpu.memory_space<vmem>>, vector<16xf32>,
    %broadcast_in_dim3A_178 = arith.constant 0.000000e+00 : f32
    %broadcast_in_dim3A_179 = vector.broadcast %broadcast_in_dim3A_178 : f32 to vector<16xf32>
    %swap3A_180 = arith.constant 480 : index
    %swap3A_181 = tpu.vector_load %arg6[%swap3A_180] {strides = array<i32>} : memref<640xf32, #tpu.memory_space<vmem>>, vector<16xf32>,
    %swap3A_182 = vector.shape_cast %swap3A_181 : vector<16xf32> to vector<16xf32>
    %swap3A_183 = vector.shape_cast %broadcast_in_dim3A_179 : vector<16xf32> to vector<16xf32>
    tpu.vector_store %arg6[%swap3A_180], %swap3A_183 {strides = array<i32>} : memref<640xf32, #tpu.memory_space<vmem>>, vector<16xf32>,
    %broadcast_in_dim3A_184 = arith.constant 0.000000e+00 : f32
    %broadcast_in_dim3A_185 = vector.broadcast %broadcast_in_dim3A_184 : f32 to vector<16xf32>
    %swap3A_186 = arith.constant 496 : index
    %swap3A_187 = tpu.vector_load %arg6[%swap3A_186] {strides = array<i32>} : memref<640xf32, #tpu.memory_space<vmem>>, vector<16xf32>,
    %swap3A_188 = vector.shape_cast %swap3A_187 : vector<16xf32> to vector<16xf32>
    %swap3A_189 = vector.shape_cast %broadcast_in_dim3A_185 : vector<16xf32> to vector<16xf32>
    tpu.vector_store %arg6[%swap3A_186], %swap3A_189 {strides = array<i32>} : memref<640xf32, #tpu.memory_space<vmem>>, vector<16xf32>,
    %broadcast_in_dim3A_190 = arith.constant 0.000000e+00 : f32
    %broadcast_in_dim3A_191 = vector.broadcast %broadcast_in_dim3A_190 : f32 to vector<16xf32>
    %swap3A_192 = arith.constant 512 : index
    %swap3A_193 = tpu.vector_load %arg6[%swap3A_192] {strides = array<i32>} : memref<640xf32, #tpu.memory_space<vmem>>, vector<16xf32>,
    %swap3A_194 = vector.shape_cast %swap3A_193 : vector<16xf32> to vector<16xf32>
    %swap3A_195 = vector.shape_cast %broadcast_in_dim3A_191 : vector<16xf32> to vector<16xf32>
    tpu.vector_store %arg6[%swap3A_192], %swap3A_195 {strides = array<i32>} : memref<640xf32, #tpu.memory_space<vmem>>, vector<16xf32>,
    %broadcast_in_dim3A_196 = arith.constant 0.000000e+00 : f32
    %broadcast_in_dim3A_197 = vector.broadcast %broadcast_in_dim3A_196 : f32 to vector<16xf32>
    %swap3A_198 = arith.constant 528 : index
    %swap3A_199 = tpu.vector_load %arg6[%swap3A_198] {strides = array<i32>} : memref<640xf32, #tpu.memory_space<vmem>>, vector<16xf32>,
    %swap3A_200 = vector.shape_cast %swap3A_199 : vector<16xf32> to vector<16xf32>
    %swap3A_201 = vector.shape_cast %broadcast_in_dim3A_197 : vector<16xf32> to vector<16xf32>
    tpu.vector_store %arg6[%swap3A_198], %swap3A_201 {strides = array<i32>} : memref<640xf32, #tpu.memory_space<vmem>>, vector<16xf32>,
    %broadcast_in_dim3A_202 = arith.constant 0.000000e+00 : f32
    %broadcast_in_dim3A_203 = vector.broadcast %broadcast_in_dim3A_202 : f32 to vector<16xf32>
    %swap3A_204 = arith.constant 544 : index
    %swap3A_205 = tpu.vector_load %arg6[%swap3A_204] {strides = array<i32>} : memref<640xf32, #tpu.memory_space<vmem>>, vector<16xf32>,
    %swap3A_206 = vector.shape_cast %swap3A_205 : vector<16xf32> to vector<16xf32>
    %swap3A_207 = vector.shape_cast %broadcast_in_dim3A_203 : vector<16xf32> to vector<16xf32>
    tpu.vector_store %arg6[%swap3A_204], %swap3A_207 {strides = array<i32>} : memref<640xf32, #tpu.memory_space<vmem>>, vector<16xf32>,
    %broadcast_in_dim3A_208 = arith.constant 0.000000e+00 : f32
    %broadcast_in_dim3A_209 = vector.broadcast %broadcast_in_dim3A_208 : f32 to vector<16xf32>
    %swap3A_210 = arith.constant 560 : index
    %swap3A_211 = tpu.vector_load %arg6[%swap3A_210] {strides = array<i32>} : memref<640xf32, #tpu.memory_space<vmem>>, vector<16xf32>,
    %swap3A_212 = vector.shape_cast %swap3A_211 : vector<16xf32> to vector<16xf32>
    %swap3A_213 = vector.shape_cast %broadcast_in_dim3A_209 : vector<16xf32> to vector<16xf32>
    tpu.vector_store %arg6[%swap3A_210], %swap3A_213 {strides = array<i32>} : memref<640xf32, #tpu.memory_space<vmem>>, vector<16xf32>,
    %broadcast_in_dim3A_214 = arith.constant 0.000000e+00 : f32
    %broadcast_in_dim3A_215 = vector.broadcast %broadcast_in_dim3A_214 : f32 to vector<16xf32>
    %swap3A_216 = arith.constant 576 : index
    %swap3A_217 = tpu.vector_load %arg6[%swap3A_216] {strides = array<i32>} : memref<640xf32, #tpu.memory_space<vmem>>, vector<16xf32>,
    %swap3A_218 = vector.shape_cast %swap3A_217 : vector<16xf32> to vector<16xf32>
    %swap3A_219 = vector.shape_cast %broadcast_in_dim3A_215 : vector<16xf32> to vector<16xf32>
    tpu.vector_store %arg6[%swap3A_216], %swap3A_219 {strides = array<i32>} : memref<640xf32, #tpu.memory_space<vmem>>, vector<16xf32>,
    %broadcast_in_dim3A_220 = arith.constant 0.000000e+00 : f32
    %broadcast_in_dim3A_221 = vector.broadcast %broadcast_in_dim3A_220 : f32 to vector<16xf32>
    %swap3A_222 = arith.constant 592 : index
    %swap3A_223 = tpu.vector_load %arg6[%swap3A_222] {strides = array<i32>} : memref<640xf32, #tpu.memory_space<vmem>>, vector<16xf32>,
    %swap3A_224 = vector.shape_cast %swap3A_223 : vector<16xf32> to vector<16xf32>
    %swap3A_225 = vector.shape_cast %broadcast_in_dim3A_221 : vector<16xf32> to vector<16xf32>
    tpu.vector_store %arg6[%swap3A_222], %swap3A_225 {strides = array<i32>} : memref<640xf32, #tpu.memory_space<vmem>>, vector<16xf32>,
    %broadcast_in_dim3A_226 = arith.constant 0.000000e+00 : f32
    %broadcast_in_dim3A_227 = vector.broadcast %broadcast_in_dim3A_226 : f32 to vector<16xf32>
    %swap3A_228 = arith.constant 608 : index
    %swap3A_229 = tpu.vector_load %arg6[%swap3A_228] {strides = array<i32>} : memref<640xf32, #tpu.memory_space<vmem>>, vector<16xf32>,
    %swap3A_230 = vector.shape_cast %swap3A_229 : vector<16xf32> to vector<16xf32>
    %swap3A_231 = vector.shape_cast %broadcast_in_dim3A_227 : vector<16xf32> to vector<16xf32>
    tpu.vector_store %arg6[%swap3A_228], %swap3A_231 {strides = array<i32>} : memref<640xf32, #tpu.memory_space<vmem>>, vector<16xf32>,
    %broadcast_in_dim3A_232 = arith.constant 0.000000e+00 : f32
    %broadcast_in_dim3A_233 = vector.broadcast %broadcast_in_dim3A_232 : f32 to vector<16xf32>
    %swap3A_234 = arith.constant 624 : index
    %swap3A_235 = tpu.vector_load %arg6[%swap3A_234] {strides = array<i32>} : memref<640xf32, #tpu.memory_space<vmem>>, vector<16xf32>,
    %swap3A_236 = vector.shape_cast %swap3A_235 : vector<16xf32> to vector<16xf32>
    %swap3A_237 = vector.shape_cast %broadcast_in_dim3A_233 : vector<16xf32> to vector<16xf32>
    tpu.vector_store %arg6[%swap3A_234], %swap3A_237 {strides = array<i32>} : memref<640xf32, #tpu.memory_space<vmem>>, vector<16xf32>,
    %broadcast_in_dim3A_238 = arith.constant 1.000000e+00 : f32
    %broadcast_in_dim3A_239 = vector.broadcast %broadcast_in_dim3A_238 : f32 to vector<16xf32>
    %swap3A_240 = arith.constant 0 : index
    %swap3A_241 = tpu.vector_load %arg5[%swap3A_240] {strides = array<i32>} : memref<64xf32, #tpu.memory_space<vmem>>, vector<16xf32>,
    %swap3A_242 = vector.shape_cast %swap3A_241 : vector<16xf32> to vector<16xf32>
    %swap3A_243 = vector.shape_cast %broadcast_in_dim3A_239 : vector<16xf32> to vector<16xf32>
    tpu.vector_store %arg5[%swap3A_240], %swap3A_243 {strides = array<i32>} : memref<64xf32, #tpu.memory_space<vmem>>, vector<16xf32>,
    %broadcast_in_dim3A_244 = arith.constant 1.000000e+00 : f32
    %broadcast_in_dim3A_245 = vector.broadcast %broadcast_in_dim3A_244 : f32 to vector<16xf32>
    %swap3A_246 = arith.constant 16 : index
    %swap3A_247 = tpu.vector_load %arg5[%swap3A_246] {strides = array<i32>} : memref<64xf32, #tpu.memory_space<vmem>>, vector<16xf32>,
    %swap3A_248 = vector.shape_cast %swap3A_247 : vector<16xf32> to vector<16xf32>
    %swap3A_249 = vector.shape_cast %broadcast_in_dim3A_245 : vector<16xf32> to vector<16xf32>
    tpu.vector_store %arg5[%swap3A_246], %swap3A_249 {strides = array<i32>} : memref<64xf32, #tpu.memory_space<vmem>>, vector<16xf32>,
    %broadcast_in_dim3A_250 = arith.constant 1.000000e+00 : f32
    %broadcast_in_dim3A_251 = vector.broadcast %broadcast_in_dim3A_250 : f32 to vector<16xf32>
    %swap3A_252 = arith.constant 32 : index
    %swap3A_253 = tpu.vector_load %arg5[%swap3A_252] {strides = array<i32>} : memref<64xf32, #tpu.memory_space<vmem>>, vector<16xf32>,
    %swap3A_254 = vector.shape_cast %swap3A_253 : vector<16xf32> to vector<16xf32>
    %swap3A_255 = vector.shape_cast %broadcast_in_dim3A_251 : vector<16xf32> to vector<16xf32>
    tpu.vector_store %arg5[%swap3A_252], %swap3A_255 {strides = array<i32>} : memref<64xf32, #tpu.memory_space<vmem>>, vector<16xf32>,
    %broadcast_in_dim3A_256 = arith.constant 1.000000e+00 : f32
    %broadcast_in_dim3A_257 = vector.broadcast %broadcast_in_dim3A_256 : f32 to vector<16xf32>
    %swap3A_258 = arith.constant 48 : index
    %swap3A_259 = tpu.vector_load %arg5[%swap3A_258] {strides = array<i32>} : memref<64xf32, #tpu.memory_space<vmem>>, vector<16xf32>,
    %swap3A_260 = vector.shape_cast %swap3A_259 : vector<16xf32> to vector<16xf32>
    %swap3A_261 = vector.shape_cast %broadcast_in_dim3A_257 : vector<16xf32> to vector<16xf32>
    tpu.vector_store %arg5[%swap3A_258], %swap3A_261 {strides = array<i32>} : memref<64xf32, #tpu.memory_space<vmem>>, vector<16xf32>,
    "tpu.region"() ({
      %run_scoped3A = tpu.sem_alloc : memref<!tpu.dma_semaphore, #tpu.memory_space<semaphore_mem>>
      %dma_start3A = arith.constant 0 : i32
      %dma_start3A_279 = arith.constant 0 : i32
      %dma_start3A_280 = tpu.memref_slice %arg2[%arg1, %dma_start3A, %dma_start3A_279] : memref<16x160x64xi32, #tpu.memory_space<hbm>> -> memref<1x160x64xi32, #tpu.memory_space<hbm>>
      %dma_start3A_281 = tpu.memref_squeeze %dma_start3A_280 : memref<1x160x64xi32, #tpu.memory_space<hbm>> -> memref<160x64xi32, #tpu.memory_space<hbm>>
      %dma_start3A_282 = arith.constant 0 : i32
      %dma_start3A_283 = arith.constant 0 : i32
      %dma_start3A_284 = tpu.memref_slice %arg2[%arg1, %dma_start3A_282, %dma_start3A_283] : memref<16x160x64xi32, #tpu.memory_space<hbm>> -> memref<1x160x64xi32, #tpu.memory_space<hbm>>
      %dma_start3A_285 = tpu.memref_squeeze %dma_start3A_284 : memref<1x160x64xi32, #tpu.memory_space<hbm>> -> memref<160x64xi32, #tpu.memory_space<hbm>>
      tpu.enqueue_dma source(%dma_start3A_285 : memref<160x64xi32, #tpu.memory_space<hbm>>) target(%arg4 : memref<160x64xi32, #tpu.memory_space<vmem>>) target_semaphore(%run_scoped3A : memref<!tpu.dma_semaphore, #tpu.memory_space<semaphore_mem>>)
      %dma_wait3A = arith.constant 0 : i32
      %dma_wait3A_286 = arith.constant 0 : i32
      %dma_wait3A_287 = tpu.memref_slice %arg2[%arg1, %dma_wait3A, %dma_wait3A_286] : memref<16x160x64xi32, #tpu.memory_space<hbm>> -> memref<1x160x64xi32, #tpu.memory_space<hbm>>
      %dma_wait3A_288 = tpu.memref_squeeze %dma_wait3A_287 : memref<1x160x64xi32, #tpu.memory_space<hbm>> -> memref<160x64xi32, #tpu.memory_space<hbm>>
      %dma_wait3A_289 = arith.constant 0 : i32
      %dma_wait3A_290 = arith.constant 0 : i32
      %dma_wait3A_291 = tpu.memref_slice %arg2[%arg1, %dma_wait3A_289, %dma_wait3A_290] : memref<16x160x64xi32, #tpu.memory_space<hbm>> -> memref<1x160x64xi32, #tpu.memory_space<hbm>>
      %dma_wait3A_292 = tpu.memref_squeeze %dma_wait3A_291 : memref<1x160x64xi32, #tpu.memory_space<hbm>> -> memref<160x64xi32, #tpu.memory_space<hbm>>
      tpu.wait_dma2 semaphore(%run_scoped3A : memref<!tpu.dma_semaphore, #tpu.memory_space<semaphore_mem>>) src(%dma_wait3A_292 : memref<160x64xi32, #tpu.memory_space<hbm>>) dst(%arg4 : memref<160x64xi32, #tpu.memory_space<vmem>>)
      tpu.yield
    }) : () -> ()
    %mul3A = arith.constant 640 : i32
    %mul3A_262 = arith.muli %arg1, %mul3A : i32
    "tpu.region"() ({
      %run_scoped3A = tpu.sem_alloc : memref<!tpu.dma_semaphore, #tpu.memory_space<semaphore_mem>>
      %dma_start3A = tpu.memref_slice %arg8[%mul3A_262] : memref<10240xf32, #tpu.memory_space<vmem_shared>> -> memref<640xf32, #tpu.memory_space<vmem_shared>>
      %dma_start3A_279 = tpu.memref_slice %arg8[%mul3A_262] : memref<10240xf32, #tpu.memory_space<vmem_shared>> -> memref<640xf32, #tpu.memory_space<vmem_shared>>
      tpu.enqueue_dma source(%arg6 : memref<640xf32, #tpu.memory_space<vmem>>) target(%dma_start3A_279 : memref<640xf32, #tpu.memory_space<vmem_shared>>) target_semaphore(%run_scoped3A : memref<!tpu.dma_semaphore, #tpu.memory_space<semaphore_mem>>)
      %dma_wait3A = tpu.memref_slice %arg8[%mul3A_262] : memref<10240xf32, #tpu.memory_space<vmem_shared>> -> memref<640xf32, #tpu.memory_space<vmem_shared>>
      %dma_wait3A_280 = tpu.memref_slice %arg8[%mul3A_262] : memref<10240xf32, #tpu.memory_space<vmem_shared>> -> memref<640xf32, #tpu.memory_space<vmem_shared>>
      tpu.wait_dma2 semaphore(%run_scoped3A : memref<!tpu.dma_semaphore, #tpu.memory_space<semaphore_mem>>) src(%arg6 : memref<640xf32, #tpu.memory_space<vmem>>) dst(%dma_wait3A_280 : memref<640xf32, #tpu.memory_space<vmem_shared>>)
      tpu.yield
    }) : () -> ()
    %barrier3A = arith.constant 0 : index
    tpu.barrier barrier_id(%barrier3A)
    %scan3A = arith.constant 0 : i32
    %scan3A_263 = arith.constant 0 : i32
    %scan3A_264 = arith.constant 160 : i32
    %scan3A_265 = arith.addi %scan3A_263, %scan3A_264 : i32
    %scan3A_266 = arith.constant 1 : i32
    scf.for %scan3A_279 = %scan3A_263 to %scan3A_265 step %scan3A_266  : i32 {
      %dma_start3A = arith.constant 0 : i32
      %dma_start3A_280 = tpu.memref_slice %arg4[%scan3A_279, %dma_start3A] : memref<160x64xi32, #tpu.memory_space<vmem>> -> memref<1x64xi32, #tpu.memory_space<vmem>>
      %dma_start3A_281 = tpu.memref_squeeze %dma_start3A_280 : memref<1x64xi32, #tpu.memory_space<vmem>> -> memref<64xi32, #tpu.memory_space<vmem>>
      %dma_start3A_282 = arith.constant 0 : i32
      %dma_start3A_283 = tpu.memref_slice %arg8[%dma_start3A_282] : memref<10240xf32, #tpu.memory_space<vmem_shared>> -> memref<10240xf32, #tpu.memory_space<vmem_shared>>
      tpu.enqueue_indirect_dma source(%arg5 : memref<64xf32, #tpu.memory_space<vmem>>) target(%dma_start3A_283 : memref<10240xf32, #tpu.memory_space<vmem_shared>>) offsets(%dma_start3A_281 : memref<64xi32, #tpu.memory_space<vmem>>) semaphore(%arg7 : memref<!tpu.dma_semaphore, #tpu.memory_space<semaphore_mem>>) {add = true}
    }
    %scan3A_267 = arith.constant 160 : i32
    %scan3A_268 = arith.constant 0 : i32
    %scan3A_269 = arith.constant 0 : i32
    %scan3A_270 = arith.constant 160 : i32
    %scan3A_271 = arith.addi %scan3A_269, %scan3A_270 : i32
    %scan3A_272 = arith.constant 1 : i32
    scf.for %scan3A_279 = %scan3A_269 to %scan3A_271 step %scan3A_272  : i32 {
      %dma_wait3A = arith.constant 0 : i32
      %dma_wait3A_280 = tpu.memref_slice %arg4[%scan3A_279, %dma_wait3A] : memref<160x64xi32, #tpu.memory_space<vmem>> -> memref<1x64xi32, #tpu.memory_space<vmem>>
      %dma_wait3A_281 = tpu.memref_squeeze %dma_wait3A_280 : memref<1x64xi32, #tpu.memory_space<vmem>> -> memref<64xi32, #tpu.memory_space<vmem>>
      %dma_wait3A_282 = arith.constant 0 : i32
      %dma_wait3A_283 = tpu.memref_slice %arg8[%dma_wait3A_282] : memref<10240xf32, #tpu.memory_space<vmem_shared>> -> memref<10240xf32, #tpu.memory_space<vmem_shared>>
      tpu.wait_indirect_dma semaphore(%arg7 : memref<!tpu.dma_semaphore, #tpu.memory_space<semaphore_mem>>) src(%arg5 : memref<64xf32, #tpu.memory_space<vmem>>) dst(%dma_wait3A_283 : memref<10240xf32, #tpu.memory_space<vmem_shared>>)
    }
    %scan3A_273 = arith.constant 160 : i32
    %barrier3A_274 = arith.constant 0 : index
    tpu.barrier barrier_id(%barrier3A_274)
    %mul3A_275 = arith.constant 5120 : i32
    %mul3A_276 = arith.muli %arg0, %mul3A_275 : i32
    %mul3A_277 = arith.constant 320 : i32
    %mul3A_278 = arith.muli %arg1, %mul3A_277 : i32
    %add3A = arith.addi %mul3A_276, %mul3A_278 : i32
    "tpu.region"() ({
      %run_scoped3A = tpu.sem_alloc : memref<!tpu.dma_semaphore, #tpu.memory_space<semaphore_mem>>
      %dma_start3A = arith.constant 0 : i32
      %dma_start3A_279 = tpu.memref_slice %arg6[%dma_start3A] : memref<640xf32, #tpu.memory_space<vmem>> -> memref<320xf32, #tpu.memory_space<vmem>>
      %dma_start3A_280 = tpu.memref_slice %arg8[%add3A] : memref<10240xf32, #tpu.memory_space<vmem_shared>> -> memref<320xf32, #tpu.memory_space<vmem_shared>>
      %dma_start3A_281 = arith.constant 0 : i32
      %dma_start3A_282 = tpu.memref_slice %arg6[%dma_start3A_281] : memref<640xf32, #tpu.memory_space<vmem>> -> memref<320xf32, #tpu.memory_space<vmem>>
      %dma_start3A_283 = tpu.memref_slice %arg8[%add3A] : memref<10240xf32, #tpu.memory_space<vmem_shared>> -> memref<320xf32, #tpu.memory_space<vmem_shared>>
      tpu.enqueue_dma source(%dma_start3A_283 : memref<320xf32, #tpu.memory_space<vmem_shared>>) target(%dma_start3A_282 : memref<320xf32, #tpu.memory_space<vmem>>) target_semaphore(%run_scoped3A : memref<!tpu.dma_semaphore, #tpu.memory_space<semaphore_mem>>)
      %dma_wait3A = arith.constant 0 : i32
      %dma_wait3A_284 = tpu.memref_slice %arg6[%dma_wait3A] : memref<640xf32, #tpu.memory_space<vmem>> -> memref<320xf32, #tpu.memory_space<vmem>>
      %dma_wait3A_285 = tpu.memref_slice %arg8[%add3A] : memref<10240xf32, #tpu.memory_space<vmem_shared>> -> memref<320xf32, #tpu.memory_space<vmem_shared>>
      %dma_wait3A_286 = arith.constant 0 : i32
      %dma_wait3A_287 = tpu.memref_slice %arg6[%dma_wait3A_286] : memref<640xf32, #tpu.memory_space<vmem>> -> memref<320xf32, #tpu.memory_space<vmem>>
      %dma_wait3A_288 = tpu.memref_slice %arg8[%add3A] : memref<10240xf32, #tpu.memory_space<vmem_shared>> -> memref<320xf32, #tpu.memory_space<vmem_shared>>
      tpu.wait_dma2 semaphore(%run_scoped3A : memref<!tpu.dma_semaphore, #tpu.memory_space<semaphore_mem>>) src(%dma_wait3A_288 : memref<320xf32, #tpu.memory_space<vmem_shared>>) dst(%dma_wait3A_287 : memref<320xf32, #tpu.memory_space<vmem>>)
      tpu.yield
    }) : () -> ()
    "tpu.region"() ({
      %run_scoped3A = tpu.sem_alloc : memref<!tpu.dma_semaphore, #tpu.memory_space<semaphore_mem>>
      %dma_start3A = arith.constant 0 : i32
      %dma_start3A_279 = tpu.memref_slice %arg6[%dma_start3A] : memref<640xf32, #tpu.memory_space<vmem>> -> memref<320xf32, #tpu.memory_space<vmem>>
      %dma_start3A_280 = tpu.memref_slice %arg3[%add3A] : memref<10240xf32, #tpu.memory_space<hbm>> -> memref<320xf32, #tpu.memory_space<hbm>>
      %dma_start3A_281 = tpu.memref_slice %arg3[%add3A] : memref<10240xf32, #tpu.memory_space<hbm>> -> memref<320xf32, #tpu.memory_space<hbm>>
      %dma_start3A_282 = arith.constant 0 : i32
      %dma_start3A_283 = tpu.memref_slice %arg6[%dma_start3A_282] : memref<640xf32, #tpu.memory_space<vmem>> -> memref<320xf32, #tpu.memory_space<vmem>>
      tpu.enqueue_dma source(%dma_start3A_283 : memref<320xf32, #tpu.memory_space<vmem>>) target(%dma_start3A_281 : memref<320xf32, #tpu.memory_space<hbm>>) target_semaphore(%run_scoped3A : memref<!tpu.dma_semaphore, #tpu.memory_space<semaphore_mem>>)
      %dma_wait3A = arith.constant 0 : i32
      %dma_wait3A_284 = tpu.memref_slice %arg6[%dma_wait3A] : memref<640xf32, #tpu.memory_space<vmem>> -> memref<320xf32, #tpu.memory_space<vmem>>
      %dma_wait3A_285 = tpu.memref_slice %arg3[%add3A] : memref<10240xf32, #tpu.memory_space<hbm>> -> memref<320xf32, #tpu.memory_space<hbm>>
      %dma_wait3A_286 = tpu.memref_slice %arg3[%add3A] : memref<10240xf32, #tpu.memory_space<hbm>> -> memref<320xf32, #tpu.memory_space<hbm>>
      %dma_wait3A_287 = arith.constant 0 : i32
      %dma_wait3A_288 = tpu.memref_slice %arg6[%dma_wait3A_287] : memref<640xf32, #tpu.memory_space<vmem>> -> memref<320xf32, #tpu.memory_space<vmem>>
      tpu.wait_dma2 semaphore(%run_scoped3A : memref<!tpu.dma_semaphore, #tpu.memory_space<semaphore_mem>>) src(%dma_wait3A_288 : memref<320xf32, #tpu.memory_space<vmem>>) dst(%dma_wait3A_286 : memref<320xf32, #tpu.memory_space<hbm>>)
      tpu.yield
    }) : () -> ()
    return
  }
}

#map = affine_map<(d0, d1) -> (0, 0)>
#map1 = affine_map<(d0, d1) -> (0, 0, 0)>
module attributes {stable_mosaic.version = 14 : i64} {
  func.func @_sc_segsum(%arg0: i32, %arg1: i32, %arg2: memref<10000x128xf32, #tpu.memory_space<hbm>>, %arg3: memref<10000x128xf32, #tpu.memory_space<hbm>>, %arg4: memref<16x160x64xi32, #tpu.memory_space<hbm>>, %arg5: memref<16x160x64xi32, #tpu.memory_space<hbm>>, %arg6: memref<10240x128xf32, #tpu.memory_space<hbm>>, %arg7: memref<10240x128xf32, #tpu.memory_space<hbm>>, %arg8: memref<64xi32, #tpu.memory_space<vmem>>, %arg9: memref<64xi32, #tpu.memory_space<vmem>>, %arg10: memref<64xi32, #tpu.memory_space<vmem>>, %arg11: memref<64xi32, #tpu.memory_space<vmem>>, %arg12: memref<64xi32, #tpu.memory_space<vmem>>, %arg13: memref<64xi32, #tpu.memory_space<vmem>>, %arg14: memref<64xi32, #tpu.memory_space<vmem>>, %arg15: memref<64xi32, #tpu.memory_space<vmem>>, %arg16: memref<64x128xf32, #tpu.memory_space<vmem>>, %arg17: memref<64x128xf32, #tpu.memory_space<vmem>>, %arg18: memref<64x128xf32, #tpu.memory_space<vmem>>, %arg19: memref<64x128xf32, #tpu.memory_space<vmem>>, %arg20: memref<!tpu.dma_semaphore, #tpu.memory_space<semaphore_mem>>, %arg21: memref<!tpu.dma_semaphore, #tpu.memory_space<semaphore_mem>>, %arg22: memref<!tpu.dma_semaphore, #tpu.memory_space<semaphore_mem>>, %arg23: memref<!tpu.dma_semaphore, #tpu.memory_space<semaphore_mem>>, %arg24: memref<!tpu.dma_semaphore, #tpu.memory_space<semaphore_mem>>, %arg25: memref<!tpu.dma_semaphore, #tpu.memory_space<semaphore_mem>>, %arg26: memref<!tpu.dma_semaphore, #tpu.memory_space<semaphore_mem>>, %arg27: memref<!tpu.dma_semaphore, #tpu.memory_space<semaphore_mem>>, %arg28: memref<!tpu.dma_semaphore, #tpu.memory_space<semaphore_mem>>, %arg29: memref<!tpu.dma_semaphore, #tpu.memory_space<semaphore_mem>>, %arg30: memref<!tpu.dma_semaphore, #tpu.memory_space<semaphore_mem>>, %arg31: memref<!tpu.dma_semaphore, #tpu.memory_space<semaphore_mem>>, %arg32: memref<10240x128xf32, #tpu.memory_space<vmem_shared>>) attributes {dimension_semantics = [#tpu.dimension_semantics<core_parallel>, #tpu.dimension_semantics<subcore_parallel>], iteration_bounds = array<i64: 2, 16>, scalar_prefetch = 0 : i64, scratch_operands = 25 : i64, tpu.core_type = #tpu.core_type<sc_vector_subcore>, window_params = [{transform_indices = #map}, {transform_indices = #map}, {transform_indices = #map1}, {transform_indices = #map1}, {transform_indices = #map}, {transform_indices = #map}]} {
    %scan3A = arith.constant 0 : i32
    %scan3A_0 = arith.constant 0 : i32
    %scan3A_1 = arith.constant 512 : i32
    %scan3A_2 = arith.addi %scan3A_0, %scan3A_1 : i32
    %scan3A_3 = arith.constant 1 : i32
    scf.for %scan3A_177 = %scan3A_0 to %scan3A_2 step %scan3A_3  : i32 {
      %broadcast_in_dim3A = arith.constant 0.000000e+00 : f32
      %broadcast_in_dim3A_178 = vector.broadcast %broadcast_in_dim3A : f32 to vector<16xf32>
      %jit3A = arith.constant 8 : i32
      %div3A = arith.divsi %scan3A_177, %jit3A : i32
      %sign3A = arith.constant 0 : i32
      %sign3A_179 = arith.cmpi sgt, %scan3A_177, %sign3A : i32
      %sign3A_180 = arith.extui %sign3A_179 : i1 to i32
      %sign3A_181 = arith.constant 0 : i32
      %sign3A_182 = arith.cmpi slt, %scan3A_177, %sign3A_181 : i32
      %sign3A_183 = arith.extui %sign3A_182 : i1 to i32
      %sign3A_184 = arith.subi %sign3A_180, %sign3A_183 : i32
      %sign3A_185 = arith.constant 0 : i32
      %sign3A_186 = arith.cmpi sgt, %jit3A, %sign3A_185 : i32
      %sign3A_187 = arith.extui %sign3A_186 : i1 to i32
      %sign3A_188 = arith.constant 0 : i32
      %sign3A_189 = arith.cmpi slt, %jit3A, %sign3A_188 : i32
      %sign3A_190 = arith.extui %sign3A_189 : i1 to i32
      %sign3A_191 = arith.subi %sign3A_187, %sign3A_190 : i32
      %ne3A = arith.cmpi ne, %sign3A_184, %sign3A_191 : i32
      %rem3A = arith.remsi %scan3A_177, %jit3A : i32
      %ne3A_192 = arith.constant 0 : i32
      %ne3A_193 = arith.cmpi ne, %rem3A, %ne3A_192 : i32
      %and3A = arith.andi %ne3A, %ne3A_193 : i1
      %sub3A = arith.constant 1 : i32
      %sub3A_194 = arith.subi %div3A, %sub3A : i32
      %select_n3A = arith.select %and3A, %sub3A_194, %div3A : i32
      %jit3A_195 = arith.constant 8 : i32
      %eq3A_196 = arith.constant 0 : i32
      %eq3A_197 = arith.cmpi eq, %jit3A_195, %eq3A_196 : i32
      %jit3A_198 = arith.constant 1 : i32
      %select_n3A_199 = arith.select %eq3A_197, %jit3A_198, %jit3A_195 : i32
      %rem3A_200 = arith.remsi %scan3A_177, %select_n3A_199 : i32
      %ne3A_201 = arith.constant 0 : i32
      %ne3A_202 = arith.cmpi ne, %rem3A_200, %ne3A_201 : i32
      %lt3A = arith.constant 0 : i32
      %lt3A_203 = arith.cmpi slt, %rem3A_200, %lt3A : i32
      %lt3A_204 = arith.constant 0 : i32
      %lt3A_205 = arith.cmpi slt, %select_n3A_199, %lt3A_204 : i32
      %ne3A_206 = arith.xori %lt3A_203, %lt3A_205 : i1
      %and3A_207 = arith.andi %ne3A_206, %ne3A_202 : i1
      %add3A_208 = arith.addi %rem3A_200, %select_n3A_199 : i32
      %select_n3A_209 = arith.select %and3A_207, %add3A_208, %rem3A_200 : i32
      %mul3A_210 = arith.constant 16 : i32
      %mul3A_211 = arith.muli %select_n3A_209, %mul3A_210 : i32
      %swap3A = arith.index_cast %select_n3A : i32 to index
      %swap3A_212 = arith.index_cast %mul3A_211 : i32 to index
      %swap3A_213 = tpu.vector_load %arg16[%swap3A, %swap3A_212] {strides = array<i32>} : memref<64x128xf32, #tpu.memory_space<vmem>>, vector<1x16xf32>,
      %swap3A_214 = vector.shape_cast %swap3A_213 : vector<1x16xf32> to vector<16xf32>
      %swap3A_215 = vector.shape_cast %broadcast_in_dim3A_178 : vector<16xf32> to vector<1x16xf32>
      tpu.vector_store %arg16[%swap3A, %swap3A_212], %swap3A_215 {strides = array<i32>} : memref<64x128xf32, #tpu.memory_space<vmem>>, vector<1x16xf32>,
    }
    %scan3A_4 = arith.constant 512 : i32
    %mul3A = arith.constant 640 : i32
    %mul3A_5 = arith.muli %arg1, %mul3A : i32
    %add3A = arith.constant 0 : i32
    %add3A_6 = arith.addi %mul3A_5, %add3A : i32
    "tpu.region"() ({
      %run_scoped3A = tpu.sem_alloc : memref<!tpu.dma_semaphore, #tpu.memory_space<semaphore_mem>>
      %dma_start3A_177 = arith.constant 0 : i32
      %dma_start3A_178 = tpu.memref_slice %arg32[%add3A_6, %dma_start3A_177] : memref<10240x128xf32, #tpu.memory_space<vmem_shared>> -> memref<64x128xf32, #tpu.memory_space<vmem_shared>>
      %dma_start3A_179 = arith.constant 0 : i32
      %dma_start3A_180 = tpu.memref_slice %arg32[%add3A_6, %dma_start3A_179] : memref<10240x128xf32, #tpu.memory_space<vmem_shared>> -> memref<64x128xf32, #tpu.memory_space<vmem_shared>>
      tpu.enqueue_dma source(%arg16 : memref<64x128xf32, #tpu.memory_space<vmem>>) target(%dma_start3A_180 : memref<64x128xf32, #tpu.memory_space<vmem_shared>>) target_semaphore(%run_scoped3A : memref<!tpu.dma_semaphore, #tpu.memory_space<semaphore_mem>>)
      %dma_wait3A_181 = arith.constant 0 : i32
      %dma_wait3A_182 = tpu.memref_slice %arg32[%add3A_6, %dma_wait3A_181] : memref<10240x128xf32, #tpu.memory_space<vmem_shared>> -> memref<64x128xf32, #tpu.memory_space<vmem_shared>>
      %dma_wait3A_183 = arith.constant 0 : i32
      %dma_wait3A_184 = tpu.memref_slice %arg32[%add3A_6, %dma_wait3A_183] : memref<10240x128xf32, #tpu.memory_space<vmem_shared>> -> memref<64x128xf32, #tpu.memory_space<vmem_shared>>
      tpu.wait_dma2 semaphore(%run_scoped3A : memref<!tpu.dma_semaphore, #tpu.memory_space<semaphore_mem>>) src(%arg16 : memref<64x128xf32, #tpu.memory_space<vmem>>) dst(%dma_wait3A_184 : memref<64x128xf32, #tpu.memory_space<vmem_shared>>)
      tpu.yield
    }) : () -> ()
    %add3A_7 = arith.constant 64 : i32
    %add3A_8 = arith.addi %mul3A_5, %add3A_7 : i32
    "tpu.region"() ({
      %run_scoped3A = tpu.sem_alloc : memref<!tpu.dma_semaphore, #tpu.memory_space<semaphore_mem>>
      %dma_start3A_177 = arith.constant 0 : i32
      %dma_start3A_178 = tpu.memref_slice %arg32[%add3A_8, %dma_start3A_177] : memref<10240x128xf32, #tpu.memory_space<vmem_shared>> -> memref<64x128xf32, #tpu.memory_space<vmem_shared>>
      %dma_start3A_179 = arith.constant 0 : i32
      %dma_start3A_180 = tpu.memref_slice %arg32[%add3A_8, %dma_start3A_179] : memref<10240x128xf32, #tpu.memory_space<vmem_shared>> -> memref<64x128xf32, #tpu.memory_space<vmem_shared>>
      tpu.enqueue_dma source(%arg16 : memref<64x128xf32, #tpu.memory_space<vmem>>) target(%dma_start3A_180 : memref<64x128xf32, #tpu.memory_space<vmem_shared>>) target_semaphore(%run_scoped3A : memref<!tpu.dma_semaphore, #tpu.memory_space<semaphore_mem>>)
      %dma_wait3A_181 = arith.constant 0 : i32
      %dma_wait3A_182 = tpu.memref_slice %arg32[%add3A_8, %dma_wait3A_181] : memref<10240x128xf32, #tpu.memory_space<vmem_shared>> -> memref<64x128xf32, #tpu.memory_space<vmem_shared>>
      %dma_wait3A_183 = arith.constant 0 : i32
      %dma_wait3A_184 = tpu.memref_slice %arg32[%add3A_8, %dma_wait3A_183] : memref<10240x128xf32, #tpu.memory_space<vmem_shared>> -> memref<64x128xf32, #tpu.memory_space<vmem_shared>>
      tpu.wait_dma2 semaphore(%run_scoped3A : memref<!tpu.dma_semaphore, #tpu.memory_space<semaphore_mem>>) src(%arg16 : memref<64x128xf32, #tpu.memory_space<vmem>>) dst(%dma_wait3A_184 : memref<64x128xf32, #tpu.memory_space<vmem_shared>>)
      tpu.yield
    }) : () -> ()
    %add3A_9 = arith.constant 128 : i32
    %add3A_10 = arith.addi %mul3A_5, %add3A_9 : i32
    "tpu.region"() ({
      %run_scoped3A = tpu.sem_alloc : memref<!tpu.dma_semaphore, #tpu.memory_space<semaphore_mem>>
      %dma_start3A_177 = arith.constant 0 : i32
      %dma_start3A_178 = tpu.memref_slice %arg32[%add3A_10, %dma_start3A_177] : memref<10240x128xf32, #tpu.memory_space<vmem_shared>> -> memref<64x128xf32, #tpu.memory_space<vmem_shared>>
      %dma_start3A_179 = arith.constant 0 : i32
      %dma_start3A_180 = tpu.memref_slice %arg32[%add3A_10, %dma_start3A_179] : memref<10240x128xf32, #tpu.memory_space<vmem_shared>> -> memref<64x128xf32, #tpu.memory_space<vmem_shared>>
      tpu.enqueue_dma source(%arg16 : memref<64x128xf32, #tpu.memory_space<vmem>>) target(%dma_start3A_180 : memref<64x128xf32, #tpu.memory_space<vmem_shared>>) target_semaphore(%run_scoped3A : memref<!tpu.dma_semaphore, #tpu.memory_space<semaphore_mem>>)
      %dma_wait3A_181 = arith.constant 0 : i32
      %dma_wait3A_182 = tpu.memref_slice %arg32[%add3A_10, %dma_wait3A_181] : memref<10240x128xf32, #tpu.memory_space<vmem_shared>> -> memref<64x128xf32, #tpu.memory_space<vmem_shared>>
      %dma_wait3A_183 = arith.constant 0 : i32
      %dma_wait3A_184 = tpu.memref_slice %arg32[%add3A_10, %dma_wait3A_183] : memref<10240x128xf32, #tpu.memory_space<vmem_shared>> -> memref<64x128xf32, #tpu.memory_space<vmem_shared>>
      tpu.wait_dma2 semaphore(%run_scoped3A : memref<!tpu.dma_semaphore, #tpu.memory_space<semaphore_mem>>) src(%arg16 : memref<64x128xf32, #tpu.memory_space<vmem>>) dst(%dma_wait3A_184 : memref<64x128xf32, #tpu.memory_space<vmem_shared>>)
      tpu.yield
    }) : () -> ()
    %add3A_11 = arith.constant 192 : i32
    %add3A_12 = arith.addi %mul3A_5, %add3A_11 : i32
    "tpu.region"() ({
      %run_scoped3A = tpu.sem_alloc : memref<!tpu.dma_semaphore, #tpu.memory_space<semaphore_mem>>
      %dma_start3A_177 = arith.constant 0 : i32
      %dma_start3A_178 = tpu.memref_slice %arg32[%add3A_12, %dma_start3A_177] : memref<10240x128xf32, #tpu.memory_space<vmem_shared>> -> memref<64x128xf32, #tpu.memory_space<vmem_shared>>
      %dma_start3A_179 = arith.constant 0 : i32
      %dma_start3A_180 = tpu.memref_slice %arg32[%add3A_12, %dma_start3A_179] : memref<10240x128xf32, #tpu.memory_space<vmem_shared>> -> memref<64x128xf32, #tpu.memory_space<vmem_shared>>
      tpu.enqueue_dma source(%arg16 : memref<64x128xf32, #tpu.memory_space<vmem>>) target(%dma_start3A_180 : memref<64x128xf32, #tpu.memory_space<vmem_shared>>) target_semaphore(%run_scoped3A : memref<!tpu.dma_semaphore, #tpu.memory_space<semaphore_mem>>)
      %dma_wait3A_181 = arith.constant 0 : i32
      %dma_wait3A_182 = tpu.memref_slice %arg32[%add3A_12, %dma_wait3A_181] : memref<10240x128xf32, #tpu.memory_space<vmem_shared>> -> memref<64x128xf32, #tpu.memory_space<vmem_shared>>
      %dma_wait3A_183 = arith.constant 0 : i32
      %dma_wait3A_184 = tpu.memref_slice %arg32[%add3A_12, %dma_wait3A_183] : memref<10240x128xf32, #tpu.memory_space<vmem_shared>> -> memref<64x128xf32, #tpu.memory_space<vmem_shared>>
      tpu.wait_dma2 semaphore(%run_scoped3A : memref<!tpu.dma_semaphore, #tpu.memory_space<semaphore_mem>>) src(%arg16 : memref<64x128xf32, #tpu.memory_space<vmem>>) dst(%dma_wait3A_184 : memref<64x128xf32, #tpu.memory_space<vmem_shared>>)
      tpu.yield
    }) : () -> ()
    %add3A_13 = arith.constant 256 : i32
    %add3A_14 = arith.addi %mul3A_5, %add3A_13 : i32
    "tpu.region"() ({
      %run_scoped3A = tpu.sem_alloc : memref<!tpu.dma_semaphore, #tpu.memory_space<semaphore_mem>>
      %dma_start3A_177 = arith.constant 0 : i32
      %dma_start3A_178 = tpu.memref_slice %arg32[%add3A_14, %dma_start3A_177] : memref<10240x128xf32, #tpu.memory_space<vmem_shared>> -> memref<64x128xf32, #tpu.memory_space<vmem_shared>>
      %dma_start3A_179 = arith.constant 0 : i32
      %dma_start3A_180 = tpu.memref_slice %arg32[%add3A_14, %dma_start3A_179] : memref<10240x128xf32, #tpu.memory_space<vmem_shared>> -> memref<64x128xf32, #tpu.memory_space<vmem_shared>>
      tpu.enqueue_dma source(%arg16 : memref<64x128xf32, #tpu.memory_space<vmem>>) target(%dma_start3A_180 : memref<64x128xf32, #tpu.memory_space<vmem_shared>>) target_semaphore(%run_scoped3A : memref<!tpu.dma_semaphore, #tpu.memory_space<semaphore_mem>>)
      %dma_wait3A_181 = arith.constant 0 : i32
      %dma_wait3A_182 = tpu.memref_slice %arg32[%add3A_14, %dma_wait3A_181] : memref<10240x128xf32, #tpu.memory_space<vmem_shared>> -> memref<64x128xf32, #tpu.memory_space<vmem_shared>>
      %dma_wait3A_183 = arith.constant 0 : i32
      %dma_wait3A_184 = tpu.memref_slice %arg32[%add3A_14, %dma_wait3A_183] : memref<10240x128xf32, #tpu.memory_space<vmem_shared>> -> memref<64x128xf32, #tpu.memory_space<vmem_shared>>
      tpu.wait_dma2 semaphore(%run_scoped3A : memref<!tpu.dma_semaphore, #tpu.memory_space<semaphore_mem>>) src(%arg16 : memref<64x128xf32, #tpu.memory_space<vmem>>) dst(%dma_wait3A_184 : memref<64x128xf32, #tpu.memory_space<vmem_shared>>)
      tpu.yield
    }) : () -> ()
    %add3A_15 = arith.constant 320 : i32
    %add3A_16 = arith.addi %mul3A_5, %add3A_15 : i32
    "tpu.region"() ({
      %run_scoped3A = tpu.sem_alloc : memref<!tpu.dma_semaphore, #tpu.memory_space<semaphore_mem>>
      %dma_start3A_177 = arith.constant 0 : i32
      %dma_start3A_178 = tpu.memref_slice %arg32[%add3A_16, %dma_start3A_177] : memref<10240x128xf32, #tpu.memory_space<vmem_shared>> -> memref<64x128xf32, #tpu.memory_space<vmem_shared>>
      %dma_start3A_179 = arith.constant 0 : i32
      %dma_start3A_180 = tpu.memref_slice %arg32[%add3A_16, %dma_start3A_179] : memref<10240x128xf32, #tpu.memory_space<vmem_shared>> -> memref<64x128xf32, #tpu.memory_space<vmem_shared>>
      tpu.enqueue_dma source(%arg16 : memref<64x128xf32, #tpu.memory_space<vmem>>) target(%dma_start3A_180 : memref<64x128xf32, #tpu.memory_space<vmem_shared>>) target_semaphore(%run_scoped3A : memref<!tpu.dma_semaphore, #tpu.memory_space<semaphore_mem>>)
      %dma_wait3A_181 = arith.constant 0 : i32
      %dma_wait3A_182 = tpu.memref_slice %arg32[%add3A_16, %dma_wait3A_181] : memref<10240x128xf32, #tpu.memory_space<vmem_shared>> -> memref<64x128xf32, #tpu.memory_space<vmem_shared>>
      %dma_wait3A_183 = arith.constant 0 : i32
      %dma_wait3A_184 = tpu.memref_slice %arg32[%add3A_16, %dma_wait3A_183] : memref<10240x128xf32, #tpu.memory_space<vmem_shared>> -> memref<64x128xf32, #tpu.memory_space<vmem_shared>>
      tpu.wait_dma2 semaphore(%run_scoped3A : memref<!tpu.dma_semaphore, #tpu.memory_space<semaphore_mem>>) src(%arg16 : memref<64x128xf32, #tpu.memory_space<vmem>>) dst(%dma_wait3A_184 : memref<64x128xf32, #tpu.memory_space<vmem_shared>>)
      tpu.yield
    }) : () -> ()
    %add3A_17 = arith.constant 384 : i32
    %add3A_18 = arith.addi %mul3A_5, %add3A_17 : i32
    "tpu.region"() ({
      %run_scoped3A = tpu.sem_alloc : memref<!tpu.dma_semaphore, #tpu.memory_space<semaphore_mem>>
      %dma_start3A_177 = arith.constant 0 : i32
      %dma_start3A_178 = tpu.memref_slice %arg32[%add3A_18, %dma_start3A_177] : memref<10240x128xf32, #tpu.memory_space<vmem_shared>> -> memref<64x128xf32, #tpu.memory_space<vmem_shared>>
      %dma_start3A_179 = arith.constant 0 : i32
      %dma_start3A_180 = tpu.memref_slice %arg32[%add3A_18, %dma_start3A_179] : memref<10240x128xf32, #tpu.memory_space<vmem_shared>> -> memref<64x128xf32, #tpu.memory_space<vmem_shared>>
      tpu.enqueue_dma source(%arg16 : memref<64x128xf32, #tpu.memory_space<vmem>>) target(%dma_start3A_180 : memref<64x128xf32, #tpu.memory_space<vmem_shared>>) target_semaphore(%run_scoped3A : memref<!tpu.dma_semaphore, #tpu.memory_space<semaphore_mem>>)
      %dma_wait3A_181 = arith.constant 0 : i32
      %dma_wait3A_182 = tpu.memref_slice %arg32[%add3A_18, %dma_wait3A_181] : memref<10240x128xf32, #tpu.memory_space<vmem_shared>> -> memref<64x128xf32, #tpu.memory_space<vmem_shared>>
      %dma_wait3A_183 = arith.constant 0 : i32
      %dma_wait3A_184 = tpu.memref_slice %arg32[%add3A_18, %dma_wait3A_183] : memref<10240x128xf32, #tpu.memory_space<vmem_shared>> -> memref<64x128xf32, #tpu.memory_space<vmem_shared>>
      tpu.wait_dma2 semaphore(%run_scoped3A : memref<!tpu.dma_semaphore, #tpu.memory_space<semaphore_mem>>) src(%arg16 : memref<64x128xf32, #tpu.memory_space<vmem>>) dst(%dma_wait3A_184 : memref<64x128xf32, #tpu.memory_space<vmem_shared>>)
      tpu.yield
    }) : () -> ()
    %add3A_19 = arith.constant 448 : i32
    %add3A_20 = arith.addi %mul3A_5, %add3A_19 : i32
    "tpu.region"() ({
      %run_scoped3A = tpu.sem_alloc : memref<!tpu.dma_semaphore, #tpu.memory_space<semaphore_mem>>
      %dma_start3A_177 = arith.constant 0 : i32
      %dma_start3A_178 = tpu.memref_slice %arg32[%add3A_20, %dma_start3A_177] : memref<10240x128xf32, #tpu.memory_space<vmem_shared>> -> memref<64x128xf32, #tpu.memory_space<vmem_shared>>
      %dma_start3A_179 = arith.constant 0 : i32
      %dma_start3A_180 = tpu.memref_slice %arg32[%add3A_20, %dma_start3A_179] : memref<10240x128xf32, #tpu.memory_space<vmem_shared>> -> memref<64x128xf32, #tpu.memory_space<vmem_shared>>
      tpu.enqueue_dma source(%arg16 : memref<64x128xf32, #tpu.memory_space<vmem>>) target(%dma_start3A_180 : memref<64x128xf32, #tpu.memory_space<vmem_shared>>) target_semaphore(%run_scoped3A : memref<!tpu.dma_semaphore, #tpu.memory_space<semaphore_mem>>)
      %dma_wait3A_181 = arith.constant 0 : i32
      %dma_wait3A_182 = tpu.memref_slice %arg32[%add3A_20, %dma_wait3A_181] : memref<10240x128xf32, #tpu.memory_space<vmem_shared>> -> memref<64x128xf32, #tpu.memory_space<vmem_shared>>
      %dma_wait3A_183 = arith.constant 0 : i32
      %dma_wait3A_184 = tpu.memref_slice %arg32[%add3A_20, %dma_wait3A_183] : memref<10240x128xf32, #tpu.memory_space<vmem_shared>> -> memref<64x128xf32, #tpu.memory_space<vmem_shared>>
      tpu.wait_dma2 semaphore(%run_scoped3A : memref<!tpu.dma_semaphore, #tpu.memory_space<semaphore_mem>>) src(%arg16 : memref<64x128xf32, #tpu.memory_space<vmem>>) dst(%dma_wait3A_184 : memref<64x128xf32, #tpu.memory_space<vmem_shared>>)
      tpu.yield
    }) : () -> ()
    %add3A_21 = arith.constant 512 : i32
    %add3A_22 = arith.addi %mul3A_5, %add3A_21 : i32
    "tpu.region"() ({
      %run_scoped3A = tpu.sem_alloc : memref<!tpu.dma_semaphore, #tpu.memory_space<semaphore_mem>>
      %dma_start3A_177 = arith.constant 0 : i32
      %dma_start3A_178 = tpu.memref_slice %arg32[%add3A_22, %dma_start3A_177] : memref<10240x128xf32, #tpu.memory_space<vmem_shared>> -> memref<64x128xf32, #tpu.memory_space<vmem_shared>>
      %dma_start3A_179 = arith.constant 0 : i32
      %dma_start3A_180 = tpu.memref_slice %arg32[%add3A_22, %dma_start3A_179] : memref<10240x128xf32, #tpu.memory_space<vmem_shared>> -> memref<64x128xf32, #tpu.memory_space<vmem_shared>>
      tpu.enqueue_dma source(%arg16 : memref<64x128xf32, #tpu.memory_space<vmem>>) target(%dma_start3A_180 : memref<64x128xf32, #tpu.memory_space<vmem_shared>>) target_semaphore(%run_scoped3A : memref<!tpu.dma_semaphore, #tpu.memory_space<semaphore_mem>>)
      %dma_wait3A_181 = arith.constant 0 : i32
      %dma_wait3A_182 = tpu.memref_slice %arg32[%add3A_22, %dma_wait3A_181] : memref<10240x128xf32, #tpu.memory_space<vmem_shared>> -> memref<64x128xf32, #tpu.memory_space<vmem_shared>>
      %dma_wait3A_183 = arith.constant 0 : i32
      %dma_wait3A_184 = tpu.memref_slice %arg32[%add3A_22, %dma_wait3A_183] : memref<10240x128xf32, #tpu.memory_space<vmem_shared>> -> memref<64x128xf32, #tpu.memory_space<vmem_shared>>
      tpu.wait_dma2 semaphore(%run_scoped3A : memref<!tpu.dma_semaphore, #tpu.memory_space<semaphore_mem>>) src(%arg16 : memref<64x128xf32, #tpu.memory_space<vmem>>) dst(%dma_wait3A_184 : memref<64x128xf32, #tpu.memory_space<vmem_shared>>)
      tpu.yield
    }) : () -> ()
    %add3A_23 = arith.constant 576 : i32
    %add3A_24 = arith.addi %mul3A_5, %add3A_23 : i32
    "tpu.region"() ({
      %run_scoped3A = tpu.sem_alloc : memref<!tpu.dma_semaphore, #tpu.memory_space<semaphore_mem>>
      %dma_start3A_177 = arith.constant 0 : i32
      %dma_start3A_178 = tpu.memref_slice %arg32[%add3A_24, %dma_start3A_177] : memref<10240x128xf32, #tpu.memory_space<vmem_shared>> -> memref<64x128xf32, #tpu.memory_space<vmem_shared>>
      %dma_start3A_179 = arith.constant 0 : i32
      %dma_start3A_180 = tpu.memref_slice %arg32[%add3A_24, %dma_start3A_179] : memref<10240x128xf32, #tpu.memory_space<vmem_shared>> -> memref<64x128xf32, #tpu.memory_space<vmem_shared>>
      tpu.enqueue_dma source(%arg16 : memref<64x128xf32, #tpu.memory_space<vmem>>) target(%dma_start3A_180 : memref<64x128xf32, #tpu.memory_space<vmem_shared>>) target_semaphore(%run_scoped3A : memref<!tpu.dma_semaphore, #tpu.memory_space<semaphore_mem>>)
      %dma_wait3A_181 = arith.constant 0 : i32
      %dma_wait3A_182 = tpu.memref_slice %arg32[%add3A_24, %dma_wait3A_181] : memref<10240x128xf32, #tpu.memory_space<vmem_shared>> -> memref<64x128xf32, #tpu.memory_space<vmem_shared>>
      %dma_wait3A_183 = arith.constant 0 : i32
      %dma_wait3A_184 = tpu.memref_slice %arg32[%add3A_24, %dma_wait3A_183] : memref<10240x128xf32, #tpu.memory_space<vmem_shared>> -> memref<64x128xf32, #tpu.memory_space<vmem_shared>>
      tpu.wait_dma2 semaphore(%run_scoped3A : memref<!tpu.dma_semaphore, #tpu.memory_space<semaphore_mem>>) src(%arg16 : memref<64x128xf32, #tpu.memory_space<vmem>>) dst(%dma_wait3A_184 : memref<64x128xf32, #tpu.memory_space<vmem_shared>>)
      tpu.yield
    }) : () -> ()
    %barrier3A = arith.constant 0 : index
    tpu.barrier barrier_id(%barrier3A)
    %scan3A_25 = arith.constant 0 : i32
    %scan3A_26 = arith.constant 0 : i32
    %scan3A_27 = arith.constant 40 : i32
    %scan3A_28 = arith.addi %scan3A_26, %scan3A_27 : i32
    %scan3A_29 = arith.constant 1 : i32
    scf.for %scan3A_177 = %scan3A_26 to %scan3A_28 step %scan3A_29  : i32 {
      %mul3A_178 = arith.constant 4 : i32
      %mul3A_179 = arith.muli %mul3A_178, %scan3A_177 : i32
      %add3A_180 = arith.constant 0 : i32
      %add3A_181 = arith.addi %mul3A_179, %add3A_180 : i32
      %gt3A = arith.constant 0 : i32
      %gt3A_182 = arith.cmpi sgt, %scan3A_177, %gt3A : i32
      %convert_element_type3A_183 = arith.extui %gt3A_182 : i1 to i32
      %cond3A_184 = arith.constant 0 : i32
      %cond3A_185 = arith.cmpi ne, %convert_element_type3A_183, %cond3A_184 : i32
      scf.if %cond3A_185 {
        %dma_wait3A_376 = arith.constant 0 : i32
        %dma_wait3A_377 = arith.constant 0 : i32
        %dma_wait3A_378 = tpu.memref_slice %arg32[%dma_wait3A_376, %dma_wait3A_377] : memref<10240x128xf32, #tpu.memory_space<vmem_shared>> -> memref<10240x128xf32, #tpu.memory_space<vmem_shared>>
        tpu.wait_indirect_dma semaphore(%arg28 : memref<!tpu.dma_semaphore, #tpu.memory_space<semaphore_mem>>) src(%arg16 : memref<64x128xf32, #tpu.memory_space<vmem>>) dst(%dma_wait3A_378 : memref<10240x128xf32, #tpu.memory_space<vmem_shared>>)
      } else {
      }
      %dma_start3A_186 = arith.constant 0 : i32
      %dma_start3A_187 = tpu.memref_slice %arg4[%arg1, %add3A_181, %dma_start3A_186] : memref<16x160x64xi32, #tpu.memory_space<hbm>> -> memref<1x1x64xi32, #tpu.memory_space<hbm>>
      %dma_start3A_188 = tpu.memref_squeeze %dma_start3A_187 : memref<1x1x64xi32, #tpu.memory_space<hbm>> -> memref<64xi32, #tpu.memory_space<hbm>>
      %dma_start3A_189 = arith.constant 0 : i32
      %dma_start3A_190 = tpu.memref_slice %arg4[%arg1, %add3A_181, %dma_start3A_189] : memref<16x160x64xi32, #tpu.memory_space<hbm>> -> memref<1x1x64xi32, #tpu.memory_space<hbm>>
      %dma_start3A_191 = tpu.memref_squeeze %dma_start3A_190 : memref<1x1x64xi32, #tpu.memory_space<hbm>> -> memref<64xi32, #tpu.memory_space<hbm>>
      tpu.enqueue_dma source(%dma_start3A_191 : memref<64xi32, #tpu.memory_space<hbm>>) target(%arg8 : memref<64xi32, #tpu.memory_space<vmem>>) target_semaphore(%arg20 : memref<!tpu.dma_semaphore, #tpu.memory_space<semaphore_mem>>)
      %dma_start3A_192 = arith.constant 0 : i32
      %dma_start3A_193 = tpu.memref_slice %arg5[%arg1, %add3A_181, %dma_start3A_192] : memref<16x160x64xi32, #tpu.memory_space<hbm>> -> memref<1x1x64xi32, #tpu.memory_space<hbm>>
      %dma_start3A_194 = tpu.memref_squeeze %dma_start3A_193 : memref<1x1x64xi32, #tpu.memory_space<hbm>> -> memref<64xi32, #tpu.memory_space<hbm>>
      %dma_start3A_195 = arith.constant 0 : i32
      %dma_start3A_196 = tpu.memref_slice %arg5[%arg1, %add3A_181, %dma_start3A_195] : memref<16x160x64xi32, #tpu.memory_space<hbm>> -> memref<1x1x64xi32, #tpu.memory_space<hbm>>
      %dma_start3A_197 = tpu.memref_squeeze %dma_start3A_196 : memref<1x1x64xi32, #tpu.memory_space<hbm>> -> memref<64xi32, #tpu.memory_space<hbm>>
      tpu.enqueue_dma source(%dma_start3A_197 : memref<64xi32, #tpu.memory_space<hbm>>) target(%arg12 : memref<64xi32, #tpu.memory_space<vmem>>) target_semaphore(%arg20 : memref<!tpu.dma_semaphore, #tpu.memory_space<semaphore_mem>>)
      %ge3A = arith.constant 3 : i32
      %ge3A_198 = arith.cmpi sge, %add3A_181, %ge3A : i32
      %convert_element_type3A_199 = arith.extui %ge3A_198 : i1 to i32
      %cond3A_200 = arith.constant 0 : i32
      %cond3A_201 = arith.cmpi ne, %convert_element_type3A_199, %cond3A_200 : i32
      scf.if %cond3A_201 {
        %dma_wait3A_376 = arith.constant 0 : i32
        %dma_wait3A_377 = arith.constant 0 : i32
        %dma_wait3A_378 = tpu.memref_slice %arg2[%dma_wait3A_376, %dma_wait3A_377] : memref<10000x128xf32, #tpu.memory_space<hbm>> -> memref<10000x128xf32, #tpu.memory_space<hbm>>
        tpu.wait_indirect_dma semaphore(%arg25 : memref<!tpu.dma_semaphore, #tpu.memory_space<semaphore_mem>>) src(%dma_wait3A_378 : memref<10000x128xf32, #tpu.memory_space<hbm>>) dst(%arg17 : memref<64x128xf32, #tpu.memory_space<vmem>>)
        %dma_start3A_379 = arith.constant 0 : i32
        %dma_start3A_380 = arith.constant 0 : i32
        %dma_start3A_381 = tpu.memref_slice %arg32[%dma_start3A_379, %dma_start3A_380] : memref<10240x128xf32, #tpu.memory_space<vmem_shared>> -> memref<10240x128xf32, #tpu.memory_space<vmem_shared>>
        tpu.enqueue_indirect_dma source(%arg17 : memref<64x128xf32, #tpu.memory_space<vmem>>) target(%dma_start3A_381 : memref<10240x128xf32, #tpu.memory_space<vmem_shared>>) offsets(%arg13 : memref<64xi32, #tpu.memory_space<vmem>>) semaphore(%arg29 : memref<!tpu.dma_semaphore, #tpu.memory_space<semaphore_mem>>) {add = true}
      } else {
      }
      %dma_wait3A_202 = arith.constant 0 : i32
      %dma_wait3A_203 = arith.constant 0 : i32
      %dma_wait3A_204 = tpu.memref_slice %arg4[%arg1, %dma_wait3A_202, %dma_wait3A_203] : memref<16x160x64xi32, #tpu.memory_space<hbm>> -> memref<1x1x64xi32, #tpu.memory_space<hbm>>
      %dma_wait3A_205 = tpu.memref_squeeze %dma_wait3A_204 : memref<1x1x64xi32, #tpu.memory_space<hbm>> -> memref<64xi32, #tpu.memory_space<hbm>>
      %dma_wait3A_206 = arith.constant 0 : i32
      %dma_wait3A_207 = tpu.memref_slice %arg4[%arg1, %dma_wait3A_202, %dma_wait3A_206] : memref<16x160x64xi32, #tpu.memory_space<hbm>> -> memref<1x1x64xi32, #tpu.memory_space<hbm>>
      %dma_wait3A_208 = tpu.memref_squeeze %dma_wait3A_207 : memref<1x1x64xi32, #tpu.memory_space<hbm>> -> memref<64xi32, #tpu.memory_space<hbm>>
      tpu.wait_dma2 semaphore(%arg20 : memref<!tpu.dma_semaphore, #tpu.memory_space<semaphore_mem>>) src(%dma_wait3A_208 : memref<64xi32, #tpu.memory_space<hbm>>) dst(%arg8 : memref<64xi32, #tpu.memory_space<vmem>>)
      %dma_wait3A_209 = arith.constant 0 : i32
      %dma_wait3A_210 = arith.constant 0 : i32
      %dma_wait3A_211 = tpu.memref_slice %arg5[%arg1, %dma_wait3A_209, %dma_wait3A_210] : memref<16x160x64xi32, #tpu.memory_space<hbm>> -> memref<1x1x64xi32, #tpu.memory_space<hbm>>
      %dma_wait3A_212 = tpu.memref_squeeze %dma_wait3A_211 : memref<1x1x64xi32, #tpu.memory_space<hbm>> -> memref<64xi32, #tpu.memory_space<hbm>>
      %dma_wait3A_213 = arith.constant 0 : i32
      %dma_wait3A_214 = tpu.memref_slice %arg5[%arg1, %dma_wait3A_209, %dma_wait3A_213] : memref<16x160x64xi32, #tpu.memory_space<hbm>> -> memref<1x1x64xi32, #tpu.memory_space<hbm>>
      %dma_wait3A_215 = tpu.memref_squeeze %dma_wait3A_214 : memref<1x1x64xi32, #tpu.memory_space<hbm>> -> memref<64xi32, #tpu.memory_space<hbm>>
      tpu.wait_dma2 semaphore(%arg20 : memref<!tpu.dma_semaphore, #tpu.memory_space<semaphore_mem>>) src(%dma_wait3A_215 : memref<64xi32, #tpu.memory_space<hbm>>) dst(%arg12 : memref<64xi32, #tpu.memory_space<vmem>>)
      %eq3A_216 = arith.constant 0 : i32
      %eq3A_217 = arith.cmpi eq, %arg0, %eq3A_216 : i32
      %convert_element_type3A_218 = arith.extui %eq3A_217 : i1 to i32
      %cond3A_219 = arith.constant 0 : i32
      %cond3A_220 = arith.cmpi ne, %convert_element_type3A_218, %cond3A_219 : i32
      scf.if %cond3A_220 {
        %dma_start3A_376 = arith.constant 0 : i32
        %dma_start3A_377 = arith.constant 0 : i32
        %dma_start3A_378 = tpu.memref_slice %arg2[%dma_start3A_376, %dma_start3A_377] : memref<10000x128xf32, #tpu.memory_space<hbm>> -> memref<10000x128xf32, #tpu.memory_space<hbm>>
        tpu.enqueue_indirect_dma source(%dma_start3A_378 : memref<10000x128xf32, #tpu.memory_space<hbm>>) target(%arg16 : memref<64x128xf32, #tpu.memory_space<vmem>>) offsets(%arg8 : memref<64xi32, #tpu.memory_space<vmem>>) semaphore(%arg24 : memref<!tpu.dma_semaphore, #tpu.memory_space<semaphore_mem>>)
      } else {
      }
      %eq3A_221 = arith.constant 1 : i32
      %eq3A_222 = arith.cmpi eq, %arg0, %eq3A_221 : i32
      %convert_element_type3A_223 = arith.extui %eq3A_222 : i1 to i32
      %cond3A_224 = arith.constant 0 : i32
      %cond3A_225 = arith.cmpi ne, %convert_element_type3A_223, %cond3A_224 : i32
      scf.if %cond3A_225 {
        %dma_start3A_376 = arith.constant 0 : i32
        %dma_start3A_377 = arith.constant 0 : i32
        %dma_start3A_378 = tpu.memref_slice %arg3[%dma_start3A_376, %dma_start3A_377] : memref<10000x128xf32, #tpu.memory_space<hbm>> -> memref<10000x128xf32, #tpu.memory_space<hbm>>
        tpu.enqueue_indirect_dma source(%dma_start3A_378 : memref<10000x128xf32, #tpu.memory_space<hbm>>) target(%arg16 : memref<64x128xf32, #tpu.memory_space<vmem>>) offsets(%arg8 : memref<64xi32, #tpu.memory_space<vmem>>) semaphore(%arg24 : memref<!tpu.dma_semaphore, #tpu.memory_space<semaphore_mem>>)
      } else {
      }
      %mul3A_226 = arith.constant 4 : i32
      %mul3A_227 = arith.muli %mul3A_226, %scan3A_177 : i32
      %add3A_228 = arith.constant 1 : i32
      %add3A_229 = arith.addi %mul3A_227, %add3A_228 : i32
      %gt3A_230 = arith.constant 0 : i32
      %gt3A_231 = arith.cmpi sgt, %scan3A_177, %gt3A_230 : i32
      %convert_element_type3A_232 = arith.extui %gt3A_231 : i1 to i32
      %cond3A_233 = arith.constant 0 : i32
      %cond3A_234 = arith.cmpi ne, %convert_element_type3A_232, %cond3A_233 : i32
      scf.if %cond3A_234 {
        %dma_wait3A_376 = arith.constant 0 : i32
        %dma_wait3A_377 = arith.constant 0 : i32
        %dma_wait3A_378 = tpu.memref_slice %arg32[%dma_wait3A_376, %dma_wait3A_377] : memref<10240x128xf32, #tpu.memory_space<vmem_shared>> -> memref<10240x128xf32, #tpu.memory_space<vmem_shared>>
        tpu.wait_indirect_dma semaphore(%arg29 : memref<!tpu.dma_semaphore, #tpu.memory_space<semaphore_mem>>) src(%arg17 : memref<64x128xf32, #tpu.memory_space<vmem>>) dst(%dma_wait3A_378 : memref<10240x128xf32, #tpu.memory_space<vmem_shared>>)
      } else {
      }
      %dma_start3A_235 = arith.constant 0 : i32
      %dma_start3A_236 = tpu.memref_slice %arg4[%arg1, %add3A_229, %dma_start3A_235] : memref<16x160x64xi32, #tpu.memory_space<hbm>> -> memref<1x1x64xi32, #tpu.memory_space<hbm>>
      %dma_start3A_237 = tpu.memref_squeeze %dma_start3A_236 : memref<1x1x64xi32, #tpu.memory_space<hbm>> -> memref<64xi32, #tpu.memory_space<hbm>>
      %dma_start3A_238 = arith.constant 0 : i32
      %dma_start3A_239 = tpu.memref_slice %arg4[%arg1, %add3A_229, %dma_start3A_238] : memref<16x160x64xi32, #tpu.memory_space<hbm>> -> memref<1x1x64xi32, #tpu.memory_space<hbm>>
      %dma_start3A_240 = tpu.memref_squeeze %dma_start3A_239 : memref<1x1x64xi32, #tpu.memory_space<hbm>> -> memref<64xi32, #tpu.memory_space<hbm>>
      tpu.enqueue_dma source(%dma_start3A_240 : memref<64xi32, #tpu.memory_space<hbm>>) target(%arg9 : memref<64xi32, #tpu.memory_space<vmem>>) target_semaphore(%arg21 : memref<!tpu.dma_semaphore, #tpu.memory_space<semaphore_mem>>)
      %dma_start3A_241 = arith.constant 0 : i32
      %dma_start3A_242 = tpu.memref_slice %arg5[%arg1, %add3A_229, %dma_start3A_241] : memref<16x160x64xi32, #tpu.memory_space<hbm>> -> memref<1x1x64xi32, #tpu.memory_space<hbm>>
      %dma_start3A_243 = tpu.memref_squeeze %dma_start3A_242 : memref<1x1x64xi32, #tpu.memory_space<hbm>> -> memref<64xi32, #tpu.memory_space<hbm>>
      %dma_start3A_244 = arith.constant 0 : i32
      %dma_start3A_245 = tpu.memref_slice %arg5[%arg1, %add3A_229, %dma_start3A_244] : memref<16x160x64xi32, #tpu.memory_space<hbm>> -> memref<1x1x64xi32, #tpu.memory_space<hbm>>
      %dma_start3A_246 = tpu.memref_squeeze %dma_start3A_245 : memref<1x1x64xi32, #tpu.memory_space<hbm>> -> memref<64xi32, #tpu.memory_space<hbm>>
      tpu.enqueue_dma source(%dma_start3A_246 : memref<64xi32, #tpu.memory_space<hbm>>) target(%arg13 : memref<64xi32, #tpu.memory_space<vmem>>) target_semaphore(%arg21 : memref<!tpu.dma_semaphore, #tpu.memory_space<semaphore_mem>>)
      %ge3A_247 = arith.constant 3 : i32
      %ge3A_248 = arith.cmpi sge, %add3A_229, %ge3A_247 : i32
      %convert_element_type3A_249 = arith.extui %ge3A_248 : i1 to i32
      %cond3A_250 = arith.constant 0 : i32
      %cond3A_251 = arith.cmpi ne, %convert_element_type3A_249, %cond3A_250 : i32
      scf.if %cond3A_251 {
        %dma_wait3A_376 = arith.constant 0 : i32
        %dma_wait3A_377 = arith.constant 0 : i32
        %dma_wait3A_378 = tpu.memref_slice %arg2[%dma_wait3A_376, %dma_wait3A_377] : memref<10000x128xf32, #tpu.memory_space<hbm>> -> memref<10000x128xf32, #tpu.memory_space<hbm>>
        tpu.wait_indirect_dma semaphore(%arg26 : memref<!tpu.dma_semaphore, #tpu.memory_space<semaphore_mem>>) src(%dma_wait3A_378 : memref<10000x128xf32, #tpu.memory_space<hbm>>) dst(%arg18 : memref<64x128xf32, #tpu.memory_space<vmem>>)
        %dma_start3A_379 = arith.constant 0 : i32
        %dma_start3A_380 = arith.constant 0 : i32
        %dma_start3A_381 = tpu.memref_slice %arg32[%dma_start3A_379, %dma_start3A_380] : memref<10240x128xf32, #tpu.memory_space<vmem_shared>> -> memref<10240x128xf32, #tpu.memory_space<vmem_shared>>
        tpu.enqueue_indirect_dma source(%arg18 : memref<64x128xf32, #tpu.memory_space<vmem>>) target(%dma_start3A_381 : memref<10240x128xf32, #tpu.memory_space<vmem_shared>>) offsets(%arg14 : memref<64xi32, #tpu.memory_space<vmem>>) semaphore(%arg30 : memref<!tpu.dma_semaphore, #tpu.memory_space<semaphore_mem>>) {add = true}
      } else {
      }
      %dma_wait3A_252 = arith.constant 0 : i32
      %dma_wait3A_253 = arith.constant 0 : i32
      %dma_wait3A_254 = tpu.memref_slice %arg4[%arg1, %dma_wait3A_252, %dma_wait3A_253] : memref<16x160x64xi32, #tpu.memory_space<hbm>> -> memref<1x1x64xi32, #tpu.memory_space<hbm>>
      %dma_wait3A_255 = tpu.memref_squeeze %dma_wait3A_254 : memref<1x1x64xi32, #tpu.memory_space<hbm>> -> memref<64xi32, #tpu.memory_space<hbm>>
      %dma_wait3A_256 = arith.constant 0 : i32
      %dma_wait3A_257 = tpu.memref_slice %arg4[%arg1, %dma_wait3A_252, %dma_wait3A_256] : memref<16x160x64xi32, #tpu.memory_space<hbm>> -> memref<1x1x64xi32, #tpu.memory_space<hbm>>
      %dma_wait3A_258 = tpu.memref_squeeze %dma_wait3A_257 : memref<1x1x64xi32, #tpu.memory_space<hbm>> -> memref<64xi32, #tpu.memory_space<hbm>>
      tpu.wait_dma2 semaphore(%arg21 : memref<!tpu.dma_semaphore, #tpu.memory_space<semaphore_mem>>) src(%dma_wait3A_258 : memref<64xi32, #tpu.memory_space<hbm>>) dst(%arg9 : memref<64xi32, #tpu.memory_space<vmem>>)
      %dma_wait3A_259 = arith.constant 0 : i32
      %dma_wait3A_260 = arith.constant 0 : i32
      %dma_wait3A_261 = tpu.memref_slice %arg5[%arg1, %dma_wait3A_259, %dma_wait3A_260] : memref<16x160x64xi32, #tpu.memory_space<hbm>> -> memref<1x1x64xi32, #tpu.memory_space<hbm>>
      %dma_wait3A_262 = tpu.memref_squeeze %dma_wait3A_261 : memref<1x1x64xi32, #tpu.memory_space<hbm>> -> memref<64xi32, #tpu.memory_space<hbm>>
      %dma_wait3A_263 = arith.constant 0 : i32
      %dma_wait3A_264 = tpu.memref_slice %arg5[%arg1, %dma_wait3A_259, %dma_wait3A_263] : memref<16x160x64xi32, #tpu.memory_space<hbm>> -> memref<1x1x64xi32, #tpu.memory_space<hbm>>
      %dma_wait3A_265 = tpu.memref_squeeze %dma_wait3A_264 : memref<1x1x64xi32, #tpu.memory_space<hbm>> -> memref<64xi32, #tpu.memory_space<hbm>>
      tpu.wait_dma2 semaphore(%arg21 : memref<!tpu.dma_semaphore, #tpu.memory_space<semaphore_mem>>) src(%dma_wait3A_265 : memref<64xi32, #tpu.memory_space<hbm>>) dst(%arg13 : memref<64xi32, #tpu.memory_space<vmem>>)
      %eq3A_266 = arith.constant 0 : i32
      %eq3A_267 = arith.cmpi eq, %arg0, %eq3A_266 : i32
      %convert_element_type3A_268 = arith.extui %eq3A_267 : i1 to i32
      %cond3A_269 = arith.constant 0 : i32
      %cond3A_270 = arith.cmpi ne, %convert_element_type3A_268, %cond3A_269 : i32
      scf.if %cond3A_270 {
        %dma_start3A_376 = arith.constant 0 : i32
        %dma_start3A_377 = arith.constant 0 : i32
        %dma_start3A_378 = tpu.memref_slice %arg2[%dma_start3A_376, %dma_start3A_377] : memref<10000x128xf32, #tpu.memory_space<hbm>> -> memref<10000x128xf32, #tpu.memory_space<hbm>>
        tpu.enqueue_indirect_dma source(%dma_start3A_378 : memref<10000x128xf32, #tpu.memory_space<hbm>>) target(%arg17 : memref<64x128xf32, #tpu.memory_space<vmem>>) offsets(%arg9 : memref<64xi32, #tpu.memory_space<vmem>>) semaphore(%arg25 : memref<!tpu.dma_semaphore, #tpu.memory_space<semaphore_mem>>)
      } else {
      }
      %eq3A_271 = arith.constant 1 : i32
      %eq3A_272 = arith.cmpi eq, %arg0, %eq3A_271 : i32
      %convert_element_type3A_273 = arith.extui %eq3A_272 : i1 to i32
      %cond3A_274 = arith.constant 0 : i32
      %cond3A_275 = arith.cmpi ne, %convert_element_type3A_273, %cond3A_274 : i32
      scf.if %cond3A_275 {
        %dma_start3A_376 = arith.constant 0 : i32
        %dma_start3A_377 = arith.constant 0 : i32
        %dma_start3A_378 = tpu.memref_slice %arg3[%dma_start3A_376, %dma_start3A_377] : memref<10000x128xf32, #tpu.memory_space<hbm>> -> memref<10000x128xf32, #tpu.memory_space<hbm>>
        tpu.enqueue_indirect_dma source(%dma_start3A_378 : memref<10000x128xf32, #tpu.memory_space<hbm>>) target(%arg17 : memref<64x128xf32, #tpu.memory_space<vmem>>) offsets(%arg9 : memref<64xi32, #tpu.memory_space<vmem>>) semaphore(%arg25 : memref<!tpu.dma_semaphore, #tpu.memory_space<semaphore_mem>>)
      } else {
      }
      %mul3A_276 = arith.constant 4 : i32
      %mul3A_277 = arith.muli %mul3A_276, %scan3A_177 : i32
      %add3A_278 = arith.constant 2 : i32
      %add3A_279 = arith.addi %mul3A_277, %add3A_278 : i32
      %gt3A_280 = arith.constant 0 : i32
      %gt3A_281 = arith.cmpi sgt, %scan3A_177, %gt3A_280 : i32
      %convert_element_type3A_282 = arith.extui %gt3A_281 : i1 to i32
      %cond3A_283 = arith.constant 0 : i32
      %cond3A_284 = arith.cmpi ne, %convert_element_type3A_282, %cond3A_283 : i32
      scf.if %cond3A_284 {
        %dma_wait3A_376 = arith.constant 0 : i32
        %dma_wait3A_377 = arith.constant 0 : i32
        %dma_wait3A_378 = tpu.memref_slice %arg32[%dma_wait3A_376, %dma_wait3A_377] : memref<10240x128xf32, #tpu.memory_space<vmem_shared>> -> memref<10240x128xf32, #tpu.memory_space<vmem_shared>>
        tpu.wait_indirect_dma semaphore(%arg30 : memref<!tpu.dma_semaphore, #tpu.memory_space<semaphore_mem>>) src(%arg18 : memref<64x128xf32, #tpu.memory_space<vmem>>) dst(%dma_wait3A_378 : memref<10240x128xf32, #tpu.memory_space<vmem_shared>>)
      } else {
      }
      %dma_start3A_285 = arith.constant 0 : i32
      %dma_start3A_286 = tpu.memref_slice %arg4[%arg1, %add3A_279, %dma_start3A_285] : memref<16x160x64xi32, #tpu.memory_space<hbm>> -> memref<1x1x64xi32, #tpu.memory_space<hbm>>
      %dma_start3A_287 = tpu.memref_squeeze %dma_start3A_286 : memref<1x1x64xi32, #tpu.memory_space<hbm>> -> memref<64xi32, #tpu.memory_space<hbm>>
      %dma_start3A_288 = arith.constant 0 : i32
      %dma_start3A_289 = tpu.memref_slice %arg4[%arg1, %add3A_279, %dma_start3A_288] : memref<16x160x64xi32, #tpu.memory_space<hbm>> -> memref<1x1x64xi32, #tpu.memory_space<hbm>>
      %dma_start3A_290 = tpu.memref_squeeze %dma_start3A_289 : memref<1x1x64xi32, #tpu.memory_space<hbm>> -> memref<64xi32, #tpu.memory_space<hbm>>
      tpu.enqueue_dma source(%dma_start3A_290 : memref<64xi32, #tpu.memory_space<hbm>>) target(%arg10 : memref<64xi32, #tpu.memory_space<vmem>>) target_semaphore(%arg22 : memref<!tpu.dma_semaphore, #tpu.memory_space<semaphore_mem>>)
      %dma_start3A_291 = arith.constant 0 : i32
      %dma_start3A_292 = tpu.memref_slice %arg5[%arg1, %add3A_279, %dma_start3A_291] : memref<16x160x64xi32, #tpu.memory_space<hbm>> -> memref<1x1x64xi32, #tpu.memory_space<hbm>>
      %dma_start3A_293 = tpu.memref_squeeze %dma_start3A_292 : memref<1x1x64xi32, #tpu.memory_space<hbm>> -> memref<64xi32, #tpu.memory_space<hbm>>
      %dma_start3A_294 = arith.constant 0 : i32
      %dma_start3A_295 = tpu.memref_slice %arg5[%arg1, %add3A_279, %dma_start3A_294] : memref<16x160x64xi32, #tpu.memory_space<hbm>> -> memref<1x1x64xi32, #tpu.memory_space<hbm>>
      %dma_start3A_296 = tpu.memref_squeeze %dma_start3A_295 : memref<1x1x64xi32, #tpu.memory_space<hbm>> -> memref<64xi32, #tpu.memory_space<hbm>>
      tpu.enqueue_dma source(%dma_start3A_296 : memref<64xi32, #tpu.memory_space<hbm>>) target(%arg14 : memref<64xi32, #tpu.memory_space<vmem>>) target_semaphore(%arg22 : memref<!tpu.dma_semaphore, #tpu.memory_space<semaphore_mem>>)
      %ge3A_297 = arith.constant 3 : i32
      %ge3A_298 = arith.cmpi sge, %add3A_279, %ge3A_297 : i32
      %convert_element_type3A_299 = arith.extui %ge3A_298 : i1 to i32
      %cond3A_300 = arith.constant 0 : i32
      %cond3A_301 = arith.cmpi ne, %convert_element_type3A_299, %cond3A_300 : i32
      scf.if %cond3A_301 {
        %dma_wait3A_376 = arith.constant 0 : i32
        %dma_wait3A_377 = arith.constant 0 : i32
        %dma_wait3A_378 = tpu.memref_slice %arg2[%dma_wait3A_376, %dma_wait3A_377] : memref<10000x128xf32, #tpu.memory_space<hbm>> -> memref<10000x128xf32, #tpu.memory_space<hbm>>
        tpu.wait_indirect_dma semaphore(%arg27 : memref<!tpu.dma_semaphore, #tpu.memory_space<semaphore_mem>>) src(%dma_wait3A_378 : memref<10000x128xf32, #tpu.memory_space<hbm>>) dst(%arg19 : memref<64x128xf32, #tpu.memory_space<vmem>>)
        %dma_start3A_379 = arith.constant 0 : i32
        %dma_start3A_380 = arith.constant 0 : i32
        %dma_start3A_381 = tpu.memref_slice %arg32[%dma_start3A_379, %dma_start3A_380] : memref<10240x128xf32, #tpu.memory_space<vmem_shared>> -> memref<10240x128xf32, #tpu.memory_space<vmem_shared>>
        tpu.enqueue_indirect_dma source(%arg19 : memref<64x128xf32, #tpu.memory_space<vmem>>) target(%dma_start3A_381 : memref<10240x128xf32, #tpu.memory_space<vmem_shared>>) offsets(%arg15 : memref<64xi32, #tpu.memory_space<vmem>>) semaphore(%arg31 : memref<!tpu.dma_semaphore, #tpu.memory_space<semaphore_mem>>) {add = true}
      } else {
      }
      %dma_wait3A_302 = arith.constant 0 : i32
      %dma_wait3A_303 = arith.constant 0 : i32
      %dma_wait3A_304 = tpu.memref_slice %arg4[%arg1, %dma_wait3A_302, %dma_wait3A_303] : memref<16x160x64xi32, #tpu.memory_space<hbm>> -> memref<1x1x64xi32, #tpu.memory_space<hbm>>
      %dma_wait3A_305 = tpu.memref_squeeze %dma_wait3A_304 : memref<1x1x64xi32, #tpu.memory_space<hbm>> -> memref<64xi32, #tpu.memory_space<hbm>>
      %dma_wait3A_306 = arith.constant 0 : i32
      %dma_wait3A_307 = tpu.memref_slice %arg4[%arg1, %dma_wait3A_302, %dma_wait3A_306] : memref<16x160x64xi32, #tpu.memory_space<hbm>> -> memref<1x1x64xi32, #tpu.memory_space<hbm>>
      %dma_wait3A_308 = tpu.memref_squeeze %dma_wait3A_307 : memref<1x1x64xi32, #tpu.memory_space<hbm>> -> memref<64xi32, #tpu.memory_space<hbm>>
      tpu.wait_dma2 semaphore(%arg22 : memref<!tpu.dma_semaphore, #tpu.memory_space<semaphore_mem>>) src(%dma_wait3A_308 : memref<64xi32, #tpu.memory_space<hbm>>) dst(%arg10 : memref<64xi32, #tpu.memory_space<vmem>>)
      %dma_wait3A_309 = arith.constant 0 : i32
      %dma_wait3A_310 = arith.constant 0 : i32
      %dma_wait3A_311 = tpu.memref_slice %arg5[%arg1, %dma_wait3A_309, %dma_wait3A_310] : memref<16x160x64xi32, #tpu.memory_space<hbm>> -> memref<1x1x64xi32, #tpu.memory_space<hbm>>
      %dma_wait3A_312 = tpu.memref_squeeze %dma_wait3A_311 : memref<1x1x64xi32, #tpu.memory_space<hbm>> -> memref<64xi32, #tpu.memory_space<hbm>>
      %dma_wait3A_313 = arith.constant 0 : i32
      %dma_wait3A_314 = tpu.memref_slice %arg5[%arg1, %dma_wait3A_309, %dma_wait3A_313] : memref<16x160x64xi32, #tpu.memory_space<hbm>> -> memref<1x1x64xi32, #tpu.memory_space<hbm>>
      %dma_wait3A_315 = tpu.memref_squeeze %dma_wait3A_314 : memref<1x1x64xi32, #tpu.memory_space<hbm>> -> memref<64xi32, #tpu.memory_space<hbm>>
      tpu.wait_dma2 semaphore(%arg22 : memref<!tpu.dma_semaphore, #tpu.memory_space<semaphore_mem>>) src(%dma_wait3A_315 : memref<64xi32, #tpu.memory_space<hbm>>) dst(%arg14 : memref<64xi32, #tpu.memory_space<vmem>>)
      %eq3A_316 = arith.constant 0 : i32
      %eq3A_317 = arith.cmpi eq, %arg0, %eq3A_316 : i32
      %convert_element_type3A_318 = arith.extui %eq3A_317 : i1 to i32
      %cond3A_319 = arith.constant 0 : i32
      %cond3A_320 = arith.cmpi ne, %convert_element_type3A_318, %cond3A_319 : i32
      scf.if %cond3A_320 {
        %dma_start3A_376 = arith.constant 0 : i32
        %dma_start3A_377 = arith.constant 0 : i32
        %dma_start3A_378 = tpu.memref_slice %arg2[%dma_start3A_376, %dma_start3A_377] : memref<10000x128xf32, #tpu.memory_space<hbm>> -> memref<10000x128xf32, #tpu.memory_space<hbm>>
        tpu.enqueue_indirect_dma source(%dma_start3A_378 : memref<10000x128xf32, #tpu.memory_space<hbm>>) target(%arg18 : memref<64x128xf32, #tpu.memory_space<vmem>>) offsets(%arg10 : memref<64xi32, #tpu.memory_space<vmem>>) semaphore(%arg26 : memref<!tpu.dma_semaphore, #tpu.memory_space<semaphore_mem>>)
      } else {
      }
      %eq3A_321 = arith.constant 1 : i32
      %eq3A_322 = arith.cmpi eq, %arg0, %eq3A_321 : i32
      %convert_element_type3A_323 = arith.extui %eq3A_322 : i1 to i32
      %cond3A_324 = arith.constant 0 : i32
      %cond3A_325 = arith.cmpi ne, %convert_element_type3A_323, %cond3A_324 : i32
      scf.if %cond3A_325 {
        %dma_start3A_376 = arith.constant 0 : i32
        %dma_start3A_377 = arith.constant 0 : i32
        %dma_start3A_378 = tpu.memref_slice %arg3[%dma_start3A_376, %dma_start3A_377] : memref<10000x128xf32, #tpu.memory_space<hbm>> -> memref<10000x128xf32, #tpu.memory_space<hbm>>
        tpu.enqueue_indirect_dma source(%dma_start3A_378 : memref<10000x128xf32, #tpu.memory_space<hbm>>) target(%arg18 : memref<64x128xf32, #tpu.memory_space<vmem>>) offsets(%arg10 : memref<64xi32, #tpu.memory_space<vmem>>) semaphore(%arg26 : memref<!tpu.dma_semaphore, #tpu.memory_space<semaphore_mem>>)
      } else {
      }
      %mul3A_326 = arith.constant 4 : i32
      %mul3A_327 = arith.muli %mul3A_326, %scan3A_177 : i32
      %add3A_328 = arith.constant 3 : i32
      %add3A_329 = arith.addi %mul3A_327, %add3A_328 : i32
      %gt3A_330 = arith.constant 0 : i32
      %gt3A_331 = arith.cmpi sgt, %scan3A_177, %gt3A_330 : i32
      %convert_element_type3A_332 = arith.extui %gt3A_331 : i1 to i32
      %cond3A_333 = arith.constant 0 : i32
      %cond3A_334 = arith.cmpi ne, %convert_element_type3A_332, %cond3A_333 : i32
      scf.if %cond3A_334 {
        %dma_wait3A_376 = arith.constant 0 : i32
        %dma_wait3A_377 = arith.constant 0 : i32
        %dma_wait3A_378 = tpu.memref_slice %arg32[%dma_wait3A_376, %dma_wait3A_377] : memref<10240x128xf32, #tpu.memory_space<vmem_shared>> -> memref<10240x128xf32, #tpu.memory_space<vmem_shared>>
        tpu.wait_indirect_dma semaphore(%arg31 : memref<!tpu.dma_semaphore, #tpu.memory_space<semaphore_mem>>) src(%arg19 : memref<64x128xf32, #tpu.memory_space<vmem>>) dst(%dma_wait3A_378 : memref<10240x128xf32, #tpu.memory_space<vmem_shared>>)
      } else {
      }
      %dma_start3A_335 = arith.constant 0 : i32
      %dma_start3A_336 = tpu.memref_slice %arg4[%arg1, %add3A_329, %dma_start3A_335] : memref<16x160x64xi32, #tpu.memory_space<hbm>> -> memref<1x1x64xi32, #tpu.memory_space<hbm>>
      %dma_start3A_337 = tpu.memref_squeeze %dma_start3A_336 : memref<1x1x64xi32, #tpu.memory_space<hbm>> -> memref<64xi32, #tpu.memory_space<hbm>>
      %dma_start3A_338 = arith.constant 0 : i32
      %dma_start3A_339 = tpu.memref_slice %arg4[%arg1, %add3A_329, %dma_start3A_338] : memref<16x160x64xi32, #tpu.memory_space<hbm>> -> memref<1x1x64xi32, #tpu.memory_space<hbm>>
      %dma_start3A_340 = tpu.memref_squeeze %dma_start3A_339 : memref<1x1x64xi32, #tpu.memory_space<hbm>> -> memref<64xi32, #tpu.memory_space<hbm>>
      tpu.enqueue_dma source(%dma_start3A_340 : memref<64xi32, #tpu.memory_space<hbm>>) target(%arg11 : memref<64xi32, #tpu.memory_space<vmem>>) target_semaphore(%arg23 : memref<!tpu.dma_semaphore, #tpu.memory_space<semaphore_mem>>)
      %dma_start3A_341 = arith.constant 0 : i32
      %dma_start3A_342 = tpu.memref_slice %arg5[%arg1, %add3A_329, %dma_start3A_341] : memref<16x160x64xi32, #tpu.memory_space<hbm>> -> memref<1x1x64xi32, #tpu.memory_space<hbm>>
      %dma_start3A_343 = tpu.memref_squeeze %dma_start3A_342 : memref<1x1x64xi32, #tpu.memory_space<hbm>> -> memref<64xi32, #tpu.memory_space<hbm>>
      %dma_start3A_344 = arith.constant 0 : i32
      %dma_start3A_345 = tpu.memref_slice %arg5[%arg1, %add3A_329, %dma_start3A_344] : memref<16x160x64xi32, #tpu.memory_space<hbm>> -> memref<1x1x64xi32, #tpu.memory_space<hbm>>
      %dma_start3A_346 = tpu.memref_squeeze %dma_start3A_345 : memref<1x1x64xi32, #tpu.memory_space<hbm>> -> memref<64xi32, #tpu.memory_space<hbm>>
      tpu.enqueue_dma source(%dma_start3A_346 : memref<64xi32, #tpu.memory_space<hbm>>) target(%arg15 : memref<64xi32, #tpu.memory_space<vmem>>) target_semaphore(%arg23 : memref<!tpu.dma_semaphore, #tpu.memory_space<semaphore_mem>>)
      %ge3A_347 = arith.constant 3 : i32
      %ge3A_348 = arith.cmpi sge, %add3A_329, %ge3A_347 : i32
      %convert_element_type3A_349 = arith.extui %ge3A_348 : i1 to i32
      %cond3A_350 = arith.constant 0 : i32
      %cond3A_351 = arith.cmpi ne, %convert_element_type3A_349, %cond3A_350 : i32
      scf.if %cond3A_351 {
        %dma_wait3A_376 = arith.constant 0 : i32
        %dma_wait3A_377 = arith.constant 0 : i32
        %dma_wait3A_378 = tpu.memref_slice %arg2[%dma_wait3A_376, %dma_wait3A_377] : memref<10000x128xf32, #tpu.memory_space<hbm>> -> memref<10000x128xf32, #tpu.memory_space<hbm>>
        tpu.wait_indirect_dma semaphore(%arg24 : memref<!tpu.dma_semaphore, #tpu.memory_space<semaphore_mem>>) src(%dma_wait3A_378 : memref<10000x128xf32, #tpu.memory_space<hbm>>) dst(%arg16 : memref<64x128xf32, #tpu.memory_space<vmem>>)
        %dma_start3A_379 = arith.constant 0 : i32
        %dma_start3A_380 = arith.constant 0 : i32
        %dma_start3A_381 = tpu.memref_slice %arg32[%dma_start3A_379, %dma_start3A_380] : memref<10240x128xf32, #tpu.memory_space<vmem_shared>> -> memref<10240x128xf32, #tpu.memory_space<vmem_shared>>
        tpu.enqueue_indirect_dma source(%arg16 : memref<64x128xf32, #tpu.memory_space<vmem>>) target(%dma_start3A_381 : memref<10240x128xf32, #tpu.memory_space<vmem_shared>>) offsets(%arg12 : memref<64xi32, #tpu.memory_space<vmem>>) semaphore(%arg28 : memref<!tpu.dma_semaphore, #tpu.memory_space<semaphore_mem>>) {add = true}
      } else {
      }
      %dma_wait3A_352 = arith.constant 0 : i32
      %dma_wait3A_353 = arith.constant 0 : i32
      %dma_wait3A_354 = tpu.memref_slice %arg4[%arg1, %dma_wait3A_352, %dma_wait3A_353] : memref<16x160x64xi32, #tpu.memory_space<hbm>> -> memref<1x1x64xi32, #tpu.memory_space<hbm>>
      %dma_wait3A_355 = tpu.memref_squeeze %dma_wait3A_354 : memref<1x1x64xi32, #tpu.memory_space<hbm>> -> memref<64xi32, #tpu.memory_space<hbm>>
      %dma_wait3A_356 = arith.constant 0 : i32
      %dma_wait3A_357 = tpu.memref_slice %arg4[%arg1, %dma_wait3A_352, %dma_wait3A_356] : memref<16x160x64xi32, #tpu.memory_space<hbm>> -> memref<1x1x64xi32, #tpu.memory_space<hbm>>
      %dma_wait3A_358 = tpu.memref_squeeze %dma_wait3A_357 : memref<1x1x64xi32, #tpu.memory_space<hbm>> -> memref<64xi32, #tpu.memory_space<hbm>>
      tpu.wait_dma2 semaphore(%arg23 : memref<!tpu.dma_semaphore, #tpu.memory_space<semaphore_mem>>) src(%dma_wait3A_358 : memref<64xi32, #tpu.memory_space<hbm>>) dst(%arg11 : memref<64xi32, #tpu.memory_space<vmem>>)
      %dma_wait3A_359 = arith.constant 0 : i32
      %dma_wait3A_360 = arith.constant 0 : i32
      %dma_wait3A_361 = tpu.memref_slice %arg5[%arg1, %dma_wait3A_359, %dma_wait3A_360] : memref<16x160x64xi32, #tpu.memory_space<hbm>> -> memref<1x1x64xi32, #tpu.memory_space<hbm>>
      %dma_wait3A_362 = tpu.memref_squeeze %dma_wait3A_361 : memref<1x1x64xi32, #tpu.memory_space<hbm>> -> memref<64xi32, #tpu.memory_space<hbm>>
      %dma_wait3A_363 = arith.constant 0 : i32
      %dma_wait3A_364 = tpu.memref_slice %arg5[%arg1, %dma_wait3A_359, %dma_wait3A_363] : memref<16x160x64xi32, #tpu.memory_space<hbm>> -> memref<1x1x64xi32, #tpu.memory_space<hbm>>
      %dma_wait3A_365 = tpu.memref_squeeze %dma_wait3A_364 : memref<1x1x64xi32, #tpu.memory_space<hbm>> -> memref<64xi32, #tpu.memory_space<hbm>>
      tpu.wait_dma2 semaphore(%arg23 : memref<!tpu.dma_semaphore, #tpu.memory_space<semaphore_mem>>) src(%dma_wait3A_365 : memref<64xi32, #tpu.memory_space<hbm>>) dst(%arg15 : memref<64xi32, #tpu.memory_space<vmem>>)
      %eq3A_366 = arith.constant 0 : i32
      %eq3A_367 = arith.cmpi eq, %arg0, %eq3A_366 : i32
      %convert_element_type3A_368 = arith.extui %eq3A_367 : i1 to i32
      %cond3A_369 = arith.constant 0 : i32
      %cond3A_370 = arith.cmpi ne, %convert_element_type3A_368, %cond3A_369 : i32
      scf.if %cond3A_370 {
        %dma_start3A_376 = arith.constant 0 : i32
        %dma_start3A_377 = arith.constant 0 : i32
        %dma_start3A_378 = tpu.memref_slice %arg2[%dma_start3A_376, %dma_start3A_377] : memref<10000x128xf32, #tpu.memory_space<hbm>> -> memref<10000x128xf32, #tpu.memory_space<hbm>>
        tpu.enqueue_indirect_dma source(%dma_start3A_378 : memref<10000x128xf32, #tpu.memory_space<hbm>>) target(%arg19 : memref<64x128xf32, #tpu.memory_space<vmem>>) offsets(%arg11 : memref<64xi32, #tpu.memory_space<vmem>>) semaphore(%arg27 : memref<!tpu.dma_semaphore, #tpu.memory_space<semaphore_mem>>)
      } else {
      }
      %eq3A_371 = arith.constant 1 : i32
      %eq3A_372 = arith.cmpi eq, %arg0, %eq3A_371 : i32
      %convert_element_type3A_373 = arith.extui %eq3A_372 : i1 to i32
      %cond3A_374 = arith.constant 0 : i32
      %cond3A_375 = arith.cmpi ne, %convert_element_type3A_373, %cond3A_374 : i32
      scf.if %cond3A_375 {
        %dma_start3A_376 = arith.constant 0 : i32
        %dma_start3A_377 = arith.constant 0 : i32
        %dma_start3A_378 = tpu.memref_slice %arg3[%dma_start3A_376, %dma_start3A_377] : memref<10000x128xf32, #tpu.memory_space<hbm>> -> memref<10000x128xf32, #tpu.memory_space<hbm>>
        tpu.enqueue_indirect_dma source(%dma_start3A_378 : memref<10000x128xf32, #tpu.memory_space<hbm>>) target(%arg19 : memref<64x128xf32, #tpu.memory_space<vmem>>) offsets(%arg11 : memref<64xi32, #tpu.memory_space<vmem>>) semaphore(%arg27 : memref<!tpu.dma_semaphore, #tpu.memory_space<semaphore_mem>>)
      } else {
      }
    }
    %scan3A_30 = arith.constant 40 : i32
    %dma_wait3A = arith.constant 0 : i32
    %dma_wait3A_31 = arith.constant 0 : i32
    %dma_wait3A_32 = tpu.memref_slice %arg2[%dma_wait3A, %dma_wait3A_31] : memref<10000x128xf32, #tpu.memory_space<hbm>> -> memref<10000x128xf32, #tpu.memory_space<hbm>>
    tpu.wait_indirect_dma semaphore(%arg25 : memref<!tpu.dma_semaphore, #tpu.memory_space<semaphore_mem>>) src(%dma_wait3A_32 : memref<10000x128xf32, #tpu.memory_space<hbm>>) dst(%arg17 : memref<64x128xf32, #tpu.memory_space<vmem>>)
    %dma_start3A = arith.constant 0 : i32
    %dma_start3A_33 = arith.constant 0 : i32
    %dma_start3A_34 = tpu.memref_slice %arg32[%dma_start3A, %dma_start3A_33] : memref<10240x128xf32, #tpu.memory_space<vmem_shared>> -> memref<10240x128xf32, #tpu.memory_space<vmem_shared>>
    tpu.enqueue_indirect_dma source(%arg17 : memref<64x128xf32, #tpu.memory_space<vmem>>) target(%dma_start3A_34 : memref<10240x128xf32, #tpu.memory_space<vmem_shared>>) offsets(%arg13 : memref<64xi32, #tpu.memory_space<vmem>>) semaphore(%arg29 : memref<!tpu.dma_semaphore, #tpu.memory_space<semaphore_mem>>) {add = true}
    %dma_wait3A_35 = arith.constant 0 : i32
    %dma_wait3A_36 = arith.constant 0 : i32
    %dma_wait3A_37 = tpu.memref_slice %arg2[%dma_wait3A_35, %dma_wait3A_36] : memref<10000x128xf32, #tpu.memory_space<hbm>> -> memref<10000x128xf32, #tpu.memory_space<hbm>>
    tpu.wait_indirect_dma semaphore(%arg26 : memref<!tpu.dma_semaphore, #tpu.memory_space<semaphore_mem>>) src(%dma_wait3A_37 : memref<10000x128xf32, #tpu.memory_space<hbm>>) dst(%arg18 : memref<64x128xf32, #tpu.memory_space<vmem>>)
    %dma_start3A_38 = arith.constant 0 : i32
    %dma_start3A_39 = arith.constant 0 : i32
    %dma_start3A_40 = tpu.memref_slice %arg32[%dma_start3A_38, %dma_start3A_39] : memref<10240x128xf32, #tpu.memory_space<vmem_shared>> -> memref<10240x128xf32, #tpu.memory_space<vmem_shared>>
    tpu.enqueue_indirect_dma source(%arg18 : memref<64x128xf32, #tpu.memory_space<vmem>>) target(%dma_start3A_40 : memref<10240x128xf32, #tpu.memory_space<vmem_shared>>) offsets(%arg14 : memref<64xi32, #tpu.memory_space<vmem>>) semaphore(%arg30 : memref<!tpu.dma_semaphore, #tpu.memory_space<semaphore_mem>>) {add = true}
    %dma_wait3A_41 = arith.constant 0 : i32
    %dma_wait3A_42 = arith.constant 0 : i32
    %dma_wait3A_43 = tpu.memref_slice %arg2[%dma_wait3A_41, %dma_wait3A_42] : memref<10000x128xf32, #tpu.memory_space<hbm>> -> memref<10000x128xf32, #tpu.memory_space<hbm>>
    tpu.wait_indirect_dma semaphore(%arg27 : memref<!tpu.dma_semaphore, #tpu.memory_space<semaphore_mem>>) src(%dma_wait3A_43 : memref<10000x128xf32, #tpu.memory_space<hbm>>) dst(%arg19 : memref<64x128xf32, #tpu.memory_space<vmem>>)
    %dma_start3A_44 = arith.constant 0 : i32
    %dma_start3A_45 = arith.constant 0 : i32
    %dma_start3A_46 = tpu.memref_slice %arg32[%dma_start3A_44, %dma_start3A_45] : memref<10240x128xf32, #tpu.memory_space<vmem_shared>> -> memref<10240x128xf32, #tpu.memory_space<vmem_shared>>
    tpu.enqueue_indirect_dma source(%arg19 : memref<64x128xf32, #tpu.memory_space<vmem>>) target(%dma_start3A_46 : memref<10240x128xf32, #tpu.memory_space<vmem_shared>>) offsets(%arg15 : memref<64xi32, #tpu.memory_space<vmem>>) semaphore(%arg31 : memref<!tpu.dma_semaphore, #tpu.memory_space<semaphore_mem>>) {add = true}
    %dma_wait3A_47 = arith.constant 0 : i32
    %dma_wait3A_48 = arith.constant 0 : i32
    %dma_wait3A_49 = tpu.memref_slice %arg32[%dma_wait3A_47, %dma_wait3A_48] : memref<10240x128xf32, #tpu.memory_space<vmem_shared>> -> memref<10240x128xf32, #tpu.memory_space<vmem_shared>>
    tpu.wait_indirect_dma semaphore(%arg28 : memref<!tpu.dma_semaphore, #tpu.memory_space<semaphore_mem>>) src(%arg16 : memref<64x128xf32, #tpu.memory_space<vmem>>) dst(%dma_wait3A_49 : memref<10240x128xf32, #tpu.memory_space<vmem_shared>>)
    %dma_wait3A_50 = arith.constant 0 : i32
    %dma_wait3A_51 = arith.constant 0 : i32
    %dma_wait3A_52 = tpu.memref_slice %arg32[%dma_wait3A_50, %dma_wait3A_51] : memref<10240x128xf32, #tpu.memory_space<vmem_shared>> -> memref<10240x128xf32, #tpu.memory_space<vmem_shared>>
    tpu.wait_indirect_dma semaphore(%arg29 : memref<!tpu.dma_semaphore, #tpu.memory_space<semaphore_mem>>) src(%arg17 : memref<64x128xf32, #tpu.memory_space<vmem>>) dst(%dma_wait3A_52 : memref<10240x128xf32, #tpu.memory_space<vmem_shared>>)
    %dma_wait3A_53 = arith.constant 0 : i32
    %dma_wait3A_54 = arith.constant 0 : i32
    %dma_wait3A_55 = tpu.memref_slice %arg32[%dma_wait3A_53, %dma_wait3A_54] : memref<10240x128xf32, #tpu.memory_space<vmem_shared>> -> memref<10240x128xf32, #tpu.memory_space<vmem_shared>>
    tpu.wait_indirect_dma semaphore(%arg30 : memref<!tpu.dma_semaphore, #tpu.memory_space<semaphore_mem>>) src(%arg18 : memref<64x128xf32, #tpu.memory_space<vmem>>) dst(%dma_wait3A_55 : memref<10240x128xf32, #tpu.memory_space<vmem_shared>>)
    %dma_wait3A_56 = arith.constant 0 : i32
    %dma_wait3A_57 = arith.constant 0 : i32
    %dma_wait3A_58 = tpu.memref_slice %arg32[%dma_wait3A_56, %dma_wait3A_57] : memref<10240x128xf32, #tpu.memory_space<vmem_shared>> -> memref<10240x128xf32, #tpu.memory_space<vmem_shared>>
    tpu.wait_indirect_dma semaphore(%arg31 : memref<!tpu.dma_semaphore, #tpu.memory_space<semaphore_mem>>) src(%arg19 : memref<64x128xf32, #tpu.memory_space<vmem>>) dst(%dma_wait3A_58 : memref<10240x128xf32, #tpu.memory_space<vmem_shared>>)
    %barrier3A_59 = arith.constant 0 : index
    tpu.barrier barrier_id(%barrier3A_59)
    %add3A_60 = arith.constant 0 : i32
    %add3A_61 = arith.addi %mul3A_5, %add3A_60 : i32
    "tpu.region"() ({
      %run_scoped3A = tpu.sem_alloc : memref<!tpu.dma_semaphore, #tpu.memory_space<semaphore_mem>>
      %dma_start3A_177 = arith.constant 0 : i32
      %dma_start3A_178 = tpu.memref_slice %arg32[%add3A_61, %dma_start3A_177] : memref<10240x128xf32, #tpu.memory_space<vmem_shared>> -> memref<64x128xf32, #tpu.memory_space<vmem_shared>>
      %dma_start3A_179 = arith.constant 0 : i32
      %dma_start3A_180 = tpu.memref_slice %arg32[%add3A_61, %dma_start3A_179] : memref<10240x128xf32, #tpu.memory_space<vmem_shared>> -> memref<64x128xf32, #tpu.memory_space<vmem_shared>>
      tpu.enqueue_dma source(%dma_start3A_180 : memref<64x128xf32, #tpu.memory_space<vmem_shared>>) target(%arg16 : memref<64x128xf32, #tpu.memory_space<vmem>>) target_semaphore(%run_scoped3A : memref<!tpu.dma_semaphore, #tpu.memory_space<semaphore_mem>>)
      %dma_wait3A_181 = arith.constant 0 : i32
      %dma_wait3A_182 = tpu.memref_slice %arg32[%add3A_61, %dma_wait3A_181] : memref<10240x128xf32, #tpu.memory_space<vmem_shared>> -> memref<64x128xf32, #tpu.memory_space<vmem_shared>>
      %dma_wait3A_183 = arith.constant 0 : i32
      %dma_wait3A_184 = tpu.memref_slice %arg32[%add3A_61, %dma_wait3A_183] : memref<10240x128xf32, #tpu.memory_space<vmem_shared>> -> memref<64x128xf32, #tpu.memory_space<vmem_shared>>
      tpu.wait_dma2 semaphore(%run_scoped3A : memref<!tpu.dma_semaphore, #tpu.memory_space<semaphore_mem>>) src(%dma_wait3A_184 : memref<64x128xf32, #tpu.memory_space<vmem_shared>>) dst(%arg16 : memref<64x128xf32, #tpu.memory_space<vmem>>)
      tpu.yield
    }) : () -> ()
    %eq3A = arith.constant 0 : i32
    %eq3A_62 = arith.cmpi eq, %arg0, %eq3A : i32
    %convert_element_type3A = arith.extui %eq3A_62 : i1 to i32
    %cond3A = arith.constant 0 : i32
    %cond3A_63 = arith.cmpi ne, %convert_element_type3A, %cond3A : i32
    scf.if %cond3A_63 {
      %add3A_177 = arith.constant 0 : i32
      %add3A_178 = arith.addi %mul3A_5, %add3A_177 : i32
      "tpu.region"() ({
        %run_scoped3A = tpu.sem_alloc : memref<!tpu.dma_semaphore, #tpu.memory_space<semaphore_mem>>
        %dma_start3A_179 = arith.constant 0 : i32
        %dma_start3A_180 = tpu.memref_slice %arg6[%add3A_178, %dma_start3A_179] : memref<10240x128xf32, #tpu.memory_space<hbm>> -> memref<64x128xf32, #tpu.memory_space<hbm>>
        %dma_start3A_181 = arith.constant 0 : i32
        %dma_start3A_182 = tpu.memref_slice %arg6[%add3A_178, %dma_start3A_181] : memref<10240x128xf32, #tpu.memory_space<hbm>> -> memref<64x128xf32, #tpu.memory_space<hbm>>
        tpu.enqueue_dma source(%arg16 : memref<64x128xf32, #tpu.memory_space<vmem>>) target(%dma_start3A_182 : memref<64x128xf32, #tpu.memory_space<hbm>>) target_semaphore(%run_scoped3A : memref<!tpu.dma_semaphore, #tpu.memory_space<semaphore_mem>>)
        %dma_wait3A_183 = arith.constant 0 : i32
        %dma_wait3A_184 = tpu.memref_slice %arg6[%add3A_178, %dma_wait3A_183] : memref<10240x128xf32, #tpu.memory_space<hbm>> -> memref<64x128xf32, #tpu.memory_space<hbm>>
        %dma_wait3A_185 = arith.constant 0 : i32
        %dma_wait3A_186 = tpu.memref_slice %arg6[%add3A_178, %dma_wait3A_185] : memref<10240x128xf32, #tpu.memory_space<hbm>> -> memref<64x128xf32, #tpu.memory_space<hbm>>
        tpu.wait_dma2 semaphore(%run_scoped3A : memref<!tpu.dma_semaphore, #tpu.memory_space<semaphore_mem>>) src(%arg16 : memref<64x128xf32, #tpu.memory_space<vmem>>) dst(%dma_wait3A_186 : memref<64x128xf32, #tpu.memory_space<hbm>>)
        tpu.yield
      }) : () -> ()
    } else {
    }
    %eq3A_64 = arith.constant 1 : i32
    %eq3A_65 = arith.cmpi eq, %arg0, %eq3A_64 : i32
    %convert_element_type3A_66 = arith.extui %eq3A_65 : i1 to i32
    %cond3A_67 = arith.constant 0 : i32
    %cond3A_68 = arith.cmpi ne, %convert_element_type3A_66, %cond3A_67 : i32
    scf.if %cond3A_68 {
      %add3A_177 = arith.constant 0 : i32
      %add3A_178 = arith.addi %mul3A_5, %add3A_177 : i32
      "tpu.region"() ({
        %run_scoped3A = tpu.sem_alloc : memref<!tpu.dma_semaphore, #tpu.memory_space<semaphore_mem>>
        %dma_start3A_179 = arith.constant 0 : i32
        %dma_start3A_180 = tpu.memref_slice %arg7[%add3A_178, %dma_start3A_179] : memref<10240x128xf32, #tpu.memory_space<hbm>> -> memref<64x128xf32, #tpu.memory_space<hbm>>
        %dma_start3A_181 = arith.constant 0 : i32
        %dma_start3A_182 = tpu.memref_slice %arg7[%add3A_178, %dma_start3A_181] : memref<10240x128xf32, #tpu.memory_space<hbm>> -> memref<64x128xf32, #tpu.memory_space<hbm>>
        tpu.enqueue_dma source(%arg16 : memref<64x128xf32, #tpu.memory_space<vmem>>) target(%dma_start3A_182 : memref<64x128xf32, #tpu.memory_space<hbm>>) target_semaphore(%run_scoped3A : memref<!tpu.dma_semaphore, #tpu.memory_space<semaphore_mem>>)
        %dma_wait3A_183 = arith.constant 0 : i32
        %dma_wait3A_184 = tpu.memref_slice %arg7[%add3A_178, %dma_wait3A_183] : memref<10240x128xf32, #tpu.memory_space<hbm>> -> memref<64x128xf32, #tpu.memory_space<hbm>>
        %dma_wait3A_185 = arith.constant 0 : i32
        %dma_wait3A_186 = tpu.memref_slice %arg7[%add3A_178, %dma_wait3A_185] : memref<10240x128xf32, #tpu.memory_space<hbm>> -> memref<64x128xf32, #tpu.memory_space<hbm>>
        tpu.wait_dma2 semaphore(%run_scoped3A : memref<!tpu.dma_semaphore, #tpu.memory_space<semaphore_mem>>) src(%arg16 : memref<64x128xf32, #tpu.memory_space<vmem>>) dst(%dma_wait3A_186 : memref<64x128xf32, #tpu.memory_space<hbm>>)
        tpu.yield
      }) : () -> ()
    } else {
    }
    %add3A_69 = arith.constant 64 : i32
    %add3A_70 = arith.addi %mul3A_5, %add3A_69 : i32
    "tpu.region"() ({
      %run_scoped3A = tpu.sem_alloc : memref<!tpu.dma_semaphore, #tpu.memory_space<semaphore_mem>>
      %dma_start3A_177 = arith.constant 0 : i32
      %dma_start3A_178 = tpu.memref_slice %arg32[%add3A_70, %dma_start3A_177] : memref<10240x128xf32, #tpu.memory_space<vmem_shared>> -> memref<64x128xf32, #tpu.memory_space<vmem_shared>>
      %dma_start3A_179 = arith.constant 0 : i32
      %dma_start3A_180 = tpu.memref_slice %arg32[%add3A_70, %dma_start3A_179] : memref<10240x128xf32, #tpu.memory_space<vmem_shared>> -> memref<64x128xf32, #tpu.memory_space<vmem_shared>>
      tpu.enqueue_dma source(%dma_start3A_180 : memref<64x128xf32, #tpu.memory_space<vmem_shared>>) target(%arg16 : memref<64x128xf32, #tpu.memory_space<vmem>>) target_semaphore(%run_scoped3A : memref<!tpu.dma_semaphore, #tpu.memory_space<semaphore_mem>>)
      %dma_wait3A_181 = arith.constant 0 : i32
      %dma_wait3A_182 = tpu.memref_slice %arg32[%add3A_70, %dma_wait3A_181] : memref<10240x128xf32, #tpu.memory_space<vmem_shared>> -> memref<64x128xf32, #tpu.memory_space<vmem_shared>>
      %dma_wait3A_183 = arith.constant 0 : i32
      %dma_wait3A_184 = tpu.memref_slice %arg32[%add3A_70, %dma_wait3A_183] : memref<10240x128xf32, #tpu.memory_space<vmem_shared>> -> memref<64x128xf32, #tpu.memory_space<vmem_shared>>
      tpu.wait_dma2 semaphore(%run_scoped3A : memref<!tpu.dma_semaphore, #tpu.memory_space<semaphore_mem>>) src(%dma_wait3A_184 : memref<64x128xf32, #tpu.memory_space<vmem_shared>>) dst(%arg16 : memref<64x128xf32, #tpu.memory_space<vmem>>)
      tpu.yield
    }) : () -> ()
    %eq3A_71 = arith.constant 0 : i32
    %eq3A_72 = arith.cmpi eq, %arg0, %eq3A_71 : i32
    %convert_element_type3A_73 = arith.extui %eq3A_72 : i1 to i32
    %cond3A_74 = arith.constant 0 : i32
    %cond3A_75 = arith.cmpi ne, %convert_element_type3A_73, %cond3A_74 : i32
    scf.if %cond3A_75 {
      %add3A_177 = arith.constant 64 : i32
      %add3A_178 = arith.addi %mul3A_5, %add3A_177 : i32
      "tpu.region"() ({
        %run_scoped3A = tpu.sem_alloc : memref<!tpu.dma_semaphore, #tpu.memory_space<semaphore_mem>>
        %dma_start3A_179 = arith.constant 0 : i32
        %dma_start3A_180 = tpu.memref_slice %arg6[%add3A_178, %dma_start3A_179] : memref<10240x128xf32, #tpu.memory_space<hbm>> -> memref<64x128xf32, #tpu.memory_space<hbm>>
        %dma_start3A_181 = arith.constant 0 : i32
        %dma_start3A_182 = tpu.memref_slice %arg6[%add3A_178, %dma_start3A_181] : memref<10240x128xf32, #tpu.memory_space<hbm>> -> memref<64x128xf32, #tpu.memory_space<hbm>>
        tpu.enqueue_dma source(%arg16 : memref<64x128xf32, #tpu.memory_space<vmem>>) target(%dma_start3A_182 : memref<64x128xf32, #tpu.memory_space<hbm>>) target_semaphore(%run_scoped3A : memref<!tpu.dma_semaphore, #tpu.memory_space<semaphore_mem>>)
        %dma_wait3A_183 = arith.constant 0 : i32
        %dma_wait3A_184 = tpu.memref_slice %arg6[%add3A_178, %dma_wait3A_183] : memref<10240x128xf32, #tpu.memory_space<hbm>> -> memref<64x128xf32, #tpu.memory_space<hbm>>
        %dma_wait3A_185 = arith.constant 0 : i32
        %dma_wait3A_186 = tpu.memref_slice %arg6[%add3A_178, %dma_wait3A_185] : memref<10240x128xf32, #tpu.memory_space<hbm>> -> memref<64x128xf32, #tpu.memory_space<hbm>>
        tpu.wait_dma2 semaphore(%run_scoped3A : memref<!tpu.dma_semaphore, #tpu.memory_space<semaphore_mem>>) src(%arg16 : memref<64x128xf32, #tpu.memory_space<vmem>>) dst(%dma_wait3A_186 : memref<64x128xf32, #tpu.memory_space<hbm>>)
        tpu.yield
      }) : () -> ()
    } else {
    }
    %eq3A_76 = arith.constant 1 : i32
    %eq3A_77 = arith.cmpi eq, %arg0, %eq3A_76 : i32
    %convert_element_type3A_78 = arith.extui %eq3A_77 : i1 to i32
    %cond3A_79 = arith.constant 0 : i32
    %cond3A_80 = arith.cmpi ne, %convert_element_type3A_78, %cond3A_79 : i32
    scf.if %cond3A_80 {
      %add3A_177 = arith.constant 64 : i32
      %add3A_178 = arith.addi %mul3A_5, %add3A_177 : i32
      "tpu.region"() ({
        %run_scoped3A = tpu.sem_alloc : memref<!tpu.dma_semaphore, #tpu.memory_space<semaphore_mem>>
        %dma_start3A_179 = arith.constant 0 : i32
        %dma_start3A_180 = tpu.memref_slice %arg7[%add3A_178, %dma_start3A_179] : memref<10240x128xf32, #tpu.memory_space<hbm>> -> memref<64x128xf32, #tpu.memory_space<hbm>>
        %dma_start3A_181 = arith.constant 0 : i32
        %dma_start3A_182 = tpu.memref_slice %arg7[%add3A_178, %dma_start3A_181] : memref<10240x128xf32, #tpu.memory_space<hbm>> -> memref<64x128xf32, #tpu.memory_space<hbm>>
        tpu.enqueue_dma source(%arg16 : memref<64x128xf32, #tpu.memory_space<vmem>>) target(%dma_start3A_182 : memref<64x128xf32, #tpu.memory_space<hbm>>) target_semaphore(%run_scoped3A : memref<!tpu.dma_semaphore, #tpu.memory_space<semaphore_mem>>)
        %dma_wait3A_183 = arith.constant 0 : i32
        %dma_wait3A_184 = tpu.memref_slice %arg7[%add3A_178, %dma_wait3A_183] : memref<10240x128xf32, #tpu.memory_space<hbm>> -> memref<64x128xf32, #tpu.memory_space<hbm>>
        %dma_wait3A_185 = arith.constant 0 : i32
        %dma_wait3A_186 = tpu.memref_slice %arg7[%add3A_178, %dma_wait3A_185] : memref<10240x128xf32, #tpu.memory_space<hbm>> -> memref<64x128xf32, #tpu.memory_space<hbm>>
        tpu.wait_dma2 semaphore(%run_scoped3A : memref<!tpu.dma_semaphore, #tpu.memory_space<semaphore_mem>>) src(%arg16 : memref<64x128xf32, #tpu.memory_space<vmem>>) dst(%dma_wait3A_186 : memref<64x128xf32, #tpu.memory_space<hbm>>)
        tpu.yield
      }) : () -> ()
    } else {
    }
    %add3A_81 = arith.constant 128 : i32
    %add3A_82 = arith.addi %mul3A_5, %add3A_81 : i32
    "tpu.region"() ({
      %run_scoped3A = tpu.sem_alloc : memref<!tpu.dma_semaphore, #tpu.memory_space<semaphore_mem>>
      %dma_start3A_177 = arith.constant 0 : i32
      %dma_start3A_178 = tpu.memref_slice %arg32[%add3A_82, %dma_start3A_177] : memref<10240x128xf32, #tpu.memory_space<vmem_shared>> -> memref<64x128xf32, #tpu.memory_space<vmem_shared>>
      %dma_start3A_179 = arith.constant 0 : i32
      %dma_start3A_180 = tpu.memref_slice %arg32[%add3A_82, %dma_start3A_179] : memref<10240x128xf32, #tpu.memory_space<vmem_shared>> -> memref<64x128xf32, #tpu.memory_space<vmem_shared>>
      tpu.enqueue_dma source(%dma_start3A_180 : memref<64x128xf32, #tpu.memory_space<vmem_shared>>) target(%arg16 : memref<64x128xf32, #tpu.memory_space<vmem>>) target_semaphore(%run_scoped3A : memref<!tpu.dma_semaphore, #tpu.memory_space<semaphore_mem>>)
      %dma_wait3A_181 = arith.constant 0 : i32
      %dma_wait3A_182 = tpu.memref_slice %arg32[%add3A_82, %dma_wait3A_181] : memref<10240x128xf32, #tpu.memory_space<vmem_shared>> -> memref<64x128xf32, #tpu.memory_space<vmem_shared>>
      %dma_wait3A_183 = arith.constant 0 : i32
      %dma_wait3A_184 = tpu.memref_slice %arg32[%add3A_82, %dma_wait3A_183] : memref<10240x128xf32, #tpu.memory_space<vmem_shared>> -> memref<64x128xf32, #tpu.memory_space<vmem_shared>>
      tpu.wait_dma2 semaphore(%run_scoped3A : memref<!tpu.dma_semaphore, #tpu.memory_space<semaphore_mem>>) src(%dma_wait3A_184 : memref<64x128xf32, #tpu.memory_space<vmem_shared>>) dst(%arg16 : memref<64x128xf32, #tpu.memory_space<vmem>>)
      tpu.yield
    }) : () -> ()
    %eq3A_83 = arith.constant 0 : i32
    %eq3A_84 = arith.cmpi eq, %arg0, %eq3A_83 : i32
    %convert_element_type3A_85 = arith.extui %eq3A_84 : i1 to i32
    %cond3A_86 = arith.constant 0 : i32
    %cond3A_87 = arith.cmpi ne, %convert_element_type3A_85, %cond3A_86 : i32
    scf.if %cond3A_87 {
      %add3A_177 = arith.constant 128 : i32
      %add3A_178 = arith.addi %mul3A_5, %add3A_177 : i32
      "tpu.region"() ({
        %run_scoped3A = tpu.sem_alloc : memref<!tpu.dma_semaphore, #tpu.memory_space<semaphore_mem>>
        %dma_start3A_179 = arith.constant 0 : i32
        %dma_start3A_180 = tpu.memref_slice %arg6[%add3A_178, %dma_start3A_179] : memref<10240x128xf32, #tpu.memory_space<hbm>> -> memref<64x128xf32, #tpu.memory_space<hbm>>
        %dma_start3A_181 = arith.constant 0 : i32
        %dma_start3A_182 = tpu.memref_slice %arg6[%add3A_178, %dma_start3A_181] : memref<10240x128xf32, #tpu.memory_space<hbm>> -> memref<64x128xf32, #tpu.memory_space<hbm>>
        tpu.enqueue_dma source(%arg16 : memref<64x128xf32, #tpu.memory_space<vmem>>) target(%dma_start3A_182 : memref<64x128xf32, #tpu.memory_space<hbm>>) target_semaphore(%run_scoped3A : memref<!tpu.dma_semaphore, #tpu.memory_space<semaphore_mem>>)
        %dma_wait3A_183 = arith.constant 0 : i32
        %dma_wait3A_184 = tpu.memref_slice %arg6[%add3A_178, %dma_wait3A_183] : memref<10240x128xf32, #tpu.memory_space<hbm>> -> memref<64x128xf32, #tpu.memory_space<hbm>>
        %dma_wait3A_185 = arith.constant 0 : i32
        %dma_wait3A_186 = tpu.memref_slice %arg6[%add3A_178, %dma_wait3A_185] : memref<10240x128xf32, #tpu.memory_space<hbm>> -> memref<64x128xf32, #tpu.memory_space<hbm>>
        tpu.wait_dma2 semaphore(%run_scoped3A : memref<!tpu.dma_semaphore, #tpu.memory_space<semaphore_mem>>) src(%arg16 : memref<64x128xf32, #tpu.memory_space<vmem>>) dst(%dma_wait3A_186 : memref<64x128xf32, #tpu.memory_space<hbm>>)
        tpu.yield
      }) : () -> ()
    } else {
    }
    %eq3A_88 = arith.constant 1 : i32
    %eq3A_89 = arith.cmpi eq, %arg0, %eq3A_88 : i32
    %convert_element_type3A_90 = arith.extui %eq3A_89 : i1 to i32
    %cond3A_91 = arith.constant 0 : i32
    %cond3A_92 = arith.cmpi ne, %convert_element_type3A_90, %cond3A_91 : i32
    scf.if %cond3A_92 {
      %add3A_177 = arith.constant 128 : i32
      %add3A_178 = arith.addi %mul3A_5, %add3A_177 : i32
      "tpu.region"() ({
        %run_scoped3A = tpu.sem_alloc : memref<!tpu.dma_semaphore, #tpu.memory_space<semaphore_mem>>
        %dma_start3A_179 = arith.constant 0 : i32
        %dma_start3A_180 = tpu.memref_slice %arg7[%add3A_178, %dma_start3A_179] : memref<10240x128xf32, #tpu.memory_space<hbm>> -> memref<64x128xf32, #tpu.memory_space<hbm>>
        %dma_start3A_181 = arith.constant 0 : i32
        %dma_start3A_182 = tpu.memref_slice %arg7[%add3A_178, %dma_start3A_181] : memref<10240x128xf32, #tpu.memory_space<hbm>> -> memref<64x128xf32, #tpu.memory_space<hbm>>
        tpu.enqueue_dma source(%arg16 : memref<64x128xf32, #tpu.memory_space<vmem>>) target(%dma_start3A_182 : memref<64x128xf32, #tpu.memory_space<hbm>>) target_semaphore(%run_scoped3A : memref<!tpu.dma_semaphore, #tpu.memory_space<semaphore_mem>>)
        %dma_wait3A_183 = arith.constant 0 : i32
        %dma_wait3A_184 = tpu.memref_slice %arg7[%add3A_178, %dma_wait3A_183] : memref<10240x128xf32, #tpu.memory_space<hbm>> -> memref<64x128xf32, #tpu.memory_space<hbm>>
        %dma_wait3A_185 = arith.constant 0 : i32
        %dma_wait3A_186 = tpu.memref_slice %arg7[%add3A_178, %dma_wait3A_185] : memref<10240x128xf32, #tpu.memory_space<hbm>> -> memref<64x128xf32, #tpu.memory_space<hbm>>
        tpu.wait_dma2 semaphore(%run_scoped3A : memref<!tpu.dma_semaphore, #tpu.memory_space<semaphore_mem>>) src(%arg16 : memref<64x128xf32, #tpu.memory_space<vmem>>) dst(%dma_wait3A_186 : memref<64x128xf32, #tpu.memory_space<hbm>>)
        tpu.yield
      }) : () -> ()
    } else {
    }
    %add3A_93 = arith.constant 192 : i32
    %add3A_94 = arith.addi %mul3A_5, %add3A_93 : i32
    "tpu.region"() ({
      %run_scoped3A = tpu.sem_alloc : memref<!tpu.dma_semaphore, #tpu.memory_space<semaphore_mem>>
      %dma_start3A_177 = arith.constant 0 : i32
      %dma_start3A_178 = tpu.memref_slice %arg32[%add3A_94, %dma_start3A_177] : memref<10240x128xf32, #tpu.memory_space<vmem_shared>> -> memref<64x128xf32, #tpu.memory_space<vmem_shared>>
      %dma_start3A_179 = arith.constant 0 : i32
      %dma_start3A_180 = tpu.memref_slice %arg32[%add3A_94, %dma_start3A_179] : memref<10240x128xf32, #tpu.memory_space<vmem_shared>> -> memref<64x128xf32, #tpu.memory_space<vmem_shared>>
      tpu.enqueue_dma source(%dma_start3A_180 : memref<64x128xf32, #tpu.memory_space<vmem_shared>>) target(%arg16 : memref<64x128xf32, #tpu.memory_space<vmem>>) target_semaphore(%run_scoped3A : memref<!tpu.dma_semaphore, #tpu.memory_space<semaphore_mem>>)
      %dma_wait3A_181 = arith.constant 0 : i32
      %dma_wait3A_182 = tpu.memref_slice %arg32[%add3A_94, %dma_wait3A_181] : memref<10240x128xf32, #tpu.memory_space<vmem_shared>> -> memref<64x128xf32, #tpu.memory_space<vmem_shared>>
      %dma_wait3A_183 = arith.constant 0 : i32
      %dma_wait3A_184 = tpu.memref_slice %arg32[%add3A_94, %dma_wait3A_183] : memref<10240x128xf32, #tpu.memory_space<vmem_shared>> -> memref<64x128xf32, #tpu.memory_space<vmem_shared>>
      tpu.wait_dma2 semaphore(%run_scoped3A : memref<!tpu.dma_semaphore, #tpu.memory_space<semaphore_mem>>) src(%dma_wait3A_184 : memref<64x128xf32, #tpu.memory_space<vmem_shared>>) dst(%arg16 : memref<64x128xf32, #tpu.memory_space<vmem>>)
      tpu.yield
    }) : () -> ()
    %eq3A_95 = arith.constant 0 : i32
    %eq3A_96 = arith.cmpi eq, %arg0, %eq3A_95 : i32
    %convert_element_type3A_97 = arith.extui %eq3A_96 : i1 to i32
    %cond3A_98 = arith.constant 0 : i32
    %cond3A_99 = arith.cmpi ne, %convert_element_type3A_97, %cond3A_98 : i32
    scf.if %cond3A_99 {
      %add3A_177 = arith.constant 192 : i32
      %add3A_178 = arith.addi %mul3A_5, %add3A_177 : i32
      "tpu.region"() ({
        %run_scoped3A = tpu.sem_alloc : memref<!tpu.dma_semaphore, #tpu.memory_space<semaphore_mem>>
        %dma_start3A_179 = arith.constant 0 : i32
        %dma_start3A_180 = tpu.memref_slice %arg6[%add3A_178, %dma_start3A_179] : memref<10240x128xf32, #tpu.memory_space<hbm>> -> memref<64x128xf32, #tpu.memory_space<hbm>>
        %dma_start3A_181 = arith.constant 0 : i32
        %dma_start3A_182 = tpu.memref_slice %arg6[%add3A_178, %dma_start3A_181] : memref<10240x128xf32, #tpu.memory_space<hbm>> -> memref<64x128xf32, #tpu.memory_space<hbm>>
        tpu.enqueue_dma source(%arg16 : memref<64x128xf32, #tpu.memory_space<vmem>>) target(%dma_start3A_182 : memref<64x128xf32, #tpu.memory_space<hbm>>) target_semaphore(%run_scoped3A : memref<!tpu.dma_semaphore, #tpu.memory_space<semaphore_mem>>)
        %dma_wait3A_183 = arith.constant 0 : i32
        %dma_wait3A_184 = tpu.memref_slice %arg6[%add3A_178, %dma_wait3A_183] : memref<10240x128xf32, #tpu.memory_space<hbm>> -> memref<64x128xf32, #tpu.memory_space<hbm>>
        %dma_wait3A_185 = arith.constant 0 : i32
        %dma_wait3A_186 = tpu.memref_slice %arg6[%add3A_178, %dma_wait3A_185] : memref<10240x128xf32, #tpu.memory_space<hbm>> -> memref<64x128xf32, #tpu.memory_space<hbm>>
        tpu.wait_dma2 semaphore(%run_scoped3A : memref<!tpu.dma_semaphore, #tpu.memory_space<semaphore_mem>>) src(%arg16 : memref<64x128xf32, #tpu.memory_space<vmem>>) dst(%dma_wait3A_186 : memref<64x128xf32, #tpu.memory_space<hbm>>)
        tpu.yield
      }) : () -> ()
    } else {
    }
    %eq3A_100 = arith.constant 1 : i32
    %eq3A_101 = arith.cmpi eq, %arg0, %eq3A_100 : i32
    %convert_element_type3A_102 = arith.extui %eq3A_101 : i1 to i32
    %cond3A_103 = arith.constant 0 : i32
    %cond3A_104 = arith.cmpi ne, %convert_element_type3A_102, %cond3A_103 : i32
    scf.if %cond3A_104 {
      %add3A_177 = arith.constant 192 : i32
      %add3A_178 = arith.addi %mul3A_5, %add3A_177 : i32
      "tpu.region"() ({
        %run_scoped3A = tpu.sem_alloc : memref<!tpu.dma_semaphore, #tpu.memory_space<semaphore_mem>>
        %dma_start3A_179 = arith.constant 0 : i32
        %dma_start3A_180 = tpu.memref_slice %arg7[%add3A_178, %dma_start3A_179] : memref<10240x128xf32, #tpu.memory_space<hbm>> -> memref<64x128xf32, #tpu.memory_space<hbm>>
        %dma_start3A_181 = arith.constant 0 : i32
        %dma_start3A_182 = tpu.memref_slice %arg7[%add3A_178, %dma_start3A_181] : memref<10240x128xf32, #tpu.memory_space<hbm>> -> memref<64x128xf32, #tpu.memory_space<hbm>>
        tpu.enqueue_dma source(%arg16 : memref<64x128xf32, #tpu.memory_space<vmem>>) target(%dma_start3A_182 : memref<64x128xf32, #tpu.memory_space<hbm>>) target_semaphore(%run_scoped3A : memref<!tpu.dma_semaphore, #tpu.memory_space<semaphore_mem>>)
        %dma_wait3A_183 = arith.constant 0 : i32
        %dma_wait3A_184 = tpu.memref_slice %arg7[%add3A_178, %dma_wait3A_183] : memref<10240x128xf32, #tpu.memory_space<hbm>> -> memref<64x128xf32, #tpu.memory_space<hbm>>
        %dma_wait3A_185 = arith.constant 0 : i32
        %dma_wait3A_186 = tpu.memref_slice %arg7[%add3A_178, %dma_wait3A_185] : memref<10240x128xf32, #tpu.memory_space<hbm>> -> memref<64x128xf32, #tpu.memory_space<hbm>>
        tpu.wait_dma2 semaphore(%run_scoped3A : memref<!tpu.dma_semaphore, #tpu.memory_space<semaphore_mem>>) src(%arg16 : memref<64x128xf32, #tpu.memory_space<vmem>>) dst(%dma_wait3A_186 : memref<64x128xf32, #tpu.memory_space<hbm>>)
        tpu.yield
      }) : () -> ()
    } else {
    }
    %add3A_105 = arith.constant 256 : i32
    %add3A_106 = arith.addi %mul3A_5, %add3A_105 : i32
    "tpu.region"() ({
      %run_scoped3A = tpu.sem_alloc : memref<!tpu.dma_semaphore, #tpu.memory_space<semaphore_mem>>
      %dma_start3A_177 = arith.constant 0 : i32
      %dma_start3A_178 = tpu.memref_slice %arg32[%add3A_106, %dma_start3A_177] : memref<10240x128xf32, #tpu.memory_space<vmem_shared>> -> memref<64x128xf32, #tpu.memory_space<vmem_shared>>
      %dma_start3A_179 = arith.constant 0 : i32
      %dma_start3A_180 = tpu.memref_slice %arg32[%add3A_106, %dma_start3A_179] : memref<10240x128xf32, #tpu.memory_space<vmem_shared>> -> memref<64x128xf32, #tpu.memory_space<vmem_shared>>
      tpu.enqueue_dma source(%dma_start3A_180 : memref<64x128xf32, #tpu.memory_space<vmem_shared>>) target(%arg16 : memref<64x128xf32, #tpu.memory_space<vmem>>) target_semaphore(%run_scoped3A : memref<!tpu.dma_semaphore, #tpu.memory_space<semaphore_mem>>)
      %dma_wait3A_181 = arith.constant 0 : i32
      %dma_wait3A_182 = tpu.memref_slice %arg32[%add3A_106, %dma_wait3A_181] : memref<10240x128xf32, #tpu.memory_space<vmem_shared>> -> memref<64x128xf32, #tpu.memory_space<vmem_shared>>
      %dma_wait3A_183 = arith.constant 0 : i32
      %dma_wait3A_184 = tpu.memref_slice %arg32[%add3A_106, %dma_wait3A_183] : memref<10240x128xf32, #tpu.memory_space<vmem_shared>> -> memref<64x128xf32, #tpu.memory_space<vmem_shared>>
      tpu.wait_dma2 semaphore(%run_scoped3A : memref<!tpu.dma_semaphore, #tpu.memory_space<semaphore_mem>>) src(%dma_wait3A_184 : memref<64x128xf32, #tpu.memory_space<vmem_shared>>) dst(%arg16 : memref<64x128xf32, #tpu.memory_space<vmem>>)
      tpu.yield
    }) : () -> ()
    %eq3A_107 = arith.constant 0 : i32
    %eq3A_108 = arith.cmpi eq, %arg0, %eq3A_107 : i32
    %convert_element_type3A_109 = arith.extui %eq3A_108 : i1 to i32
    %cond3A_110 = arith.constant 0 : i32
    %cond3A_111 = arith.cmpi ne, %convert_element_type3A_109, %cond3A_110 : i32
    scf.if %cond3A_111 {
      %add3A_177 = arith.constant 256 : i32
      %add3A_178 = arith.addi %mul3A_5, %add3A_177 : i32
      "tpu.region"() ({
        %run_scoped3A = tpu.sem_alloc : memref<!tpu.dma_semaphore, #tpu.memory_space<semaphore_mem>>
        %dma_start3A_179 = arith.constant 0 : i32
        %dma_start3A_180 = tpu.memref_slice %arg6[%add3A_178, %dma_start3A_179] : memref<10240x128xf32, #tpu.memory_space<hbm>> -> memref<64x128xf32, #tpu.memory_space<hbm>>
        %dma_start3A_181 = arith.constant 0 : i32
        %dma_start3A_182 = tpu.memref_slice %arg6[%add3A_178, %dma_start3A_181] : memref<10240x128xf32, #tpu.memory_space<hbm>> -> memref<64x128xf32, #tpu.memory_space<hbm>>
        tpu.enqueue_dma source(%arg16 : memref<64x128xf32, #tpu.memory_space<vmem>>) target(%dma_start3A_182 : memref<64x128xf32, #tpu.memory_space<hbm>>) target_semaphore(%run_scoped3A : memref<!tpu.dma_semaphore, #tpu.memory_space<semaphore_mem>>)
        %dma_wait3A_183 = arith.constant 0 : i32
        %dma_wait3A_184 = tpu.memref_slice %arg6[%add3A_178, %dma_wait3A_183] : memref<10240x128xf32, #tpu.memory_space<hbm>> -> memref<64x128xf32, #tpu.memory_space<hbm>>
        %dma_wait3A_185 = arith.constant 0 : i32
        %dma_wait3A_186 = tpu.memref_slice %arg6[%add3A_178, %dma_wait3A_185] : memref<10240x128xf32, #tpu.memory_space<hbm>> -> memref<64x128xf32, #tpu.memory_space<hbm>>
        tpu.wait_dma2 semaphore(%run_scoped3A : memref<!tpu.dma_semaphore, #tpu.memory_space<semaphore_mem>>) src(%arg16 : memref<64x128xf32, #tpu.memory_space<vmem>>) dst(%dma_wait3A_186 : memref<64x128xf32, #tpu.memory_space<hbm>>)
        tpu.yield
      }) : () -> ()
    } else {
    }
    %eq3A_112 = arith.constant 1 : i32
    %eq3A_113 = arith.cmpi eq, %arg0, %eq3A_112 : i32
    %convert_element_type3A_114 = arith.extui %eq3A_113 : i1 to i32
    %cond3A_115 = arith.constant 0 : i32
    %cond3A_116 = arith.cmpi ne, %convert_element_type3A_114, %cond3A_115 : i32
    scf.if %cond3A_116 {
      %add3A_177 = arith.constant 256 : i32
      %add3A_178 = arith.addi %mul3A_5, %add3A_177 : i32
      "tpu.region"() ({
        %run_scoped3A = tpu.sem_alloc : memref<!tpu.dma_semaphore, #tpu.memory_space<semaphore_mem>>
        %dma_start3A_179 = arith.constant 0 : i32
        %dma_start3A_180 = tpu.memref_slice %arg7[%add3A_178, %dma_start3A_179] : memref<10240x128xf32, #tpu.memory_space<hbm>> -> memref<64x128xf32, #tpu.memory_space<hbm>>
        %dma_start3A_181 = arith.constant 0 : i32
        %dma_start3A_182 = tpu.memref_slice %arg7[%add3A_178, %dma_start3A_181] : memref<10240x128xf32, #tpu.memory_space<hbm>> -> memref<64x128xf32, #tpu.memory_space<hbm>>
        tpu.enqueue_dma source(%arg16 : memref<64x128xf32, #tpu.memory_space<vmem>>) target(%dma_start3A_182 : memref<64x128xf32, #tpu.memory_space<hbm>>) target_semaphore(%run_scoped3A : memref<!tpu.dma_semaphore, #tpu.memory_space<semaphore_mem>>)
        %dma_wait3A_183 = arith.constant 0 : i32
        %dma_wait3A_184 = tpu.memref_slice %arg7[%add3A_178, %dma_wait3A_183] : memref<10240x128xf32, #tpu.memory_space<hbm>> -> memref<64x128xf32, #tpu.memory_space<hbm>>
        %dma_wait3A_185 = arith.constant 0 : i32
        %dma_wait3A_186 = tpu.memref_slice %arg7[%add3A_178, %dma_wait3A_185] : memref<10240x128xf32, #tpu.memory_space<hbm>> -> memref<64x128xf32, #tpu.memory_space<hbm>>
        tpu.wait_dma2 semaphore(%run_scoped3A : memref<!tpu.dma_semaphore, #tpu.memory_space<semaphore_mem>>) src(%arg16 : memref<64x128xf32, #tpu.memory_space<vmem>>) dst(%dma_wait3A_186 : memref<64x128xf32, #tpu.memory_space<hbm>>)
        tpu.yield
      }) : () -> ()
    } else {
    }
    %add3A_117 = arith.constant 320 : i32
    %add3A_118 = arith.addi %mul3A_5, %add3A_117 : i32
    "tpu.region"() ({
      %run_scoped3A = tpu.sem_alloc : memref<!tpu.dma_semaphore, #tpu.memory_space<semaphore_mem>>
      %dma_start3A_177 = arith.constant 0 : i32
      %dma_start3A_178 = tpu.memref_slice %arg32[%add3A_118, %dma_start3A_177] : memref<10240x128xf32, #tpu.memory_space<vmem_shared>> -> memref<64x128xf32, #tpu.memory_space<vmem_shared>>
      %dma_start3A_179 = arith.constant 0 : i32
      %dma_start3A_180 = tpu.memref_slice %arg32[%add3A_118, %dma_start3A_179] : memref<10240x128xf32, #tpu.memory_space<vmem_shared>> -> memref<64x128xf32, #tpu.memory_space<vmem_shared>>
      tpu.enqueue_dma source(%dma_start3A_180 : memref<64x128xf32, #tpu.memory_space<vmem_shared>>) target(%arg16 : memref<64x128xf32, #tpu.memory_space<vmem>>) target_semaphore(%run_scoped3A : memref<!tpu.dma_semaphore, #tpu.memory_space<semaphore_mem>>)
      %dma_wait3A_181 = arith.constant 0 : i32
      %dma_wait3A_182 = tpu.memref_slice %arg32[%add3A_118, %dma_wait3A_181] : memref<10240x128xf32, #tpu.memory_space<vmem_shared>> -> memref<64x128xf32, #tpu.memory_space<vmem_shared>>
      %dma_wait3A_183 = arith.constant 0 : i32
      %dma_wait3A_184 = tpu.memref_slice %arg32[%add3A_118, %dma_wait3A_183] : memref<10240x128xf32, #tpu.memory_space<vmem_shared>> -> memref<64x128xf32, #tpu.memory_space<vmem_shared>>
      tpu.wait_dma2 semaphore(%run_scoped3A : memref<!tpu.dma_semaphore, #tpu.memory_space<semaphore_mem>>) src(%dma_wait3A_184 : memref<64x128xf32, #tpu.memory_space<vmem_shared>>) dst(%arg16 : memref<64x128xf32, #tpu.memory_space<vmem>>)
      tpu.yield
    }) : () -> ()
    %eq3A_119 = arith.constant 0 : i32
    %eq3A_120 = arith.cmpi eq, %arg0, %eq3A_119 : i32
    %convert_element_type3A_121 = arith.extui %eq3A_120 : i1 to i32
    %cond3A_122 = arith.constant 0 : i32
    %cond3A_123 = arith.cmpi ne, %convert_element_type3A_121, %cond3A_122 : i32
    scf.if %cond3A_123 {
      %add3A_177 = arith.constant 320 : i32
      %add3A_178 = arith.addi %mul3A_5, %add3A_177 : i32
      "tpu.region"() ({
        %run_scoped3A = tpu.sem_alloc : memref<!tpu.dma_semaphore, #tpu.memory_space<semaphore_mem>>
        %dma_start3A_179 = arith.constant 0 : i32
        %dma_start3A_180 = tpu.memref_slice %arg6[%add3A_178, %dma_start3A_179] : memref<10240x128xf32, #tpu.memory_space<hbm>> -> memref<64x128xf32, #tpu.memory_space<hbm>>
        %dma_start3A_181 = arith.constant 0 : i32
        %dma_start3A_182 = tpu.memref_slice %arg6[%add3A_178, %dma_start3A_181] : memref<10240x128xf32, #tpu.memory_space<hbm>> -> memref<64x128xf32, #tpu.memory_space<hbm>>
        tpu.enqueue_dma source(%arg16 : memref<64x128xf32, #tpu.memory_space<vmem>>) target(%dma_start3A_182 : memref<64x128xf32, #tpu.memory_space<hbm>>) target_semaphore(%run_scoped3A : memref<!tpu.dma_semaphore, #tpu.memory_space<semaphore_mem>>)
        %dma_wait3A_183 = arith.constant 0 : i32
        %dma_wait3A_184 = tpu.memref_slice %arg6[%add3A_178, %dma_wait3A_183] : memref<10240x128xf32, #tpu.memory_space<hbm>> -> memref<64x128xf32, #tpu.memory_space<hbm>>
        %dma_wait3A_185 = arith.constant 0 : i32
        %dma_wait3A_186 = tpu.memref_slice %arg6[%add3A_178, %dma_wait3A_185] : memref<10240x128xf32, #tpu.memory_space<hbm>> -> memref<64x128xf32, #tpu.memory_space<hbm>>
        tpu.wait_dma2 semaphore(%run_scoped3A : memref<!tpu.dma_semaphore, #tpu.memory_space<semaphore_mem>>) src(%arg16 : memref<64x128xf32, #tpu.memory_space<vmem>>) dst(%dma_wait3A_186 : memref<64x128xf32, #tpu.memory_space<hbm>>)
        tpu.yield
      }) : () -> ()
    } else {
    }
    %eq3A_124 = arith.constant 1 : i32
    %eq3A_125 = arith.cmpi eq, %arg0, %eq3A_124 : i32
    %convert_element_type3A_126 = arith.extui %eq3A_125 : i1 to i32
    %cond3A_127 = arith.constant 0 : i32
    %cond3A_128 = arith.cmpi ne, %convert_element_type3A_126, %cond3A_127 : i32
    scf.if %cond3A_128 {
      %add3A_177 = arith.constant 320 : i32
      %add3A_178 = arith.addi %mul3A_5, %add3A_177 : i32
      "tpu.region"() ({
        %run_scoped3A = tpu.sem_alloc : memref<!tpu.dma_semaphore, #tpu.memory_space<semaphore_mem>>
        %dma_start3A_179 = arith.constant 0 : i32
        %dma_start3A_180 = tpu.memref_slice %arg7[%add3A_178, %dma_start3A_179] : memref<10240x128xf32, #tpu.memory_space<hbm>> -> memref<64x128xf32, #tpu.memory_space<hbm>>
        %dma_start3A_181 = arith.constant 0 : i32
        %dma_start3A_182 = tpu.memref_slice %arg7[%add3A_178, %dma_start3A_181] : memref<10240x128xf32, #tpu.memory_space<hbm>> -> memref<64x128xf32, #tpu.memory_space<hbm>>
        tpu.enqueue_dma source(%arg16 : memref<64x128xf32, #tpu.memory_space<vmem>>) target(%dma_start3A_182 : memref<64x128xf32, #tpu.memory_space<hbm>>) target_semaphore(%run_scoped3A : memref<!tpu.dma_semaphore, #tpu.memory_space<semaphore_mem>>)
        %dma_wait3A_183 = arith.constant 0 : i32
        %dma_wait3A_184 = tpu.memref_slice %arg7[%add3A_178, %dma_wait3A_183] : memref<10240x128xf32, #tpu.memory_space<hbm>> -> memref<64x128xf32, #tpu.memory_space<hbm>>
        %dma_wait3A_185 = arith.constant 0 : i32
        %dma_wait3A_186 = tpu.memref_slice %arg7[%add3A_178, %dma_wait3A_185] : memref<10240x128xf32, #tpu.memory_space<hbm>> -> memref<64x128xf32, #tpu.memory_space<hbm>>
        tpu.wait_dma2 semaphore(%run_scoped3A : memref<!tpu.dma_semaphore, #tpu.memory_space<semaphore_mem>>) src(%arg16 : memref<64x128xf32, #tpu.memory_space<vmem>>) dst(%dma_wait3A_186 : memref<64x128xf32, #tpu.memory_space<hbm>>)
        tpu.yield
      }) : () -> ()
    } else {
    }
    %add3A_129 = arith.constant 384 : i32
    %add3A_130 = arith.addi %mul3A_5, %add3A_129 : i32
    "tpu.region"() ({
      %run_scoped3A = tpu.sem_alloc : memref<!tpu.dma_semaphore, #tpu.memory_space<semaphore_mem>>
      %dma_start3A_177 = arith.constant 0 : i32
      %dma_start3A_178 = tpu.memref_slice %arg32[%add3A_130, %dma_start3A_177] : memref<10240x128xf32, #tpu.memory_space<vmem_shared>> -> memref<64x128xf32, #tpu.memory_space<vmem_shared>>
      %dma_start3A_179 = arith.constant 0 : i32
      %dma_start3A_180 = tpu.memref_slice %arg32[%add3A_130, %dma_start3A_179] : memref<10240x128xf32, #tpu.memory_space<vmem_shared>> -> memref<64x128xf32, #tpu.memory_space<vmem_shared>>
      tpu.enqueue_dma source(%dma_start3A_180 : memref<64x128xf32, #tpu.memory_space<vmem_shared>>) target(%arg16 : memref<64x128xf32, #tpu.memory_space<vmem>>) target_semaphore(%run_scoped3A : memref<!tpu.dma_semaphore, #tpu.memory_space<semaphore_mem>>)
      %dma_wait3A_181 = arith.constant 0 : i32
      %dma_wait3A_182 = tpu.memref_slice %arg32[%add3A_130, %dma_wait3A_181] : memref<10240x128xf32, #tpu.memory_space<vmem_shared>> -> memref<64x128xf32, #tpu.memory_space<vmem_shared>>
      %dma_wait3A_183 = arith.constant 0 : i32
      %dma_wait3A_184 = tpu.memref_slice %arg32[%add3A_130, %dma_wait3A_183] : memref<10240x128xf32, #tpu.memory_space<vmem_shared>> -> memref<64x128xf32, #tpu.memory_space<vmem_shared>>
      tpu.wait_dma2 semaphore(%run_scoped3A : memref<!tpu.dma_semaphore, #tpu.memory_space<semaphore_mem>>) src(%dma_wait3A_184 : memref<64x128xf32, #tpu.memory_space<vmem_shared>>) dst(%arg16 : memref<64x128xf32, #tpu.memory_space<vmem>>)
      tpu.yield
    }) : () -> ()
    %eq3A_131 = arith.constant 0 : i32
    %eq3A_132 = arith.cmpi eq, %arg0, %eq3A_131 : i32
    %convert_element_type3A_133 = arith.extui %eq3A_132 : i1 to i32
    %cond3A_134 = arith.constant 0 : i32
    %cond3A_135 = arith.cmpi ne, %convert_element_type3A_133, %cond3A_134 : i32
    scf.if %cond3A_135 {
      %add3A_177 = arith.constant 384 : i32
      %add3A_178 = arith.addi %mul3A_5, %add3A_177 : i32
      "tpu.region"() ({
        %run_scoped3A = tpu.sem_alloc : memref<!tpu.dma_semaphore, #tpu.memory_space<semaphore_mem>>
        %dma_start3A_179 = arith.constant 0 : i32
        %dma_start3A_180 = tpu.memref_slice %arg6[%add3A_178, %dma_start3A_179] : memref<10240x128xf32, #tpu.memory_space<hbm>> -> memref<64x128xf32, #tpu.memory_space<hbm>>
        %dma_start3A_181 = arith.constant 0 : i32
        %dma_start3A_182 = tpu.memref_slice %arg6[%add3A_178, %dma_start3A_181] : memref<10240x128xf32, #tpu.memory_space<hbm>> -> memref<64x128xf32, #tpu.memory_space<hbm>>
        tpu.enqueue_dma source(%arg16 : memref<64x128xf32, #tpu.memory_space<vmem>>) target(%dma_start3A_182 : memref<64x128xf32, #tpu.memory_space<hbm>>) target_semaphore(%run_scoped3A : memref<!tpu.dma_semaphore, #tpu.memory_space<semaphore_mem>>)
        %dma_wait3A_183 = arith.constant 0 : i32
        %dma_wait3A_184 = tpu.memref_slice %arg6[%add3A_178, %dma_wait3A_183] : memref<10240x128xf32, #tpu.memory_space<hbm>> -> memref<64x128xf32, #tpu.memory_space<hbm>>
        %dma_wait3A_185 = arith.constant 0 : i32
        %dma_wait3A_186 = tpu.memref_slice %arg6[%add3A_178, %dma_wait3A_185] : memref<10240x128xf32, #tpu.memory_space<hbm>> -> memref<64x128xf32, #tpu.memory_space<hbm>>
        tpu.wait_dma2 semaphore(%run_scoped3A : memref<!tpu.dma_semaphore, #tpu.memory_space<semaphore_mem>>) src(%arg16 : memref<64x128xf32, #tpu.memory_space<vmem>>) dst(%dma_wait3A_186 : memref<64x128xf32, #tpu.memory_space<hbm>>)
        tpu.yield
      }) : () -> ()
    } else {
    }
    %eq3A_136 = arith.constant 1 : i32
    %eq3A_137 = arith.cmpi eq, %arg0, %eq3A_136 : i32
    %convert_element_type3A_138 = arith.extui %eq3A_137 : i1 to i32
    %cond3A_139 = arith.constant 0 : i32
    %cond3A_140 = arith.cmpi ne, %convert_element_type3A_138, %cond3A_139 : i32
    scf.if %cond3A_140 {
      %add3A_177 = arith.constant 384 : i32
      %add3A_178 = arith.addi %mul3A_5, %add3A_177 : i32
      "tpu.region"() ({
        %run_scoped3A = tpu.sem_alloc : memref<!tpu.dma_semaphore, #tpu.memory_space<semaphore_mem>>
        %dma_start3A_179 = arith.constant 0 : i32
        %dma_start3A_180 = tpu.memref_slice %arg7[%add3A_178, %dma_start3A_179] : memref<10240x128xf32, #tpu.memory_space<hbm>> -> memref<64x128xf32, #tpu.memory_space<hbm>>
        %dma_start3A_181 = arith.constant 0 : i32
        %dma_start3A_182 = tpu.memref_slice %arg7[%add3A_178, %dma_start3A_181] : memref<10240x128xf32, #tpu.memory_space<hbm>> -> memref<64x128xf32, #tpu.memory_space<hbm>>
        tpu.enqueue_dma source(%arg16 : memref<64x128xf32, #tpu.memory_space<vmem>>) target(%dma_start3A_182 : memref<64x128xf32, #tpu.memory_space<hbm>>) target_semaphore(%run_scoped3A : memref<!tpu.dma_semaphore, #tpu.memory_space<semaphore_mem>>)
        %dma_wait3A_183 = arith.constant 0 : i32
        %dma_wait3A_184 = tpu.memref_slice %arg7[%add3A_178, %dma_wait3A_183] : memref<10240x128xf32, #tpu.memory_space<hbm>> -> memref<64x128xf32, #tpu.memory_space<hbm>>
        %dma_wait3A_185 = arith.constant 0 : i32
        %dma_wait3A_186 = tpu.memref_slice %arg7[%add3A_178, %dma_wait3A_185] : memref<10240x128xf32, #tpu.memory_space<hbm>> -> memref<64x128xf32, #tpu.memory_space<hbm>>
        tpu.wait_dma2 semaphore(%run_scoped3A : memref<!tpu.dma_semaphore, #tpu.memory_space<semaphore_mem>>) src(%arg16 : memref<64x128xf32, #tpu.memory_space<vmem>>) dst(%dma_wait3A_186 : memref<64x128xf32, #tpu.memory_space<hbm>>)
        tpu.yield
      }) : () -> ()
    } else {
    }
    %add3A_141 = arith.constant 448 : i32
    %add3A_142 = arith.addi %mul3A_5, %add3A_141 : i32
    "tpu.region"() ({
      %run_scoped3A = tpu.sem_alloc : memref<!tpu.dma_semaphore, #tpu.memory_space<semaphore_mem>>
      %dma_start3A_177 = arith.constant 0 : i32
      %dma_start3A_178 = tpu.memref_slice %arg32[%add3A_142, %dma_start3A_177] : memref<10240x128xf32, #tpu.memory_space<vmem_shared>> -> memref<64x128xf32, #tpu.memory_space<vmem_shared>>
      %dma_start3A_179 = arith.constant 0 : i32
      %dma_start3A_180 = tpu.memref_slice %arg32[%add3A_142, %dma_start3A_179] : memref<10240x128xf32, #tpu.memory_space<vmem_shared>> -> memref<64x128xf32, #tpu.memory_space<vmem_shared>>
      tpu.enqueue_dma source(%dma_start3A_180 : memref<64x128xf32, #tpu.memory_space<vmem_shared>>) target(%arg16 : memref<64x128xf32, #tpu.memory_space<vmem>>) target_semaphore(%run_scoped3A : memref<!tpu.dma_semaphore, #tpu.memory_space<semaphore_mem>>)
      %dma_wait3A_181 = arith.constant 0 : i32
      %dma_wait3A_182 = tpu.memref_slice %arg32[%add3A_142, %dma_wait3A_181] : memref<10240x128xf32, #tpu.memory_space<vmem_shared>> -> memref<64x128xf32, #tpu.memory_space<vmem_shared>>
      %dma_wait3A_183 = arith.constant 0 : i32
      %dma_wait3A_184 = tpu.memref_slice %arg32[%add3A_142, %dma_wait3A_183] : memref<10240x128xf32, #tpu.memory_space<vmem_shared>> -> memref<64x128xf32, #tpu.memory_space<vmem_shared>>
      tpu.wait_dma2 semaphore(%run_scoped3A : memref<!tpu.dma_semaphore, #tpu.memory_space<semaphore_mem>>) src(%dma_wait3A_184 : memref<64x128xf32, #tpu.memory_space<vmem_shared>>) dst(%arg16 : memref<64x128xf32, #tpu.memory_space<vmem>>)
      tpu.yield
    }) : () -> ()
    %eq3A_143 = arith.constant 0 : i32
    %eq3A_144 = arith.cmpi eq, %arg0, %eq3A_143 : i32
    %convert_element_type3A_145 = arith.extui %eq3A_144 : i1 to i32
    %cond3A_146 = arith.constant 0 : i32
    %cond3A_147 = arith.cmpi ne, %convert_element_type3A_145, %cond3A_146 : i32
    scf.if %cond3A_147 {
      %add3A_177 = arith.constant 448 : i32
      %add3A_178 = arith.addi %mul3A_5, %add3A_177 : i32
      "tpu.region"() ({
        %run_scoped3A = tpu.sem_alloc : memref<!tpu.dma_semaphore, #tpu.memory_space<semaphore_mem>>
        %dma_start3A_179 = arith.constant 0 : i32
        %dma_start3A_180 = tpu.memref_slice %arg6[%add3A_178, %dma_start3A_179] : memref<10240x128xf32, #tpu.memory_space<hbm>> -> memref<64x128xf32, #tpu.memory_space<hbm>>
        %dma_start3A_181 = arith.constant 0 : i32
        %dma_start3A_182 = tpu.memref_slice %arg6[%add3A_178, %dma_start3A_181] : memref<10240x128xf32, #tpu.memory_space<hbm>> -> memref<64x128xf32, #tpu.memory_space<hbm>>
        tpu.enqueue_dma source(%arg16 : memref<64x128xf32, #tpu.memory_space<vmem>>) target(%dma_start3A_182 : memref<64x128xf32, #tpu.memory_space<hbm>>) target_semaphore(%run_scoped3A : memref<!tpu.dma_semaphore, #tpu.memory_space<semaphore_mem>>)
        %dma_wait3A_183 = arith.constant 0 : i32
        %dma_wait3A_184 = tpu.memref_slice %arg6[%add3A_178, %dma_wait3A_183] : memref<10240x128xf32, #tpu.memory_space<hbm>> -> memref<64x128xf32, #tpu.memory_space<hbm>>
        %dma_wait3A_185 = arith.constant 0 : i32
        %dma_wait3A_186 = tpu.memref_slice %arg6[%add3A_178, %dma_wait3A_185] : memref<10240x128xf32, #tpu.memory_space<hbm>> -> memref<64x128xf32, #tpu.memory_space<hbm>>
        tpu.wait_dma2 semaphore(%run_scoped3A : memref<!tpu.dma_semaphore, #tpu.memory_space<semaphore_mem>>) src(%arg16 : memref<64x128xf32, #tpu.memory_space<vmem>>) dst(%dma_wait3A_186 : memref<64x128xf32, #tpu.memory_space<hbm>>)
        tpu.yield
      }) : () -> ()
    } else {
    }
    %eq3A_148 = arith.constant 1 : i32
    %eq3A_149 = arith.cmpi eq, %arg0, %eq3A_148 : i32
    %convert_element_type3A_150 = arith.extui %eq3A_149 : i1 to i32
    %cond3A_151 = arith.constant 0 : i32
    %cond3A_152 = arith.cmpi ne, %convert_element_type3A_150, %cond3A_151 : i32
    scf.if %cond3A_152 {
      %add3A_177 = arith.constant 448 : i32
      %add3A_178 = arith.addi %mul3A_5, %add3A_177 : i32
      "tpu.region"() ({
        %run_scoped3A = tpu.sem_alloc : memref<!tpu.dma_semaphore, #tpu.memory_space<semaphore_mem>>
        %dma_start3A_179 = arith.constant 0 : i32
        %dma_start3A_180 = tpu.memref_slice %arg7[%add3A_178, %dma_start3A_179] : memref<10240x128xf32, #tpu.memory_space<hbm>> -> memref<64x128xf32, #tpu.memory_space<hbm>>
        %dma_start3A_181 = arith.constant 0 : i32
        %dma_start3A_182 = tpu.memref_slice %arg7[%add3A_178, %dma_start3A_181] : memref<10240x128xf32, #tpu.memory_space<hbm>> -> memref<64x128xf32, #tpu.memory_space<hbm>>
        tpu.enqueue_dma source(%arg16 : memref<64x128xf32, #tpu.memory_space<vmem>>) target(%dma_start3A_182 : memref<64x128xf32, #tpu.memory_space<hbm>>) target_semaphore(%run_scoped3A : memref<!tpu.dma_semaphore, #tpu.memory_space<semaphore_mem>>)
        %dma_wait3A_183 = arith.constant 0 : i32
        %dma_wait3A_184 = tpu.memref_slice %arg7[%add3A_178, %dma_wait3A_183] : memref<10240x128xf32, #tpu.memory_space<hbm>> -> memref<64x128xf32, #tpu.memory_space<hbm>>
        %dma_wait3A_185 = arith.constant 0 : i32
        %dma_wait3A_186 = tpu.memref_slice %arg7[%add3A_178, %dma_wait3A_185] : memref<10240x128xf32, #tpu.memory_space<hbm>> -> memref<64x128xf32, #tpu.memory_space<hbm>>
        tpu.wait_dma2 semaphore(%run_scoped3A : memref<!tpu.dma_semaphore, #tpu.memory_space<semaphore_mem>>) src(%arg16 : memref<64x128xf32, #tpu.memory_space<vmem>>) dst(%dma_wait3A_186 : memref<64x128xf32, #tpu.memory_space<hbm>>)
        tpu.yield
      }) : () -> ()
    } else {
    }
    %add3A_153 = arith.constant 512 : i32
    %add3A_154 = arith.addi %mul3A_5, %add3A_153 : i32
    "tpu.region"() ({
      %run_scoped3A = tpu.sem_alloc : memref<!tpu.dma_semaphore, #tpu.memory_space<semaphore_mem>>
      %dma_start3A_177 = arith.constant 0 : i32
      %dma_start3A_178 = tpu.memref_slice %arg32[%add3A_154, %dma_start3A_177] : memref<10240x128xf32, #tpu.memory_space<vmem_shared>> -> memref<64x128xf32, #tpu.memory_space<vmem_shared>>
      %dma_start3A_179 = arith.constant 0 : i32
      %dma_start3A_180 = tpu.memref_slice %arg32[%add3A_154, %dma_start3A_179] : memref<10240x128xf32, #tpu.memory_space<vmem_shared>> -> memref<64x128xf32, #tpu.memory_space<vmem_shared>>
      tpu.enqueue_dma source(%dma_start3A_180 : memref<64x128xf32, #tpu.memory_space<vmem_shared>>) target(%arg16 : memref<64x128xf32, #tpu.memory_space<vmem>>) target_semaphore(%run_scoped3A : memref<!tpu.dma_semaphore, #tpu.memory_space<semaphore_mem>>)
      %dma_wait3A_181 = arith.constant 0 : i32
      %dma_wait3A_182 = tpu.memref_slice %arg32[%add3A_154, %dma_wait3A_181] : memref<10240x128xf32, #tpu.memory_space<vmem_shared>> -> memref<64x128xf32, #tpu.memory_space<vmem_shared>>
      %dma_wait3A_183 = arith.constant 0 : i32
      %dma_wait3A_184 = tpu.memref_slice %arg32[%add3A_154, %dma_wait3A_183] : memref<10240x128xf32, #tpu.memory_space<vmem_shared>> -> memref<64x128xf32, #tpu.memory_space<vmem_shared>>
      tpu.wait_dma2 semaphore(%run_scoped3A : memref<!tpu.dma_semaphore, #tpu.memory_space<semaphore_mem>>) src(%dma_wait3A_184 : memref<64x128xf32, #tpu.memory_space<vmem_shared>>) dst(%arg16 : memref<64x128xf32, #tpu.memory_space<vmem>>)
      tpu.yield
    }) : () -> ()
    %eq3A_155 = arith.constant 0 : i32
    %eq3A_156 = arith.cmpi eq, %arg0, %eq3A_155 : i32
    %convert_element_type3A_157 = arith.extui %eq3A_156 : i1 to i32
    %cond3A_158 = arith.constant 0 : i32
    %cond3A_159 = arith.cmpi ne, %convert_element_type3A_157, %cond3A_158 : i32
    scf.if %cond3A_159 {
      %add3A_177 = arith.constant 512 : i32
      %add3A_178 = arith.addi %mul3A_5, %add3A_177 : i32
      "tpu.region"() ({
        %run_scoped3A = tpu.sem_alloc : memref<!tpu.dma_semaphore, #tpu.memory_space<semaphore_mem>>
        %dma_start3A_179 = arith.constant 0 : i32
        %dma_start3A_180 = tpu.memref_slice %arg6[%add3A_178, %dma_start3A_179] : memref<10240x128xf32, #tpu.memory_space<hbm>> -> memref<64x128xf32, #tpu.memory_space<hbm>>
        %dma_start3A_181 = arith.constant 0 : i32
        %dma_start3A_182 = tpu.memref_slice %arg6[%add3A_178, %dma_start3A_181] : memref<10240x128xf32, #tpu.memory_space<hbm>> -> memref<64x128xf32, #tpu.memory_space<hbm>>
        tpu.enqueue_dma source(%arg16 : memref<64x128xf32, #tpu.memory_space<vmem>>) target(%dma_start3A_182 : memref<64x128xf32, #tpu.memory_space<hbm>>) target_semaphore(%run_scoped3A : memref<!tpu.dma_semaphore, #tpu.memory_space<semaphore_mem>>)
        %dma_wait3A_183 = arith.constant 0 : i32
        %dma_wait3A_184 = tpu.memref_slice %arg6[%add3A_178, %dma_wait3A_183] : memref<10240x128xf32, #tpu.memory_space<hbm>> -> memref<64x128xf32, #tpu.memory_space<hbm>>
        %dma_wait3A_185 = arith.constant 0 : i32
        %dma_wait3A_186 = tpu.memref_slice %arg6[%add3A_178, %dma_wait3A_185] : memref<10240x128xf32, #tpu.memory_space<hbm>> -> memref<64x128xf32, #tpu.memory_space<hbm>>
        tpu.wait_dma2 semaphore(%run_scoped3A : memref<!tpu.dma_semaphore, #tpu.memory_space<semaphore_mem>>) src(%arg16 : memref<64x128xf32, #tpu.memory_space<vmem>>) dst(%dma_wait3A_186 : memref<64x128xf32, #tpu.memory_space<hbm>>)
        tpu.yield
      }) : () -> ()
    } else {
    }
    %eq3A_160 = arith.constant 1 : i32
    %eq3A_161 = arith.cmpi eq, %arg0, %eq3A_160 : i32
    %convert_element_type3A_162 = arith.extui %eq3A_161 : i1 to i32
    %cond3A_163 = arith.constant 0 : i32
    %cond3A_164 = arith.cmpi ne, %convert_element_type3A_162, %cond3A_163 : i32
    scf.if %cond3A_164 {
      %add3A_177 = arith.constant 512 : i32
      %add3A_178 = arith.addi %mul3A_5, %add3A_177 : i32
      "tpu.region"() ({
        %run_scoped3A = tpu.sem_alloc : memref<!tpu.dma_semaphore, #tpu.memory_space<semaphore_mem>>
        %dma_start3A_179 = arith.constant 0 : i32
        %dma_start3A_180 = tpu.memref_slice %arg7[%add3A_178, %dma_start3A_179] : memref<10240x128xf32, #tpu.memory_space<hbm>> -> memref<64x128xf32, #tpu.memory_space<hbm>>
        %dma_start3A_181 = arith.constant 0 : i32
        %dma_start3A_182 = tpu.memref_slice %arg7[%add3A_178, %dma_start3A_181] : memref<10240x128xf32, #tpu.memory_space<hbm>> -> memref<64x128xf32, #tpu.memory_space<hbm>>
        tpu.enqueue_dma source(%arg16 : memref<64x128xf32, #tpu.memory_space<vmem>>) target(%dma_start3A_182 : memref<64x128xf32, #tpu.memory_space<hbm>>) target_semaphore(%run_scoped3A : memref<!tpu.dma_semaphore, #tpu.memory_space<semaphore_mem>>)
        %dma_wait3A_183 = arith.constant 0 : i32
        %dma_wait3A_184 = tpu.memref_slice %arg7[%add3A_178, %dma_wait3A_183] : memref<10240x128xf32, #tpu.memory_space<hbm>> -> memref<64x128xf32, #tpu.memory_space<hbm>>
        %dma_wait3A_185 = arith.constant 0 : i32
        %dma_wait3A_186 = tpu.memref_slice %arg7[%add3A_178, %dma_wait3A_185] : memref<10240x128xf32, #tpu.memory_space<hbm>> -> memref<64x128xf32, #tpu.memory_space<hbm>>
        tpu.wait_dma2 semaphore(%run_scoped3A : memref<!tpu.dma_semaphore, #tpu.memory_space<semaphore_mem>>) src(%arg16 : memref<64x128xf32, #tpu.memory_space<vmem>>) dst(%dma_wait3A_186 : memref<64x128xf32, #tpu.memory_space<hbm>>)
        tpu.yield
      }) : () -> ()
    } else {
    }
    %add3A_165 = arith.constant 576 : i32
    %add3A_166 = arith.addi %mul3A_5, %add3A_165 : i32
    "tpu.region"() ({
      %run_scoped3A = tpu.sem_alloc : memref<!tpu.dma_semaphore, #tpu.memory_space<semaphore_mem>>
      %dma_start3A_177 = arith.constant 0 : i32
      %dma_start3A_178 = tpu.memref_slice %arg32[%add3A_166, %dma_start3A_177] : memref<10240x128xf32, #tpu.memory_space<vmem_shared>> -> memref<64x128xf32, #tpu.memory_space<vmem_shared>>
      %dma_start3A_179 = arith.constant 0 : i32
      %dma_start3A_180 = tpu.memref_slice %arg32[%add3A_166, %dma_start3A_179] : memref<10240x128xf32, #tpu.memory_space<vmem_shared>> -> memref<64x128xf32, #tpu.memory_space<vmem_shared>>
      tpu.enqueue_dma source(%dma_start3A_180 : memref<64x128xf32, #tpu.memory_space<vmem_shared>>) target(%arg16 : memref<64x128xf32, #tpu.memory_space<vmem>>) target_semaphore(%run_scoped3A : memref<!tpu.dma_semaphore, #tpu.memory_space<semaphore_mem>>)
      %dma_wait3A_181 = arith.constant 0 : i32
      %dma_wait3A_182 = tpu.memref_slice %arg32[%add3A_166, %dma_wait3A_181] : memref<10240x128xf32, #tpu.memory_space<vmem_shared>> -> memref<64x128xf32, #tpu.memory_space<vmem_shared>>
      %dma_wait3A_183 = arith.constant 0 : i32
      %dma_wait3A_184 = tpu.memref_slice %arg32[%add3A_166, %dma_wait3A_183] : memref<10240x128xf32, #tpu.memory_space<vmem_shared>> -> memref<64x128xf32, #tpu.memory_space<vmem_shared>>
      tpu.wait_dma2 semaphore(%run_scoped3A : memref<!tpu.dma_semaphore, #tpu.memory_space<semaphore_mem>>) src(%dma_wait3A_184 : memref<64x128xf32, #tpu.memory_space<vmem_shared>>) dst(%arg16 : memref<64x128xf32, #tpu.memory_space<vmem>>)
      tpu.yield
    }) : () -> ()
    %eq3A_167 = arith.constant 0 : i32
    %eq3A_168 = arith.cmpi eq, %arg0, %eq3A_167 : i32
    %convert_element_type3A_169 = arith.extui %eq3A_168 : i1 to i32
    %cond3A_170 = arith.constant 0 : i32
    %cond3A_171 = arith.cmpi ne, %convert_element_type3A_169, %cond3A_170 : i32
    scf.if %cond3A_171 {
      %add3A_177 = arith.constant 576 : i32
      %add3A_178 = arith.addi %mul3A_5, %add3A_177 : i32
      "tpu.region"() ({
        %run_scoped3A = tpu.sem_alloc : memref<!tpu.dma_semaphore, #tpu.memory_space<semaphore_mem>>
        %dma_start3A_179 = arith.constant 0 : i32
        %dma_start3A_180 = tpu.memref_slice %arg6[%add3A_178, %dma_start3A_179] : memref<10240x128xf32, #tpu.memory_space<hbm>> -> memref<64x128xf32, #tpu.memory_space<hbm>>
        %dma_start3A_181 = arith.constant 0 : i32
        %dma_start3A_182 = tpu.memref_slice %arg6[%add3A_178, %dma_start3A_181] : memref<10240x128xf32, #tpu.memory_space<hbm>> -> memref<64x128xf32, #tpu.memory_space<hbm>>
        tpu.enqueue_dma source(%arg16 : memref<64x128xf32, #tpu.memory_space<vmem>>) target(%dma_start3A_182 : memref<64x128xf32, #tpu.memory_space<hbm>>) target_semaphore(%run_scoped3A : memref<!tpu.dma_semaphore, #tpu.memory_space<semaphore_mem>>)
        %dma_wait3A_183 = arith.constant 0 : i32
        %dma_wait3A_184 = tpu.memref_slice %arg6[%add3A_178, %dma_wait3A_183] : memref<10240x128xf32, #tpu.memory_space<hbm>> -> memref<64x128xf32, #tpu.memory_space<hbm>>
        %dma_wait3A_185 = arith.constant 0 : i32
        %dma_wait3A_186 = tpu.memref_slice %arg6[%add3A_178, %dma_wait3A_185] : memref<10240x128xf32, #tpu.memory_space<hbm>> -> memref<64x128xf32, #tpu.memory_space<hbm>>
        tpu.wait_dma2 semaphore(%run_scoped3A : memref<!tpu.dma_semaphore, #tpu.memory_space<semaphore_mem>>) src(%arg16 : memref<64x128xf32, #tpu.memory_space<vmem>>) dst(%dma_wait3A_186 : memref<64x128xf32, #tpu.memory_space<hbm>>)
        tpu.yield
      }) : () -> ()
    } else {
    }
    %eq3A_172 = arith.constant 1 : i32
    %eq3A_173 = arith.cmpi eq, %arg0, %eq3A_172 : i32
    %convert_element_type3A_174 = arith.extui %eq3A_173 : i1 to i32
    %cond3A_175 = arith.constant 0 : i32
    %cond3A_176 = arith.cmpi ne, %convert_element_type3A_174, %cond3A_175 : i32
    scf.if %cond3A_176 {
      %add3A_177 = arith.constant 576 : i32
      %add3A_178 = arith.addi %mul3A_5, %add3A_177 : i32
      "tpu.region"() ({
        %run_scoped3A = tpu.sem_alloc : memref<!tpu.dma_semaphore, #tpu.memory_space<semaphore_mem>>
        %dma_start3A_179 = arith.constant 0 : i32
        %dma_start3A_180 = tpu.memref_slice %arg7[%add3A_178, %dma_start3A_179] : memref<10240x128xf32, #tpu.memory_space<hbm>> -> memref<64x128xf32, #tpu.memory_space<hbm>>
        %dma_start3A_181 = arith.constant 0 : i32
        %dma_start3A_182 = tpu.memref_slice %arg7[%add3A_178, %dma_start3A_181] : memref<10240x128xf32, #tpu.memory_space<hbm>> -> memref<64x128xf32, #tpu.memory_space<hbm>>
        tpu.enqueue_dma source(%arg16 : memref<64x128xf32, #tpu.memory_space<vmem>>) target(%dma_start3A_182 : memref<64x128xf32, #tpu.memory_space<hbm>>) target_semaphore(%run_scoped3A : memref<!tpu.dma_semaphore, #tpu.memory_space<semaphore_mem>>)
        %dma_wait3A_183 = arith.constant 0 : i32
        %dma_wait3A_184 = tpu.memref_slice %arg7[%add3A_178, %dma_wait3A_183] : memref<10240x128xf32, #tpu.memory_space<hbm>> -> memref<64x128xf32, #tpu.memory_space<hbm>>
        %dma_wait3A_185 = arith.constant 0 : i32
        %dma_wait3A_186 = tpu.memref_slice %arg7[%add3A_178, %dma_wait3A_185] : memref<10240x128xf32, #tpu.memory_space<hbm>> -> memref<64x128xf32, #tpu.memory_space<hbm>>
        tpu.wait_dma2 semaphore(%run_scoped3A : memref<!tpu.dma_semaphore, #tpu.memory_space<semaphore_mem>>) src(%arg16 : memref<64x128xf32, #tpu.memory_space<vmem>>) dst(%dma_wait3A_186 : memref<64x128xf32, #tpu.memory_space<hbm>>)
        tpu.yield
      }) : () -> ()
    } else {
    }
    return
  }
}

module attributes {stable_mosaic.version = 14 : i64} {
  func.func @_mm_body(%arg0: i32, %arg1: memref<1000x256xf32, #tpu.memory_space<vmem>>, %arg2: memref<256x256xf32, #tpu.memory_space<vmem>>, %arg3: memref<1000x1xf32, #tpu.memory_space<vmem>>, %arg4: memref<1000x128xf32, #tpu.memory_space<vmem>>, %arg5: memref<1000x128xf32, #tpu.memory_space<vmem>>, %arg6: memref<1000x1xf32, #tpu.memory_space<vmem>>) attributes {dimension_semantics = [#tpu.dimension_semantics<arbitrary>], iteration_bounds = array<i64: 10>, scalar_prefetch = 0 : i64, scratch_operands = 0 : i64, tpu.core_type = #tpu.core_type<tc>, window_params = [{transform_indices = @transform_0, window_bounds = array<i64: 1000, 256>}, {pipeline_mode = #tpu.pipeline_mode<synchronous>, transform_indices = @transform_1, window_bounds = array<i64: 256, 256>}, {transform_indices = @transform_2, window_bounds = array<i64: 1000, 1>}, {transform_indices = @transform_3, window_bounds = array<i64: 1000, 128>}, {transform_indices = @transform_4, window_bounds = array<i64: 1000, 128>}, {transform_indices = @transform_5, window_bounds = array<i64: 1000, 1>}]} {
    %get3A = arith.constant 0 : index
    %get3A_0 = arith.constant 0 : index
    %get3A_1 = vector.load %arg3[%get3A, %get3A_0] : memref<1000x1xf32, #tpu.memory_space<vmem>>, vector<1000x1xf32>
    %add3A = arith.constant 1.000000e+00 : f32
    %add3A_2 = vector.broadcast %add3A : f32 to vector<1000x1xf32>
    %add3A_3 = arith.addf %get3A_1, %add3A_2 : vector<1000x1xf32>
    %rsqrt3A = math.rsqrt %add3A_3 : vector<1000x1xf32>
    %get3A_4 = arith.constant 0 : index
    %get3A_5 = arith.constant 0 : index
    %get3A_6 = vector.load %arg1[%get3A_4, %get3A_5] : memref<1000x256xf32, #tpu.memory_space<vmem>>, vector<1000x256xf32>
    %get3A_7 = arith.constant 0 : index
    %get3A_8 = arith.constant 0 : index
    %get3A_9 = vector.load %arg2[%get3A_7, %get3A_8] : memref<256x256xf32, #tpu.memory_space<vmem>>, vector<256x256xf32>
    %dot_general3A = arith.constant dense<0.000000e+00> : vector<1000x256xf32>
    %dot_general3A_10 = tpu.matmul %get3A_6, %get3A_9, %dot_general3A {dimension_numbers = #tpu.dot_dimension_numbers<[1], [0], [0], [1], [0, 0, 1, 1], [], []>, transpose_lhs_hint = false} : vector<1000x256xf32>, vector<256x256xf32>, vector<1000x256xf32> -> vector<1000x256xf32>
    %mul3A = vector.broadcast %rsqrt3A : vector<1000x1xf32> to vector<1000x256xf32>
    %mul3A_11 = arith.mulf %dot_general3A_10, %mul3A : vector<1000x256xf32>
    %slice3A = vector.extract_strided_slice %mul3A_11 {offsets = [0, 0], sizes = [1000, 128], strides = [1, 1]} : vector<1000x256xf32> to vector<1000x128xf32>
    %swap3A = arith.constant 0 : index
    %swap3A_12 = arith.constant 0 : index
    %swap3A_13 = vector.load %arg4[%swap3A, %swap3A_12] : memref<1000x128xf32, #tpu.memory_space<vmem>>, vector<1000x128xf32>
    tpu.vector_store %arg4[%swap3A, %swap3A_12], %slice3A {strides = array<i32>} : memref<1000x128xf32, #tpu.memory_space<vmem>>, vector<1000x128xf32>,
    %slice3A_14 = vector.extract_strided_slice %mul3A_11 {offsets = [0, 128], sizes = [1000, 128], strides = [1, 1]} : vector<1000x256xf32> to vector<1000x128xf32>
    %swap3A_15 = arith.constant 0 : index
    %swap3A_16 = arith.constant 0 : index
    %swap3A_17 = vector.load %arg5[%swap3A_15, %swap3A_16] : memref<1000x128xf32, #tpu.memory_space<vmem>>, vector<1000x128xf32>
    tpu.vector_store %arg5[%swap3A_15, %swap3A_16], %slice3A_14 {strides = array<i32>} : memref<1000x128xf32, #tpu.memory_space<vmem>>, vector<1000x128xf32>,
    %swap3A_18 = arith.constant 0 : index
    %swap3A_19 = arith.constant 0 : index
    %swap3A_20 = vector.load %arg6[%swap3A_18, %swap3A_19] : memref<1000x1xf32, #tpu.memory_space<vmem>>, vector<1000x1xf32>
    tpu.vector_store %arg6[%swap3A_18, %swap3A_19], %rsqrt3A {strides = array<i32>} : memref<1000x1xf32, #tpu.memory_space<vmem>>, vector<1000x1xf32>,
    return
  }
  func.func @transform_0(%arg0: i32) -> (i32, i32) {
    %c0_i32 = arith.constant 0 : i32
    %c0_i32_0 = arith.constant 0 : i32
    return %arg0, %c0_i32 : i32, i32
  }
  func.func @transform_1(%arg0: i32) -> (i32, i32) {
    %c0_i32 = arith.constant 0 : i32
    %c0_i32_0 = arith.constant 0 : i32
    %c0_i32_1 = arith.constant 0 : i32
    return %c0_i32, %c0_i32_0 : i32, i32
  }
  func.func @transform_2(%arg0: i32) -> (i32, i32) {
    %c0_i32 = arith.constant 0 : i32
    %c0_i32_0 = arith.constant 0 : i32
    return %arg0, %c0_i32 : i32, i32
  }
  func.func @transform_3(%arg0: i32) -> (i32, i32) {
    %c0_i32 = arith.constant 0 : i32
    %c0_i32_0 = arith.constant 0 : i32
    return %arg0, %c0_i32 : i32, i32
  }
  func.func @transform_4(%arg0: i32) -> (i32, i32) {
    %c0_i32 = arith.constant 0 : i32
    %c0_i32_0 = arith.constant 0 : i32
    return %arg0, %c0_i32 : i32, i32
  }
  func.func @transform_5(%arg0: i32) -> (i32, i32) {
    %c0_i32 = arith.constant 0 : i32
    %c0_i32_0 = arith.constant 0 : i32
    return %arg0, %c0_i32 : i32, i32
  }
}

module attributes {stable_mosaic.version = 14 : i64} {
  func.func @_final_body(%arg0: i32, %arg1: memref<1000x128xf32, #tpu.memory_space<vmem>>, %arg2: memref<1000x128xf32, #tpu.memory_space<vmem>>, %arg3: memref<1000x128xf32, #tpu.memory_space<vmem>>, %arg4: memref<1000x128xf32, #tpu.memory_space<vmem>>, %arg5: memref<1000x1xf32, #tpu.memory_space<vmem>>, %arg6: memref<1000x256xf32, #tpu.memory_space<vmem>>, %arg7: memref<1x256xf32, #tpu.memory_space<vmem>>, %arg8: memref<1x256xf32, #tpu.memory_space<vmem>>, %arg9: memref<1x256xf32, #tpu.memory_space<vmem>>, %arg10: memref<1000x256xf32, #tpu.memory_space<vmem>>) attributes {dimension_semantics = [#tpu.dimension_semantics<arbitrary>], iteration_bounds = array<i64: 10>, scalar_prefetch = 0 : i64, scratch_operands = 0 : i64, tpu.core_type = #tpu.core_type<tc>, window_params = [{transform_indices = @transform_0, window_bounds = array<i64: 1000, 128>}, {transform_indices = @transform_1, window_bounds = array<i64: 1000, 128>}, {transform_indices = @transform_2, window_bounds = array<i64: 1000, 128>}, {transform_indices = @transform_3, window_bounds = array<i64: 1000, 128>}, {transform_indices = @transform_4, window_bounds = array<i64: 1000, 1>}, {transform_indices = @transform_5, window_bounds = array<i64: 1000, 256>}, {pipeline_mode = #tpu.pipeline_mode<synchronous>, transform_indices = @transform_6, window_bounds = array<i64: 1, 256>}, {pipeline_mode = #tpu.pipeline_mode<synchronous>, transform_indices = @transform_7, window_bounds = array<i64: 1, 256>}, {pipeline_mode = #tpu.pipeline_mode<synchronous>, transform_indices = @transform_8, window_bounds = array<i64: 1, 256>}, {transform_indices = @transform_9, window_bounds = array<i64: 1000, 256>}]} {
    %get3A = arith.constant 0 : index
    %get3A_0 = arith.constant 0 : index
    %get3A_1 = vector.load %arg1[%get3A, %get3A_0] : memref<1000x128xf32, #tpu.memory_space<vmem>>, vector<1000x128xf32>
    %get3A_2 = arith.constant 0 : index
    %get3A_3 = arith.constant 0 : index
    %get3A_4 = vector.load %arg2[%get3A_2, %get3A_3] : memref<1000x128xf32, #tpu.memory_space<vmem>>, vector<1000x128xf32>
    %concatenate3A = tpu.concatenate %get3A_1, %get3A_4 in 1 : vector<1000x128xf32>, vector<1000x128xf32> -> vector<1000x256xf32>
    %get3A_5 = arith.constant 0 : index
    %get3A_6 = arith.constant 0 : index
    %get3A_7 = vector.load %arg3[%get3A_5, %get3A_6] : memref<1000x128xf32, #tpu.memory_space<vmem>>, vector<1000x128xf32>
    %get3A_8 = arith.constant 0 : index
    %get3A_9 = arith.constant 0 : index
    %get3A_10 = vector.load %arg4[%get3A_8, %get3A_9] : memref<1000x128xf32, #tpu.memory_space<vmem>>, vector<1000x128xf32>
    %concatenate3A_11 = tpu.concatenate %get3A_7, %get3A_10 in 1 : vector<1000x128xf32>, vector<1000x128xf32> -> vector<1000x256xf32>
    %get3A_12 = arith.constant 0 : index
    %get3A_13 = arith.constant 0 : index
    %get3A_14 = vector.load %arg5[%get3A_12, %get3A_13] : memref<1000x1xf32, #tpu.memory_space<vmem>>, vector<1000x1xf32>
    %add3A = arith.addf %concatenate3A, %concatenate3A_11 : vector<1000x256xf32>
    %mul3A = vector.broadcast %get3A_14 : vector<1000x1xf32> to vector<1000x256xf32>
    %mul3A_15 = arith.mulf %mul3A, %add3A : vector<1000x256xf32>
    %get3A_16 = arith.constant 0 : index
    %get3A_17 = arith.constant 0 : index
    %get3A_18 = vector.load %arg7[%get3A_16, %get3A_17] : memref<1x256xf32, #tpu.memory_space<vmem>>, vector<1x256xf32>
    %add3A_19 = vector.broadcast %get3A_18 : vector<1x256xf32> to vector<1000x256xf32>
    %add3A_20 = arith.addf %mul3A_15, %add3A_19 : vector<1000x256xf32>
    %get3A_21 = arith.constant 0 : index
    %get3A_22 = arith.constant 0 : index
    %get3A_23 = vector.load %arg6[%get3A_21, %get3A_22] : memref<1000x256xf32, #tpu.memory_space<vmem>>, vector<1000x256xf32>
    %add3A_24 = arith.addf %add3A_20, %get3A_23 : vector<1000x256xf32>
    %reduce_sum3A = arith.constant dense<0.000000e+00> : vector<1000xf32>
    %reduce_sum3A_25 = vector.multi_reduction <add>, %add3A_24, %reduce_sum3A [1] : vector<1000x256xf32> to vector<1000xf32>
    %broadcast_in_dim3A = vector.shape_cast %reduce_sum3A_25 : vector<1000xf32> to vector<1000x1xf32>
    %div3A = arith.constant 2.560000e+02 : f32
    %div3A_26 = vector.broadcast %div3A : f32 to vector<1000x1xf32>
    %div3A_27 = arith.divf %broadcast_in_dim3A, %div3A_26 : vector<1000x1xf32>
    %sub3A = vector.broadcast %div3A_27 : vector<1000x1xf32> to vector<1000x256xf32>
    %sub3A_28 = arith.subf %add3A_24, %sub3A : vector<1000x256xf32>
    %mul3A_29 = arith.mulf %sub3A_28, %sub3A_28 : vector<1000x256xf32>
    %reduce_sum3A_30 = arith.constant dense<0.000000e+00> : vector<1000xf32>
    %reduce_sum3A_31 = vector.multi_reduction <add>, %mul3A_29, %reduce_sum3A_30 [1] : vector<1000x256xf32> to vector<1000xf32>
    %broadcast_in_dim3A_32 = vector.shape_cast %reduce_sum3A_31 : vector<1000xf32> to vector<1000x1xf32>
    %div3A_33 = arith.constant 2.560000e+02 : f32
    %div3A_34 = vector.broadcast %div3A_33 : f32 to vector<1000x1xf32>
    %div3A_35 = arith.divf %broadcast_in_dim3A_32, %div3A_34 : vector<1000x1xf32>
    %add3A_36 = arith.constant 9.99999974E-6 : f32
    %add3A_37 = vector.broadcast %add3A_36 : f32 to vector<1000x1xf32>
    %add3A_38 = arith.addf %div3A_35, %add3A_37 : vector<1000x1xf32>
    %rsqrt3A = math.rsqrt %add3A_38 : vector<1000x1xf32>
    %mul3A_39 = vector.broadcast %rsqrt3A : vector<1000x1xf32> to vector<1000x256xf32>
    %mul3A_40 = arith.mulf %sub3A_28, %mul3A_39 : vector<1000x256xf32>
    %get3A_41 = arith.constant 0 : index
    %get3A_42 = arith.constant 0 : index
    %get3A_43 = vector.load %arg8[%get3A_41, %get3A_42] : memref<1x256xf32, #tpu.memory_space<vmem>>, vector<1x256xf32>
    %mul3A_44 = vector.broadcast %get3A_43 : vector<1x256xf32> to vector<1000x256xf32>
    %mul3A_45 = arith.mulf %mul3A_40, %mul3A_44 : vector<1000x256xf32>
    %get3A_46 = arith.constant 0 : index
    %get3A_47 = arith.constant 0 : index
    %get3A_48 = vector.load %arg9[%get3A_46, %get3A_47] : memref<1x256xf32, #tpu.memory_space<vmem>>, vector<1x256xf32>
    %add3A_49 = vector.broadcast %get3A_48 : vector<1x256xf32> to vector<1000x256xf32>
    %add3A_50 = arith.addf %mul3A_45, %add3A_49 : vector<1000x256xf32>
    %max3A = arith.constant 0.000000e+00 : f32
    %max3A_51 = vector.broadcast %max3A : f32 to vector<1000x256xf32>
    %max3A_52 = arith.maximumf %add3A_50, %max3A_51 : vector<1000x256xf32>
    %swap3A = arith.constant 0 : index
    %swap3A_53 = arith.constant 0 : index
    %swap3A_54 = vector.load %arg10[%swap3A, %swap3A_53] : memref<1000x256xf32, #tpu.memory_space<vmem>>, vector<1000x256xf32>
    tpu.vector_store %arg10[%swap3A, %swap3A_53], %max3A_52 {strides = array<i32>} : memref<1000x256xf32, #tpu.memory_space<vmem>>, vector<1000x256xf32>,
    return
  }
  func.func @transform_0(%arg0: i32) -> (i32, i32) {
    %c0_i32 = arith.constant 0 : i32
    %c0_i32_0 = arith.constant 0 : i32
    return %arg0, %c0_i32 : i32, i32
  }
  func.func @transform_1(%arg0: i32) -> (i32, i32) {
    %c0_i32 = arith.constant 0 : i32
    %c0_i32_0 = arith.constant 0 : i32
    return %arg0, %c0_i32 : i32, i32
  }
  func.func @transform_2(%arg0: i32) -> (i32, i32) {
    %c0_i32 = arith.constant 0 : i32
    %c0_i32_0 = arith.constant 0 : i32
    return %arg0, %c0_i32 : i32, i32
  }
  func.func @transform_3(%arg0: i32) -> (i32, i32) {
    %c0_i32 = arith.constant 0 : i32
    %c0_i32_0 = arith.constant 0 : i32
    return %arg0, %c0_i32 : i32, i32
  }
  func.func @transform_4(%arg0: i32) -> (i32, i32) {
    %c0_i32 = arith.constant 0 : i32
    %c0_i32_0 = arith.constant 0 : i32
    return %arg0, %c0_i32 : i32, i32
  }
  func.func @transform_5(%arg0: i32) -> (i32, i32) {
    %c0_i32 = arith.constant 0 : i32
    %c0_i32_0 = arith.constant 0 : i32
    return %arg0, %c0_i32 : i32, i32
  }
  func.func @transform_6(%arg0: i32) -> (i32, i32) {
    %c0_i32 = arith.constant 0 : i32
    %c0_i32_0 = arith.constant 0 : i32
    %c0_i32_1 = arith.constant 0 : i32
    return %c0_i32, %c0_i32_0 : i32, i32
  }
  func.func @transform_7(%arg0: i32) -> (i32, i32) {
    %c0_i32 = arith.constant 0 : i32
    %c0_i32_0 = arith.constant 0 : i32
    %c0_i32_1 = arith.constant 0 : i32
    return %c0_i32, %c0_i32_0 : i32, i32
  }
  func.func @transform_8(%arg0: i32) -> (i32, i32) {
    %c0_i32 = arith.constant 0 : i32
    %c0_i32_0 = arith.constant 0 : i32
    %c0_i32_1 = arith.constant 0 : i32
    return %c0_i32, %c0_i32_0 : i32, i32
  }
  func.func @transform_9(%arg0: i32) -> (i32, i32) {
    %c0_i32 = arith.constant 0 : i32
    %c0_i32_0 = arith.constant 0 : i32
    return %arg0, %c0_i32 : i32, i32
  }
}

</mosaic_0001>

<sc_bundles>
// kernel: kernel.6.cloned.1.call-start
scs
__scs_entry_jumppad:
0x0: {  	(pc) =	sbr.rel $0x88, $3  }
0x1: {  	(tag) =	ssettag $0x0;
	lr =	simm.s32 $0x1  }
0x2: {  	[smem:$0x3F9B] =	sst lr;
	_ =	strace $0xD0000000  }
0x3: {  	_ = 	snop  }
0x4: {  	_ = 	snop  }
0x5: {  	_ = 	snop  }
0x6: {  	_ = 	snop  }
0x7: {  	_ = 	snop  }
__scs_overlays_trampoline_lowered:
0x8: {  	[smem:$0x3FAA] =	sst s0  }
0x9: {  	[smem:$0x3FAB] =	sst s1  }
0xa: {  	[smem:$0x3FAC] =	sst s2  }
0xb: {  	[smem:$0x3FAD] =	sst s3  }
0xc: {  	[smem:$0x3FAE] =	sst s4  }
0xd: {  	[smem:$0x3FAF] =	sst s5  }
0xe: {  	[smem:$0x3FB0] =	sst s6  }
0xf: {  	[smem:$0x3FB1] =	sst s7  }
0x10: {  	[smem:$0x3FB2] =	sst s8  }
0x11: {  	[smem:$0x3FB3] =	sst s9;
	s0 =	simm.s32 @!p0 $0x0  }
0x12: {  	s1 =	sld [smem:$0x3F99];
	s0 =	simm.s32 @p0 $0x1  }
0x13: {  	[smem:$0x3FB4] =	sst s0;
	s0 =	simm.s32 @!p1 $0x0  }
0x14: {  	s2 =	sld [smem:$0x3F98];
	s0 =	simm.s32 @p1 $0x1  }
0x15: {  	[smem:$0x3FB5] =	sst s0;
	s0 =	simm.s32 @!p2 $0x0  }
0x16: {  	s3 =	sld [smem:$0x3FDB];
	s0 =	simm.s32 @p2 $0x1  }
0x17: {  	s4 =	simm.s32 $0x1BF5;
	[smem:$0x3FB7] =	sst s0  }
0x18: {  	s0 =	sld [smem:$0x3F9A];
	_ =	swait.ge [sflag:s4], $0x0  }
0x19: {  	s7 =	sld [smem:$0x3F9B]  }
0x1a: {  	s8 =	sadd.s32 $0xFFFFE003, lr  }
0x1b: {  	s9 =	sadd.s32 $0xFFFFFEF7, lr;
	s5 =	simm.s32 $0xFFFFFFFF;
	p2 =	slt.u32 s8, $0xFFFFF086  }
0x1c: {  	p1 =	slt.u32 s9, $0xF7A;
	s5 =	simm.s32 @!p2 $0x0  }
0x1d: {  	s5 =	simm.s32 @p1 $0x1;
	p0 =	seq.s32 s7, s2  }
0x1e: {  	s7 =	smul.u32 @!p0 $0xF7A, s2;
	p2 =	seq.s32 @!p0 s5, $0x0  }
0x1f: {  	s9 =	smul.u32 $0xF7A, s1;
	s8 =	simm.s32 @!p0 $0x1BF5;
	p2 =	por !p2, p0  }
0x20: {  	[sflag:s8] =	ssyncset.s32 @!p0 $0xFFFFF086;
	s6 =	sadd.s32 @!p0 s3, s7;
	s7 =	simm.s32 @!p0 $0x108  }
0x21: {  	s3 =	sadd.s32 s3, s9;
	s6 =	sadd.s32 @!p0 $0x88, s6;
	s7 =	simm.s32 @p2 $0x1082  }
0x22: {  	[simem:s7], [sflag:s8] =	dma.local @!p0 [hbm:s6], $0xF7A  }
0x23: {  	s9 =	sor.u32 $0xD0000000, s2;
	s6 =	simm.s32 $0x108;
	_ =	swait.ge @!p0 [sflag:s8], $0x0  }
0x24: {  	s3 =	sadd.s32 $0x88, s3;
	s6 =	simm.s32 @!p1 $0x1082;
	[sflag:s4] =	ssyncset.s32 $0xFFFFF086  }
0x25: {  	[simem:s6], [sflag:s4] =	dma.local [hbm:s3], $0xF7A  }
0x26: {  	[smem:$0x3F9B] =	sst s1;
	(tag) =	ssettag s2;
	_ =	strace s9  }
0x27: {  	s1 =	sld [smem:$0x3FAB]  }
0x28: {  	s2 =	sld [smem:$0x3FAC]  }
0x29: {  	s4 =	sld [smem:$0x3FAE]  }
0x2a: {  	p0 =	seq.s32 s5, $0x0;
	s5 =	sld [smem:$0x3FAF]  }
0x2b: {  	s6 =	sld [smem:$0x3FB0]  }
0x2c: {  	s7 =	sld [smem:$0x3FB1]  }
0x2d: {  	s3 =	simm.s32 $0x108;
	s8 =	sld [smem:$0x3FB2]  }
0x2e: {  	s3 =	simm.s32 @!p0 $0x1082;
	s9 =	sld [smem:$0x3FB3]  }
0x2f: {  	lr =	sadd.s32 s0, s3;
	s0 =	sld [smem:$0x3FAA]  }
0x30: {  	s3 =	sld [smem:$0x3FAD]  }
0x31: {  	[smem:$0x3FB6] =	sst s10  }
0x32: {  	s10 =	sld [smem:$0x3FB4];
	_ =	sdelay $0x3  }
0x33: {  	p0 =	seq.s32 s10, $0x1;
	s10 =	sld [smem:$0x3FB6];
	_ =	sdelay $0x3  }
0x34: {  	[smem:$0x3FB6] =	sst s10  }
0x35: {  	s10 =	sld [smem:$0x3FB5];
	_ =	sdelay $0x3  }
0x36: {  	p1 =	seq.s32 s10, $0x1;
	s10 =	sld [smem:$0x3FB6];
	_ =	sdelay $0x3  }
0x37: {  	[smem:$0x3FB6] =	sst s10  }
0x38: {  	s10 =	sld [smem:$0x3FB7]  }
0x39: {  	_ = 	snop;
	(pc) =	sbr.ind lr, $3  }
0x3a: {  	_ = 	snop  }
0x3b: {  	_ = 	snop  }
0x3c: {  	p2 =	seq.s32 s10, $0x1;
	s10 =	sld [smem:$0x3FB6]  }
0x3d: {  	_ =	shalt  }
0x3e: {  	_ =	shalt  }
0x3f: {  	_ =	shalt  }
0x40: {  	_ =	shalt  }
0x41: {  	_ =	shalt  }
0x42: {  	_ =	shalt  }
0x43: {  	_ =	shalt  }
0x44: {  	_ =	shalt  }
0x45: {  	_ =	shalt  }
0x46: {  	_ =	shalt  }
0x47: {  	_ =	shalt  }
0x48: {  	_ =	shalt  }
0x49: {  	_ =	shalt  }
0x4a: {  	_ =	shalt  }
0x4b: {  	_ =	shalt  }
0x4c: {  	_ =	shalt  }
0x4d: {  	_ =	shalt  }
0x4e: {  	_ =	shalt  }
0x4f: {  	_ =	shalt  }
0x50: {  	_ =	shalt  }
0x51: {  	_ =	shalt  }
0x52: {  	_ =	shalt  }
0x53: {  	_ =	shalt  }
0x54: {  	_ =	shalt  }
0x55: {  	_ =	shalt  }
0x56: {  	_ =	shalt  }
0x57: {  	_ =	shalt  }
0x58: {  	_ =	shalt  }
0x59: {  	_ =	shalt  }
0x5a: {  	_ =	shalt  }
0x5b: {  	_ =	shalt  }
0x5c: {  	_ =	shalt  }
0x5d: {  	_ =	shalt  }
0x5e: {  	_ =	shalt  }
0x5f: {  	_ =	shalt  }
0x60: {  	_ =	shalt  }
0x61: {  	_ =	shalt  }
0x62: {  	_ =	shalt  }
0x63: {  	_ =	shalt  }
0x64: {  	_ =	shalt  }
0x65: {  	_ =	shalt  }
0x66: {  	_ =	shalt  }
0x67: {  	_ =	shalt  }
0x68: {  	_ =	shalt  }
0x69: {  	_ =	shalt  }
0x6a: {  	_ =	shalt  }
0x6b: {  	_ =	shalt  }
0x6c: {  	_ =	shalt  }
0x6d: {  	_ =	shalt  }
0x6e: {  	_ =	shalt  }
0x6f: {  	_ =	shalt  }
0x70: {  	_ =	shalt  }
0x71: {  	_ =	shalt  }
0x72: {  	_ =	shalt  }
0x73: {  	_ =	shalt  }
0x74: {  	_ =	shalt  }
0x75: {  	_ =	shalt  }
0x76: {  	_ =	shalt  }
0x77: {  	_ =	shalt  }
0x78: {  	_ =	shalt  }
0x79: {  	_ =	shalt  }
0x7a: {  	_ =	shalt  }
0x7b: {  	_ =	shalt  }
0x7c: {  	_ =	shalt  }
0x7d: {  	_ =	shalt  }
0x7e: {  	_ =	shalt  }
0x7f: {  	_ =	shalt  }
0x80: {  	_ =	shalt  }
0x81: {  	_ =	shalt  }
0x82: {  	_ =	shalt  }
0x83: {  	_ =	shalt  }
0x84: {  	_ =	shalt  }
0x85: {  	_ =	shalt  }
0x86: {  	_ =	shalt  }
0x87: {  	_ =	shalt  }
.Lfunc_end0:
.L_simem_size_0:
called_computation_lowered:
.L_overlay_start_0:
0x88: {  	s2 =	sld [smem:$0x3FD9]  }
0x89: {  	s3 =	sld [smem:$0x3FFE];
	_ =	sdelay $0x1  }
0x8a: {  	s1 =	srdreg.scid  }
0x8b: {  	s0 =	sand.u32 $0x1, s1  }
0x8c: {  	s17 =	sshll.u32 s0, $0xA;
	s2 =	sadd.s32 s3, s2  }
0x8d: {  	s2 =	sadd.s32 s2, s17  }
0x8e: {  	[smem:$0x3FC2] =	sst s2  }
0x8f: {  	_ = 	snop  }
0x90: {  	s2 =	sld [smem:$0x3FD0];
	(tm) =	ssettm $0x1  }
0x91: {  	s18 =	sld [smem:$0x3FFB];
	_ =	sdelay $0x3  }
0x92: {  	_ =	strace s18  }
0x93: {  	s3 =	sld [smem:$0x3FFC];
	_ =	sdelay $0x3  }
0x94: {  	_ =	strace s3  }
0x95: {  	s3 =	sld [smem:$0x3FFD];
	_ =	sdelay $0x3  }
0x96: {  	_ =	strace s3  }
0x97: {  	_ =	strace $0x8FFFFFFF  }
0x98: {  	s19 =	sld [smem:$0x3FDB];
	_ =	sdelay $0x1  }
0x99: {  	s4 =	simm.s32 $_scs_section_size  }
0x9a: {  	s5 =	simm.s32 $_size__tile_overlayer_lowered;
	s6 =	simm.s32 $_tile_overlayer_lowered  }
0x9b: {  	s22 =	simm.s32 $0x1BFF;
	s21 =	sshll.u32 s6, $0x1;
	s3 =	sadd.s32 s4, s19  }
0x9c: {  	s7 =	simm.s32 $0x0;
	s20 =	sshll.u32 s5, $0x1;
	s5 =	sadd.s32 s21, s3  }
0x9d: {  	[timem:s7], [sflag:s22] =	dma.local [hbm:s5], s20  }
0x9e: {  	_ =	swait.ge [sflag:s22], s20  }
0x9f: {  	s4 =	ssub.s32 $0x0, s20;
	[sflag:s22] =	ssyncset.done $0x0  }
0xa0: {  	[sflag:s22] =	ssyncadd.s32 s4;
	_ =	sdelay $0x1  }
0xa1: {  	s23 =	simm.s32 $0x1B8B  }
0xa2: {  	_ =	swait.ge [sflag:s23], $0x1  }
0xa3: {  	[sflag:s23] =	ssyncset.done $0x0  }
0xa4: {  	s25 =	simm.s32 $0x1B8E;
	s24 =	sld [smem:$0x3FFE];
	[sflag:s23] =	ssyncadd.s32 $0xFFFFFFFF  }
0xa5: {  	s26 =	simm.s32 $execute0_lowered;
	[smem:$0x3FD2] =	sst s25  }
0xa6: {  	s5 =	sshll.u32 s26, $0x1;
	_ =	strace $0x80000046;
	[dreg:$0x1] =	wrdreg $0xFFFFFFFF  }
0xa7: {  	s28 =	simm.s32 $_size_execute0_lowered;
	s3 =	sadd.s32 s3, s5;
	[dreg:$0x0] =	wrdreg $0x0  }
0xa8: {  	s5 =	sshll.u32 s28, $0x1;
	[dreg:$0x2] =	wrdreg s3  }
0xa9: {  	[dreg:$0x3] =	wrdreg s5  }
0xaa: {  	[dreg:$0x4] =	wrdreg $0xC0  }
0xab: {  	_ =	task [dreg:s7], $0x5FFFF  }
0xac: {  	[dreg:$0x1] =	wrdreg $0xFFFFFFFF  }
0xad: {  	[dreg:$0x0] =	wrdreg $0x60  }
0xae: {  	[dreg:$0x2] =	wrdreg s24  }
0xaf: {  	[dreg:$0x3] =	wrdreg s2  }
0xb0: {  	[dreg:$0x4] =	wrdreg $0x53000  }
0xb1: {  	[dreg:$0x5] =	wrdreg $0x9  }
0xb2: {  	_ =	task.clear_ibuf [dreg:s7], $0x6FFFF;
	_ =	strace $0x90000046  }
0xb3: {  	s29 =	simm.s32 $0x9;
	_ =	strace $0x80000048  }
0xb4: {  	_ =	swait.ge [sflag:s29], $0x1  }
0xb5: {  	[sflag:s29] =	ssyncadd.s32 $0xFFFFFFFF  }
0xb6: {  	_ =	strace $0x90000048  }
0xb7: {  	_ =	sfence  }
0xb8: {  	s30 =	sld [smem:$0x0];
	_ =	sdelay $0x2  }
0xb9: {  	s31 =	sshll.u32 s1, $0xD;
	s1 =	sshrl.u32 s1, $0x2  }
0xba: {  	s3 =	sand.u32 $0x4000, s31;
	s1 =	sadd.s32 s1, s30  }
0xbb: {  	s0 =	sor.u32 s3, s0;
	s1 =	sshll.u32 s1, $0x11  }
0xbc: {  	s0 =	sor.u32 s1, s0  }
0xbd: {  	s0 =	sadd.s32 $0x8F2B, s0  }
0xbe: {  	[sflag:s0] =	ssyncadd.remote.s32 $0x1  }
0xbf: {  	_ =	sfence.sel $0xFFFF  }
0xc0: {  	[dreg:$0x0] =	wrdreg $0xFFFFFFFF;
	(pc) =	sbr.abs _section_cstart, $3  }
0xc1: {  	[dreg:$0x1] =	wrdreg $0xFFFFFFFF  }
0xc2: {  	_ =	task.clear_ibuf [dreg:s7], $0x2FFFF;
	_ =	strace $0x9FFFFFFF  }
0xc3: {  	(tm) =	ssettm $0x7FFFFFFF  }
tec
execute0_lowered:
.L_overlay_start_1:
0x0: {  	(tag) =	ssettag $0x1  }
0x1: {  	s4 =	rddreg [dreg:$0x0]  }
0x2: {  	s7 =	rddreg [dreg:$0x1]  }
0x3: {  	s0 =	stileid.u32;
	s1 =	srdreg.scid  }
0x4: {  	s2 =	rddreg [dreg:$0x2];
	s3 =	simm.s32 $0x0;
	s11 =	simm.s32 $0x40  }
0x5: {  	s12 =	simm.s32 $0x5000;
	s13 =	simm.s32 $0x1;
	s14 =	simm.s32 $0x0  }
0x6: {  	s5 =	smul.u32 $0xA00, s0;
	s6 =	sand.u32 $0x1, s1;
	s1 =	rddreg [dreg:$0x3]  }
0x7: {  	[smem:$0x7FF] =	sst s3;
	s8 =	smul.u32 $0x1400, s6;
	s6 =	ssub.s32 $0x2, s6  }
0x8: {  	s9 =	smul.u32 $0x140, s0;
	_ =	strace $0x80000047;
	s10 =	sshrl.u32 s6, $0x1  }
0x9: {  	s4 =	sadd.s32 s5, s4;
	s5 =	sshrl.u32 s5, $0x2;
	s10 =	ssub.s32 s6, s10  }
0xa: {  	s31 =	sadd.s32 s9, s8;
	s4 =	sadd.s32 $0x1A00, s4;
	s5 =	sadd.s32 s5, s2  }
0xb: {  	s9 =	simm.s32 $0x2;
	s8 =	sshrl.u32 s31, $0x3;
	s6 =	sadd.s32 s31, s2  }
0xc: {  	v0 =	vimm.f32 $0.0e+00;
	v1 =	vimm.f32 $1.000000000e+00;
	s7 =	sadd.s32 s7, s8;
	s8 =	smax.u32 s10, $0x1;
	s10 =	simm.s32 $0x5080  }
.LBB2_1:
0xd: {  	[tilespmem:$0x5080] =	vst v0  }
0xe: {  	[tilespmem:$0x5090] =	vst v0  }
0xf: {  	[tilespmem:$0x50A0] =	vst v0  }
0x10: {  	[tilespmem:$0x50B0] =	vst v0  }
0x11: {  	[tilespmem:$0x50C0] =	vst v0  }
0x12: {  	[tilespmem:$0x50D0] =	vst v0  }
0x13: {  	[tilespmem:$0x50E0] =	vst v0  }
0x14: {  	[tilespmem:$0x50F0] =	vst v0  }
0x15: {  	[tilespmem:$0x5100] =	vst v0  }
0x16: {  	[tilespmem:$0x5110] =	vst v0  }
0x17: {  	[tilespmem:$0x5120] =	vst v0  }
0x18: {  	[tilespmem:$0x5130] =	vst v0  }
0x19: {  	[tilespmem:$0x5140] =	vst v0  }
0x1a: {  	[tilespmem:$0x5150] =	vst v0  }
0x1b: {  	[tilespmem:$0x5160] =	vst v0  }
0x1c: {  	[tilespmem:$0x5170] =	vst v0  }
0x1d: {  	[tilespmem:$0x5180] =	vst v0  }
0x1e: {  	[tilespmem:$0x5190] =	vst v0  }
0x1f: {  	[tilespmem:$0x51A0] =	vst v0  }
0x20: {  	[tilespmem:$0x51B0] =	vst v0  }
0x21: {  	[tilespmem:$0x51C0] =	vst v0  }
0x22: {  	[tilespmem:$0x51D0] =	vst v0  }
0x23: {  	[tilespmem:$0x51E0] =	vst v0  }
0x24: {  	[tilespmem:$0x51F0] =	vst v0  }
0x25: {  	[tilespmem:$0x5200] =	vst v0  }
0x26: {  	[tilespmem:$0x5210] =	vst v0  }
0x27: {  	[tilespmem:$0x5220] =	vst v0  }
0x28: {  	[tilespmem:$0x5230] =	vst v0  }
0x29: {  	[tilespmem:$0x5240] =	vst v0  }
0x2a: {  	[tilespmem:$0x5250] =	vst v0  }
0x2b: {  	[tilespmem:$0x5260] =	vst v0  }
0x2c: {  	[tilespmem:$0x5270] =	vst v0  }
0x2d: {  	[tilespmem:$0x5280] =	vst v0  }
0x2e: {  	[tilespmem:$0x5290] =	vst v0  }
0x2f: {  	[tilespmem:$0x52A0] =	vst v0  }
0x30: {  	[tilespmem:$0x52B0] =	vst v0  }
0x31: {  	[tilespmem:$0x52C0] =	vst v0  }
0x32: {  	[tilespmem:$0x52D0] =	vst v0  }
0x33: {  	[tilespmem:$0x52E0] =	vst v0  }
0x34: {  	[tilespmem:$0x52F0] =	vst v0  }
0x35: {  	[tilespmem:$0x5000] =	vst v1  }
0x36: {  	[tilespmem:$0x5010] =	vst v1  }
0x37: {  	[tilespmem:$0x5020] =	vst v1  }
0x38: {  	[tilespmem:$0x5030] =	vst v1  }
0x39: {  	[tilespmem:s3], [sflag:$0x2] =	stream.linear.gather [hbm4b:s4+s3], $0x5000, $0x38;
	[tilespmem:$0x5580] =	vst v63  }
0x3a: {  	_ =	swait.ge [sflag:s9], $0x5000  }
0x3b: {  	[sflag:s9] =	ssyncset.done $0x0  }
0x3c: {  	[sflag:s9] =	ssyncadd.s32 $0xFFFFB000  }
0x3d: {  	[spmem:s5] =	stream.linear.scatter [tilespmem:s10], [sflag:$0x2], $0x280, $0x38;
	[tilespmem:$0x5580] =	vst v63  }
0x3e: {  	_ =	swait.ge [sflag:s9], $0x280  }
0x3f: {  	[sflag:s9] =	ssyncset.done $0x0  }
0x40: {  	[sflag:s9] =	ssyncadd.s32 $0xFFFFFD80  }
0x41: {  	s15 =	simm.s32 $0x0;
	[bflag:$0x0] =	sbarrier.arrive $0xFFFF  }
.LBB2_2:
0x42: {  	p0 =	sne.s32 s15, $0x13E00  }
.Ltmp0:
0x43: {  	_ = 	snop;
	(pc) =	sbr.rel @p0 .LBB2_2-.Ltmp0, $3  }
0x44: {  	_ =	sdelay $0x1  }
0x45: {  	s16 =	sshra.s32 s15, $0x2;
	s15 =	sadd.s32 $0x200, s15  }
0x46: {  	[spmem:s2] =	stream.indirect.scatter.add.f32 [tilespmem:s12], [sflag:$0x1], $0x1, s16, s11, $0xb8;
	[tilespmem:$0x5580] =	vst v63  }
0x47: {  	_ =	swait.ge [sflag:s13], $0x40  }
0x48: {  	s15 =	simm.s32 $0x9F;
	[sflag:s13] =	ssyncset.done $0x0  }
.LBB2_4:
0x49: {  	p0 =	sne.s32 s15, $0x1;
	s15 =	sadd.s32 $0xFFFFFFFF, s15;
	[sflag:s13] =	ssyncadd.s32 $0xFFFFFFC0  }
.Ltmp1:
0x4a: {  	(pc) =	sbr.rel @p0 .LBB2_4-.Ltmp1, $3  }
0x4b: {  	_ =	sdelay $0x1  }
0x4c: {  	_ =	swait.ge [sflag:s13], $0x40  }
0x4d: {  	[sflag:s13] =	ssyncset.done $0x0  }
0x4e: {  	[sflag:s13] =	ssyncadd.s32 $0xFFFFFFC0  }
0x4f: {  	[bflag:$0x0] =	sbarrier.arrive $0xFFFF  }
0x50: {  	[tilespmem:s10], [sflag:$0x2] =	stream.linear.gather [spmem:s6], $0x140, $0x38;
	[tilespmem:$0x5580] =	vst v63  }
0x51: {  	s14 =	sadd.s32 $0x1, s14;
	_ =	swait.ge [sflag:s9], $0x140  }
0x52: {  	p0 =	sne.s32 s14, s8;
	[sflag:s9] =	ssyncset.done $0x0  }
.Ltmp2:
0x53: {  	[sflag:s9] =	ssyncadd.s32 $0xFFFFFEC0;
	(pc) =	sbr.rel @p0 .LBB2_1-.Ltmp2, $4  }
0x54: {  	[hbm4b:s7+s3] =	stream.linear.scatter [tilespmem:s10], [sflag:$0x2], $0x140, $0x38;
	[tilespmem:$0x5580] =	vst v63  }
0x55: {  	_ =	swait.ge [sflag:s9], $0x140  }
0x56: {  	[sflag:s9] =	ssyncset.done $0x0  }
0x57: {  	[sflag:s9] =	ssyncadd.s32 $0xFFFFFEC0  }
0x58: {  	_ =	sfence.sel $0x180000  }
0x59: {  	[bflag:$0x0] =	sbarrier.arrive $0xFFFF  }
0x5a: {  	p0 =	sne.s32 s0, $0x0;
	_ =	strace $0x90000047  }
0x5b: {  	s0 =	sadd.s32 @!p0 $0x100000, s1;
	[bflag:$0x2] =	sbarrier.arrive $0xFFFF  }
0x5c: {  	[sflag:s0] =	ssyncadd.tile.s32 @!p0 $0x1;
	_ =	shalt  }
.Lfunc_end2:
_tile_overlayer_lowered:
.L_overlay_start_2:
0x5d: {  	(tag) =	ssettag $0x2  }
0x5e: {  	s0 =	rddreg [dreg:$0x0];
	s2 =	stileid.u32  }
0x5f: {  	s1 =	rddreg [dreg:$0x1];
	p0 =	sne.s32 s2, $0x0  }
0x60: {  	s3 =	rddreg [dreg:$0x2];
	[bflag:$0x3] =	sbarrier.arrive $0xFFFF;
	s2 =	simm.s32 @!p0 $0x1C02  }
0x61: {  	[timem:s3], [sflag:s2] =	dma.local @!p0 [hbm:s0], s1  }
0x62: {  	s0 =	simm.s32 @!p0 $0x2  }
0x63: {  	_ =	swait.ge @!p0 [sflag:s0], s1  }
0x64: {  	s1 =	ssub.s32 @!p0 $0x0, s1;
	[sflag:s0] =	ssyncset.done @!p0 $0x0  }
0x65: {  	[sflag:s0] =	ssyncadd.s32 @!p0 s1  }
0x66: {  	[bflag:$0x3] =	sbarrier.arrive $0xFFFF  }
0x67: {  	_ =	shalt  }

// kernel: kernel.9.cloned.1.call-start
scs
__scs_entry_jumppad:
0x0: {  	(pc) =	sbr.rel $0x88, $3  }
0x1: {  	(tag) =	ssettag $0x0;
	lr =	simm.s32 $0x1  }
0x2: {  	[smem:$0x3F9B] =	sst lr;
	_ =	strace $0xD0000000  }
0x3: {  	_ = 	snop  }
0x4: {  	_ = 	snop  }
0x5: {  	_ = 	snop  }
0x6: {  	_ = 	snop  }
0x7: {  	_ = 	snop  }
__scs_overlays_trampoline_lowered:
0x8: {  	[smem:$0x3FAA] =	sst s0  }
0x9: {  	[smem:$0x3FAB] =	sst s1  }
0xa: {  	[smem:$0x3FAC] =	sst s2  }
0xb: {  	[smem:$0x3FAD] =	sst s3  }
0xc: {  	[smem:$0x3FAE] =	sst s4  }
0xd: {  	[smem:$0x3FAF] =	sst s5  }
0xe: {  	[smem:$0x3FB0] =	sst s6  }
0xf: {  	[smem:$0x3FB1] =	sst s7  }
0x10: {  	[smem:$0x3FB2] =	sst s8  }
0x11: {  	[smem:$0x3FB3] =	sst s9;
	s0 =	simm.s32 @!p0 $0x0  }
0x12: {  	s1 =	sld [smem:$0x3F99];
	s0 =	simm.s32 @p0 $0x1  }
0x13: {  	[smem:$0x3FB4] =	sst s0;
	s0 =	simm.s32 @!p1 $0x0  }
0x14: {  	s2 =	sld [smem:$0x3F98];
	s0 =	simm.s32 @p1 $0x1  }
0x15: {  	[smem:$0x3FB5] =	sst s0;
	s0 =	simm.s32 @!p2 $0x0  }
0x16: {  	s3 =	sld [smem:$0x3FDB];
	s0 =	simm.s32 @p2 $0x1  }
0x17: {  	s4 =	simm.s32 $0x1BF5;
	[smem:$0x3FB7] =	sst s0  }
0x18: {  	s0 =	sld [smem:$0x3F9A];
	_ =	swait.ge [sflag:s4], $0x0  }
0x19: {  	s7 =	sld [smem:$0x3F9B]  }
0x1a: {  	s8 =	sadd.s32 $0xFFFFE003, lr  }
0x1b: {  	s9 =	sadd.s32 $0xFFFFFEF7, lr;
	s5 =	simm.s32 $0xFFFFFFFF;
	p2 =	slt.u32 s8, $0xFFFFF086  }
0x1c: {  	p1 =	slt.u32 s9, $0xF7A;
	s5 =	simm.s32 @!p2 $0x0  }
0x1d: {  	s5 =	simm.s32 @p1 $0x1;
	p0 =	seq.s32 s7, s2  }
0x1e: {  	s7 =	smul.u32 @!p0 $0xF7A, s2;
	p2 =	seq.s32 @!p0 s5, $0x0  }
0x1f: {  	s9 =	smul.u32 $0xF7A, s1;
	s8 =	simm.s32 @!p0 $0x1BF5;
	p2 =	por !p2, p0  }
0x20: {  	[sflag:s8] =	ssyncset.s32 @!p0 $0xFFFFF086;
	s6 =	sadd.s32 @!p0 s3, s7;
	s7 =	simm.s32 @!p0 $0x108  }
0x21: {  	s3 =	sadd.s32 s3, s9;
	s6 =	sadd.s32 @!p0 $0x88, s6;
	s7 =	simm.s32 @p2 $0x1082  }
0x22: {  	[simem:s7], [sflag:s8] =	dma.local @!p0 [hbm:s6], $0xF7A  }
0x23: {  	s9 =	sor.u32 $0xD0000000, s2;
	s6 =	simm.s32 $0x108;
	_ =	swait.ge @!p0 [sflag:s8], $0x0  }
0x24: {  	s3 =	sadd.s32 $0x88, s3;
	s6 =	simm.s32 @!p1 $0x1082;
	[sflag:s4] =	ssyncset.s32 $0xFFFFF086  }
0x25: {  	[simem:s6], [sflag:s4] =	dma.local [hbm:s3], $0xF7A  }
0x26: {  	[smem:$0x3F9B] =	sst s1;
	(tag) =	ssettag s2;
	_ =	strace s9  }
0x27: {  	s1 =	sld [smem:$0x3FAB]  }
0x28: {  	s2 =	sld [smem:$0x3FAC]  }
0x29: {  	s4 =	sld [smem:$0x3FAE]  }
0x2a: {  	p0 =	seq.s32 s5, $0x0;
	s5 =	sld [smem:$0x3FAF]  }
0x2b: {  	s6 =	sld [smem:$0x3FB0]  }
0x2c: {  	s7 =	sld [smem:$0x3FB1]  }
0x2d: {  	s3 =	simm.s32 $0x108;
	s8 =	sld [smem:$0x3FB2]  }
0x2e: {  	s3 =	simm.s32 @!p0 $0x1082;
	s9 =	sld [smem:$0x3FB3]  }
0x2f: {  	lr =	sadd.s32 s0, s3;
	s0 =	sld [smem:$0x3FAA]  }
0x30: {  	s3 =	sld [smem:$0x3FAD]  }
0x31: {  	[smem:$0x3FB6] =	sst s10  }
0x32: {  	s10 =	sld [smem:$0x3FB4];
	_ =	sdelay $0x3  }
0x33: {  	p0 =	seq.s32 s10, $0x1;
	s10 =	sld [smem:$0x3FB6];
	_ =	sdelay $0x3  }
0x34: {  	[smem:$0x3FB6] =	sst s10  }
0x35: {  	s10 =	sld [smem:$0x3FB5];
	_ =	sdelay $0x3  }
0x36: {  	p1 =	seq.s32 s10, $0x1;
	s10 =	sld [smem:$0x3FB6];
	_ =	sdelay $0x3  }
0x37: {  	[smem:$0x3FB6] =	sst s10  }
0x38: {  	s10 =	sld [smem:$0x3FB7]  }
0x39: {  	_ = 	snop;
	(pc) =	sbr.ind lr, $3  }
0x3a: {  	_ = 	snop  }
0x3b: {  	_ = 	snop  }
0x3c: {  	p2 =	seq.s32 s10, $0x1;
	s10 =	sld [smem:$0x3FB6]  }
0x3d: {  	_ =	shalt  }
0x3e: {  	_ =	shalt  }
0x3f: {  	_ =	shalt  }
0x40: {  	_ =	shalt  }
0x41: {  	_ =	shalt  }
0x42: {  	_ =	shalt  }
0x43: {  	_ =	shalt  }
0x44: {  	_ =	shalt  }
0x45: {  	_ =	shalt  }
0x46: {  	_ =	shalt  }
0x47: {  	_ =	shalt  }
0x48: {  	_ =	shalt  }
0x49: {  	_ =	shalt  }
0x4a: {  	_ =	shalt  }
0x4b: {  	_ =	shalt  }
0x4c: {  	_ =	shalt  }
0x4d: {  	_ =	shalt  }
0x4e: {  	_ =	shalt  }
0x4f: {  	_ =	shalt  }
0x50: {  	_ =	shalt  }
0x51: {  	_ =	shalt  }
0x52: {  	_ =	shalt  }
0x53: {  	_ =	shalt  }
0x54: {  	_ =	shalt  }
0x55: {  	_ =	shalt  }
0x56: {  	_ =	shalt  }
0x57: {  	_ =	shalt  }
0x58: {  	_ =	shalt  }
0x59: {  	_ =	shalt  }
0x5a: {  	_ =	shalt  }
0x5b: {  	_ =	shalt  }
0x5c: {  	_ =	shalt  }
0x5d: {  	_ =	shalt  }
0x5e: {  	_ =	shalt  }
0x5f: {  	_ =	shalt  }
0x60: {  	_ =	shalt  }
0x61: {  	_ =	shalt  }
0x62: {  	_ =	shalt  }
0x63: {  	_ =	shalt  }
0x64: {  	_ =	shalt  }
0x65: {  	_ =	shalt  }
0x66: {  	_ =	shalt  }
0x67: {  	_ =	shalt  }
0x68: {  	_ =	shalt  }
0x69: {  	_ =	shalt  }
0x6a: {  	_ =	shalt  }
0x6b: {  	_ =	shalt  }
0x6c: {  	_ =	shalt  }
0x6d: {  	_ =	shalt  }
0x6e: {  	_ =	shalt  }
0x6f: {  	_ =	shalt  }
0x70: {  	_ =	shalt  }
0x71: {  	_ =	shalt  }
0x72: {  	_ =	shalt  }
0x73: {  	_ =	shalt  }
0x74: {  	_ =	shalt  }
0x75: {  	_ =	shalt  }
0x76: {  	_ =	shalt  }
0x77: {  	_ =	shalt  }
0x78: {  	_ =	shalt  }
0x79: {  	_ =	shalt  }
0x7a: {  	_ =	shalt  }
0x7b: {  	_ =	shalt  }
0x7c: {  	_ =	shalt  }
0x7d: {  	_ =	shalt  }
0x7e: {  	_ =	shalt  }
0x7f: {  	_ =	shalt  }
0x80: {  	_ =	shalt  }
0x81: {  	_ =	shalt  }
0x82: {  	_ =	shalt  }
0x83: {  	_ =	shalt  }
0x84: {  	_ =	shalt  }
0x85: {  	_ =	shalt  }
0x86: {  	_ =	shalt  }
0x87: {  	_ =	shalt  }
.Lfunc_end0:
.L_simem_size_0:
called_computation.1_lowered:
.L_overlay_start_0:
0x88: {  	s2 =	sld [smem:$0x3FD9]  }
0x89: {  	s3 =	sld [smem:$0x3FFE];
	_ =	sdelay $0x1  }
0x8a: {  	s1 =	srdreg.scid  }
0x8b: {  	s0 =	sand.u32 $0x1, s1  }
0x8c: {  	s17 =	sshll.u32 s0, $0xA;
	s2 =	sadd.s32 s3, s2  }
0x8d: {  	s2 =	sadd.s32 s2, s17  }
0x8e: {  	[smem:$0x3FC2] =	sst s2  }
0x8f: {  	_ = 	snop  }
0x90: {  	s2 =	sld [smem:$0x3FD0];
	(tm) =	ssettm $0x1  }
0x91: {  	s18 =	sld [smem:$0x3FFB];
	_ =	sdelay $0x3  }
0x92: {  	_ =	strace s18  }
0x93: {  	s3 =	sld [smem:$0x3FFC];
	_ =	sdelay $0x3  }
0x94: {  	_ =	strace s3  }
0x95: {  	s3 =	sld [smem:$0x3FFD];
	_ =	sdelay $0x3  }
0x96: {  	_ =	strace s3  }
0x97: {  	_ =	strace $0x8FFFFFFF  }
0x98: {  	s19 =	sld [smem:$0x3FDB];
	_ =	sdelay $0x1  }
0x99: {  	s4 =	simm.s32 $_scs_section_size  }
0x9a: {  	s5 =	simm.s32 $_size__tile_overlayer_lowered;
	s6 =	simm.s32 $_tile_overlayer_lowered  }
0x9b: {  	s22 =	simm.s32 $0x1BFF;
	s21 =	sshll.u32 s6, $0x1;
	s3 =	sadd.s32 s4, s19  }
0x9c: {  	s7 =	simm.s32 $0x0;
	s20 =	sshll.u32 s5, $0x1;
	s5 =	sadd.s32 s21, s3  }
0x9d: {  	[timem:s7], [sflag:s22] =	dma.local [hbm:s5], s20  }
0x9e: {  	_ =	swait.ge [sflag:s22], s20  }
0x9f: {  	s4 =	ssub.s32 $0x0, s20;
	[sflag:s22] =	ssyncset.done $0x0  }
0xa0: {  	[sflag:s22] =	ssyncadd.s32 s4;
	_ =	sdelay $0x1  }
0xa1: {  	s23 =	simm.s32 $0x1B8B  }
0xa2: {  	_ =	swait.ge [sflag:s23], $0x1  }
0xa3: {  	[sflag:s23] =	ssyncset.done $0x0  }
0xa4: {  	s25 =	simm.s32 $0x1B8E;
	s24 =	sld [smem:$0x3FFE];
	[sflag:s23] =	ssyncadd.s32 $0xFFFFFFFF  }
0xa5: {  	s26 =	simm.s32 $execute0_lowered;
	[smem:$0x3FD2] =	sst s25  }
0xa6: {  	s5 =	sshll.u32 s26, $0x1;
	_ =	strace $0x80000049;
	[dreg:$0x1] =	wrdreg $0xFFFFFFFF  }
0xa7: {  	s28 =	simm.s32 $_size_execute0_lowered;
	s3 =	sadd.s32 s3, s5;
	[dreg:$0x0] =	wrdreg $0x0  }
0xa8: {  	s5 =	sshll.u32 s28, $0x1;
	[dreg:$0x2] =	wrdreg s3  }
0xa9: {  	[dreg:$0x3] =	wrdreg s5  }
0xaa: {  	[dreg:$0x4] =	wrdreg $0xC0  }
0xab: {  	_ =	task [dreg:s7], $0x5FFFF  }
0xac: {  	[dreg:$0x1] =	wrdreg $0xFFFFFFFF  }
0xad: {  	[dreg:$0x0] =	wrdreg $0x60  }
0xae: {  	[dreg:$0x2] =	wrdreg s24  }
0xaf: {  	[dreg:$0x3] =	wrdreg s2  }
0xb0: {  	[dreg:$0x4] =	wrdreg $0x84000  }
0xb1: {  	[dreg:$0x5] =	wrdreg $0x9  }
0xb2: {  	_ =	task.clear_ibuf [dreg:s7], $0x6FFFF;
	_ =	strace $0x90000049  }
0xb3: {  	s29 =	simm.s32 $0x9;
	_ =	strace $0x8000004B  }
0xb4: {  	_ =	swait.ge [sflag:s29], $0x1  }
0xb5: {  	[sflag:s29] =	ssyncadd.s32 $0xFFFFFFFF  }
0xb6: {  	_ =	strace $0x9000004B  }
0xb7: {  	_ =	sfence  }
0xb8: {  	s30 =	sld [smem:$0x0];
	_ =	sdelay $0x2  }
0xb9: {  	s31 =	sshll.u32 s1, $0xD;
	s1 =	sshrl.u32 s1, $0x2  }
0xba: {  	s3 =	sand.u32 $0x4000, s31;
	s1 =	sadd.s32 s1, s30  }
0xbb: {  	s0 =	sor.u32 s3, s0;
	s1 =	sshll.u32 s1, $0x11  }
0xbc: {  	s0 =	sor.u32 s1, s0  }
0xbd: {  	s0 =	sadd.s32 $0x8F2B, s0  }
0xbe: {  	[sflag:s0] =	ssyncadd.remote.s32 $0x1  }
0xbf: {  	_ =	sfence.sel $0xFFFF  }
0xc0: {  	[dreg:$0x0] =	wrdreg $0xFFFFFFFF;
	(pc) =	sbr.abs _section_cstart, $3  }
0xc1: {  	[dreg:$0x1] =	wrdreg $0xFFFFFFFF  }
0xc2: {  	_ =	task.clear_ibuf [dreg:s7], $0x2FFFF;
	_ =	strace $0x9FFFFFFF  }
0xc3: {  	(tm) =	ssettm $0x7FFFFFFF  }
tec
execute0_lowered:
.L_overlay_start_1:
0x0: {  	(tag) =	ssettag $0x1  }
0x1: {  	s0 =	rddreg [dreg:$0x0]  }
0x2: {  	s2 =	rddreg [dreg:$0x1]  }
0x3: {  	s1 =	rddreg [dreg:$0x2]  }
0x4: {  	s3 =	simm.s32 $0x0;
	s4 =	srdreg.scid;
	s24 =	stileid.u32  }
0x5: {  	s29 =	simm.s32 $0x400;
	s30 =	simm.s32 $0xD;
	s31 =	simm.s32 $0x200  }
0x6: {  	[smem:$0x7FF] =	sst s3;
	s5 =	sand.u32 $0x1, s4;
	s6 =	sadd.s32 $0x15A00, s0  }
0x7: {  	s8 =	smul.u32 $0x280, s24;
	s4 =	sadd.s32 $0x3CC00, s0;
	s9 =	sadd.s32 $0x63E00, s0  }
0x8: {  	s14 =	smul.u32 $0x5000, s24;
	_ =	strace $0x8000004A;
	s7 =	ssub.s32 $0x2, s5  }
0x9: {  	p0 =	seq.s32 s5, $0x0;
	s10 =	sshrl.u32 s7, $0x1;
	s11 =	sadd.s32 $0x80, s8  }
0xa: {  	s12 =	sadd.s32 $0xC0, s8;
	s13 =	sadd.s32 $0x100, s8;
	s17 =	sadd.s32 $0x140, s8  }
0xb: {  	s18 =	sadd.s32 $0x180, s8;
	s19 =	sadd.s32 $0x1C0, s8;
	s20 =	sadd.s32 $0x200, s8  }
0xc: {  	[dreg:$0x4] =	wrdreg s14;
	s14 =	smul.u32 $0x2800, s24;
	s4 =	smov.u32 @p0 s6  }
0xd: {  	s9 =	smov.u32 @p0 s2;
	s24 =	smul.u32 $0x50000, s24;
	s7 =	ssub.s32 s7, s10  }
0xe: {  	s10 =	sor.u32 $0x40, s8;
	s8 =	sadd.s32 $0x240, s8;
	s15 =	sshll.u32 s11, $0x4  }
0xf: {  	s16 =	sshll.u32 s12, $0x4;
	s21 =	sshll.u32 s13, $0x4;
	s22 =	sshll.u32 s17, $0x4  }
0x10: {  	s23 =	sshll.u32 s18, $0x4;
	s6 =	sshll.u32 s19, $0x4;
	s5 =	sadd.s32 s9, s14  }
0x11: {  	s25 =	sshll.u32 s20, $0x4;
	s14 =	sadd.s32 s9, s15;
	[dreg:$0x7] =	wrdreg s5  }
0x12: {  	s19 =	sshll.u32 s19, $0x7;
	s15 =	sadd.s32 s9, s16;
	[dreg:$0x9] =	wrdreg s14  }
0x13: {  	s20 =	sshll.u32 s20, $0x7;
	s16 =	sadd.s32 s9, s21;
	[dreg:$0xa] =	wrdreg s15  }
0x14: {  	s26 =	sshll.u32 s10, $0x4;
	s21 =	sadd.s32 s9, s22;
	[dreg:$0xb] =	wrdreg s16  }
0x15: {  	s22 =	sadd.s32 s9, s23;
	s23 =	sadd.s32 s9, s6;
	[dreg:$0xc] =	wrdreg s21  }
0x16: {  	s2 =	sadd.s32 s9, s25;
	s25 =	sshll.u32 s8, $0x4;
	[dreg:$0xd] =	wrdreg s22  }
0x17: {  	s6 =	simm.s32 $0x100;
	s19 =	sadd.s32 s19, s1;
	[dreg:$0xe] =	wrdreg s23  }
0x18: {  	s20 =	sadd.s32 s20, s1;
	s26 =	sadd.s32 s9, s26;
	[dreg:$0xf] =	wrdreg s2  }
0x19: {  	s5 =	sadd.s32 s9, s25;
	[dreg:$0x6] =	wrdreg s6;
	s2 =	sshrl.u32 s24, $0x2  }
0x1a: {  	s15 =	sadd.s32 $0xBA00, s0;
	s16 =	sadd.s32 $0x1A00, s0;
	s9 =	sshll.u32 s10, $0x7  }
0x1b: {  	s10 =	sshll.u32 s11, $0x7;
	s11 =	sshll.u32 s12, $0x7;
	s12 =	sshll.u32 s13, $0x7  }
0x1c: {  	s13 =	sshll.u32 s17, $0x7;
	s14 =	sshll.u32 s18, $0x7;
	[dreg:$0x15] =	wrdreg s19  }
0x1d: {  	s24 =	sshll.u32 s8, $0x7;
	s6 =	simm.s32 $0x380;
	[dreg:$0x16] =	wrdreg s20  }
0x1e: {  	s8 =	simm.s32 $0x40;
	[dreg:$0x8] =	wrdreg s26;
	s26 =	simm.s32 $0x80  }
0x1f: {  	[dreg:$0x10] =	wrdreg s5;
	s21 =	sadd.s32 s2, s1;
	s22 =	sadd.s32 s9, s1  }
0x20: {  	s23 =	sadd.s32 s10, s1;
	s0 =	sadd.s32 s12, s1;
	[dreg:$0x5] =	wrdreg s26  }
0x21: {  	s28 =	sadd.s32 s11, s1;
	s17 =	sadd.s32 s14, s1;
	[dreg:$0x12] =	wrdreg s0  }
0x22: {  	s18 =	sadd.s32 s13, s1;
	s25 =	sadd.s32 s24, s1;
	[dreg:$0x14] =	wrdreg s17  }
0x23: {  	s2 =	simm.s32 $0x300;
	s5 =	simm.s32 $0x180;
	[dreg:$0x17] =	wrdreg s25  }
0x24: {  	s9 =	simm.s32 $0x4;
	s10 =	simm.s32 $0x6400;
	[dreg:$0x11] =	wrdreg s28  }
0x25: {  	s13 =	simm.s32 $0x0;
	s26 =	smax.u32 s7, $0x1;
	[dreg:$0x13] =	wrdreg s18  }
0x26: {  	v0 =	vimm.f32 $0.0e+00;
	s0 =	simm.s32 $0x280;
	s7 =	simm.s32 $0x5;
	[dreg:$0x18] =	wrdreg s26  }
.LBB2_1:
0x27: {  	s11 =	sand.u32 $0x7E00, s3  }
0x28: {  	s12 =	sand.u32 $0x70, s3;
	s14 =	sshrl.u32 s11, $0x2  }
0x29: {  	s11 =	simm.s32 $0x40;
	s14 =	sor.u32 s12, s14;
	s12 =	simm.s32 $0x0  }
.LBB2_2:
0x2a: {  	p0 =	sne.s32 s11, $0x7FC0  }
0x2b: {  	[tilespmem:s14+$0x400] =	vst v0;
	s12 =	sadd.s32 $0x10, s12;
	s14 =	smov.u32 s11;
	s11 =	sadd.s32 $0x40, s11  }
.Ltmp0:
0x2c: {  	(pc) =	sbr.rel @p0 .LBB2_2-.Ltmp0, $4  }
0x2d: {  	_ = 	snop  }
0x2e: {  	s14 =	sand.u32 $0x7E00, s14  }
0x2f: {  	s17 =	sand.u32 $0x70, s12;
	s14 =	sshrl.u32 s14, $0x2  }
0x30: {  	s14 =	sor.u32 s17, s14  }
0x31: {  	[tilespmem:s14+$0x400] =	vst v0  }
0x32: {  	[spmem:s21] =	stream.linear.scatter [tilespmem:s29], [sflag:$0xD], $0x2000, $0x38;
	[tilespmem:$0x1C400] =	vst v63  }
0x33: {  	_ =	swait.ge [sflag:s30], $0x2000  }
0x34: {  	[sflag:s30] =	ssyncset.done $0x0  }
0x35: {  	[sflag:s30] =	ssyncadd.s32 $0xFFFFE000  }
0x36: {  	[spmem:s22] =	stream.linear.scatter [tilespmem:s29], [sflag:$0xD], $0x2000, $0x38;
	[tilespmem:$0x1C400] =	vst v63  }
0x37: {  	_ =	swait.ge [sflag:s30], $0x2000  }
0x38: {  	[sflag:s30] =	ssyncset.done $0x0  }
0x39: {  	[sflag:s30] =	ssyncadd.s32 $0xFFFFE000  }
0x3a: {  	[spmem:s23] =	stream.linear.scatter [tilespmem:s29], [sflag:$0xD], $0x2000, $0x38;
	[tilespmem:$0x1C400] =	vst v63  }
0x3b: {  	_ =	swait.ge [sflag:s30], $0x2000  }
0x3c: {  	[sflag:s30] =	ssyncset.done $0x0  }
0x3d: {  	[sflag:s30] =	ssyncadd.s32 $0xFFFFE000  }
0x3e: {  	[spmem:s28] =	stream.linear.scatter [tilespmem:s29], [sflag:$0xD], $0x2000, $0x38;
	[tilespmem:$0x1C400] =	vst v63  }
0x3f: {  	_ =	swait.ge [sflag:s30], $0x2000  }
0x40: {  	[sflag:s30] =	ssyncset.done $0x0  }
0x41: {  	s11 =	rddreg [dreg:$0x12];
	[sflag:s30] =	ssyncadd.s32 $0xFFFFE000  }
0x42: {  	[spmem:s11] =	stream.linear.scatter [tilespmem:s29], [sflag:$0xD], $0x2000, $0x38;
	[tilespmem:$0x1C400] =	vst v63  }
0x43: {  	_ =	swait.ge [sflag:s30], $0x2000  }
0x44: {  	[sflag:s30] =	ssyncset.done $0x0  }
0x45: {  	[sflag:s30] =	ssyncadd.s32 $0xFFFFE000  }
0x46: {  	[spmem:s18] =	stream.linear.scatter [tilespmem:s29], [sflag:$0xD], $0x2000, $0x38;
	[tilespmem:$0x1C400] =	vst v63  }
0x47: {  	_ =	swait.ge [sflag:s30], $0x2000  }
0x48: {  	[sflag:s30] =	ssyncset.done $0x0  }
0x49: {  	s26 =	smov.u32 s23;
	s23 =	rddreg [dreg:$0x14];
	[sflag:s30] =	ssyncadd.s32 $0xFFFFE000  }
0x4a: {  	[spmem:s23] =	stream.linear.scatter [tilespmem:s29], [sflag:$0xD], $0x2000, $0x38;
	[tilespmem:$0x1C400] =	vst v63  }
0x4b: {  	_ =	swait.ge [sflag:s30], $0x2000  }
0x4c: {  	[sflag:s30] =	ssyncset.done $0x0  }
0x4d: {  	[sflag:s30] =	ssyncadd.s32 $0xFFFFE000  }
0x4e: {  	[spmem:s19] =	stream.linear.scatter [tilespmem:s29], [sflag:$0xD], $0x2000, $0x38;
	[tilespmem:$0x1C400] =	vst v63  }
0x4f: {  	_ =	swait.ge [sflag:s30], $0x2000  }
0x50: {  	[sflag:s30] =	ssyncset.done $0x0  }
0x51: {  	[sflag:s30] =	ssyncadd.s32 $0xFFFFE000  }
0x52: {  	[spmem:s20] =	stream.linear.scatter [tilespmem:s29], [sflag:$0xD], $0x2000, $0x38;
	[tilespmem:$0x1C400] =	vst v63  }
0x53: {  	_ =	swait.ge [sflag:s30], $0x2000  }
0x54: {  	[sflag:s30] =	ssyncset.done $0x0  }
0x55: {  	s12 =	rddreg [dreg:$0x17];
	[sflag:s30] =	ssyncadd.s32 $0xFFFFE000  }
0x56: {  	[spmem:s12] =	stream.linear.scatter [tilespmem:s29], [sflag:$0xD], $0x2000, $0x38;
	[tilespmem:$0x1C400] =	vst v63  }
0x57: {  	_ =	swait.ge [sflag:s30], $0x2000  }
0x58: {  	[sflag:s30] =	ssyncset.done $0x0  }
0x59: {  	p0 =	por $0x1, $0x1;
	[sflag:s30] =	ssyncadd.s32 $0xFFFFE000  }
0x5a: {  	s12 =	simm.s32 @!p0 $0x9;
	[bflag:$0x0] =	sbarrier.arrive $0xFFFF  }
0x5b: {  	s18 =	simm.s32 $0x0;
	_ =	swait.ge @!p0 [sflag:s12], $0x2000  }
0x5c: {  	s17 =	sand.u32 $0x7C00, s18;
	s14 =	rddreg [dreg:$0x4]  }
0x5d: {  	s11 =	sadd.s32 s14, s17;
	s14 =	sand.u32 $0x200, s18  }
0x5e: {  	s11 =	sor.u32 s14, s11  }
0x5f: {  	[sflag:s12] =	ssyncset.done @!p0 $0x0;
	s11 =	sshrl.u32 s11, $0x3  }
0x60: {  	[sflag:s12] =	ssyncadd.s32 @!p0 $0xFFFFE000;
	s19 =	sadd.s32 s15, s11  }
0x61: {  	[tilespmem:s3], [sflag:$0x1] =	stream.linear.gather [hbm4b:s19+s3], $0x80, $0x38;
	[tilespmem:$0x1C400] =	vst v63  }
0x62: {  	s14 =	simm.s32 @p0 $0x1;
	s20 =	sadd.s32 s16, s11  }
0x63: {  	[tilespmem:s31], [sflag:$0x1] =	stream.linear.gather [hbm4b:s20+s3], $0x80, $0x38;
	[tilespmem:$0x1C400] =	vst v63  }
0x64: {  	_ =	swait.ge @p0 [sflag:s14], $0x80  }
0x65: {  	[sflag:s14] =	ssyncset.done @p0 $0x0  }
0x66: {  	[sflag:s14] =	ssyncadd.s32 @p0 $0xFFFFFF80  }
0x67: {  	_ =	swait.ge @p0 [sflag:s14], $0x80  }
0x68: {  	s12 =	simm.s32 @p0 $0x400;
	s17 =	simm.s32 @!p0 $0x6;
	[sflag:s14] =	ssyncset.done @p0 $0x0  }
0x69: {  	s18 =	simm.s32 @p0 $0x0;
	[sflag:s14] =	ssyncadd.s32 @p0 $0xFFFFFF80;
	s14 =	simm.s32 @p0 $0x40  }
0x6a: {  	[tilespmem:s12], [sflag:$0x5] =	stream.indirect.gather @p0 [hbm4b:s4+s14], $0x80, s18, s14, $0xb8;
	[tilespmem:$0x1C400] =	vst v63  }
0x6b: {  	_ =	swait.ge @!p0 [sflag:s17], $0x2000  }
0x6c: {  	s19 =	simm.s32 @!p0 $0x1;
	s18 =	simm.s32 @!p0 $0x2400;
	[sflag:s17] =	ssyncset.done @!p0 $0x0  }
0x6d: {  	s12 =	simm.s32 @!p0 $0x40;
	[sflag:s17] =	ssyncadd.s32 @!p0 $0xFFFFE000;
	s17 =	simm.s32 @!p0 $0x280  }
0x6e: {  	[spmem:s1] =	stream.indirect.scatter.add.f32 @!p0 [tilespmem:s18], [sflag:$0xA], $0x80, s17, s12, $0xb8;
	[tilespmem:$0x1C400] =	vst v63  }
0x6f: {  	_ =	swait.ge @!p0 [sflag:s19], $0x80  }
0x70: {  	[sflag:s19] =	ssyncset.done @!p0 $0x0  }
0x71: {  	[sflag:s19] =	ssyncadd.s32 @!p0 $0xFFFFFF80  }
0x72: {  	_ =	swait.ge @!p0 [sflag:s19], $0x80  }
0x73: {  	s20 =	simm.s32 @!p0 $0x400;
	[sflag:s19] =	ssyncset.done @!p0 $0x0  }
0x74: {  	s17 =	simm.s32 @!p0 $0xA;
	[sflag:s19] =	ssyncadd.s32 @!p0 $0xFFFFFF80;
	s19 =	simm.s32 @!p0 $0x0  }
0x75: {  	[tilespmem:s20], [sflag:$0x5] =	stream.indirect.gather @!p0 [hbm4b:s4+s12], $0x80, s19, s12, $0xb8;
	[tilespmem:$0x1C400] =	vst v63  }
0x76: {  	s24 =	smov.u32 s21;
	_ =	swait.ge @!p0 [sflag:s17], $0x2000  }
0x77: {  	s25 =	smov.u32 s22;
	s22 =	sor.u32 $0x10, s11;
	[sflag:s17] =	ssyncset.done @!p0 $0x0  }
0x78: {  	s23 =	sadd.s32 s15, s22;
	s21 =	rddreg [dreg:$0x5];
	[sflag:s17] =	ssyncadd.s32 @!p0 $0xFFFFE000  }
0x79: {  	[tilespmem:s21], [sflag:$0x2] =	stream.linear.gather [hbm4b:s23+s3], $0x80, $0x38;
	[tilespmem:$0x1C400] =	vst v63  }
0x7a: {  	s19 =	simm.s32 @p0 $0x2;
	s21 =	sadd.s32 s16, s22  }
0x7b: {  	[tilespmem:s0], [sflag:$0x2] =	stream.linear.gather [hbm4b:s21+s3], $0x80, $0x38;
	[tilespmem:$0x1C400] =	vst v63  }
0x7c: {  	_ =	swait.ge @p0 [sflag:s19], $0x80  }
0x7d: {  	[sflag:s19] =	ssyncset.done @p0 $0x0  }
0x7e: {  	[sflag:s19] =	ssyncadd.s32 @p0 $0xFFFFFF80  }
0x7f: {  	_ =	swait.ge @p0 [sflag:s19], $0x80  }
0x80: {  	s20 =	simm.s32 @p0 $0x2400;
	[sflag:s19] =	ssyncset.done @p0 $0x0  }
0x81: {  	s17 =	simm.s32 @!p0 $0x7;
	[sflag:s19] =	ssyncadd.s32 @p0 $0xFFFFFF80;
	s19 =	simm.s32 @p0 $0x80  }
0x82: {  	[tilespmem:s20], [sflag:$0x6] =	stream.indirect.gather @p0 [hbm4b:s4+s14], $0x80, s19, s14, $0xb8;
	[tilespmem:$0x1C400] =	vst v63  }
0x83: {  	_ =	swait.ge @!p0 [sflag:s17], $0x2000  }
0x84: {  	s19 =	simm.s32 @!p0 $0x2;
	[sflag:s17] =	ssyncset.done @!p0 $0x0  }
0x85: {  	s20 =	simm.s32 @!p0 $0x4400;
	[sflag:s17] =	ssyncadd.s32 @!p0 $0xFFFFE000;
	s17 =	simm.s32 @!p0 $0x300  }
0x86: {  	[spmem:s1] =	stream.indirect.scatter.add.f32 @!p0 [tilespmem:s20], [sflag:$0xB], $0x80, s17, s12, $0xb8;
	[tilespmem:$0x1C400] =	vst v63  }
0x87: {  	_ =	swait.ge @!p0 [sflag:s19], $0x80  }
0x88: {  	[sflag:s19] =	ssyncset.done @!p0 $0x0  }
0x89: {  	[sflag:s19] =	ssyncadd.s32 @!p0 $0xFFFFFF80  }
0x8a: {  	_ =	swait.ge @!p0 [sflag:s19], $0x80  }
0x8b: {  	[sflag:s19] =	ssyncset.done @!p0 $0x0  }
0x8c: {  	s17 =	simm.s32 @!p0 $0x80;
	[sflag:s19] =	ssyncadd.s32 @!p0 $0xFFFFFF80;
	s19 =	simm.s32 @!p0 $0xB  }
0x8d: {  	[tilespmem:s18], [sflag:$0x6] =	stream.indirect.gather @!p0 [hbm4b:s4+s12], $0x80, s17, s12, $0xb8;
	[tilespmem:$0x1C400] =	vst v63  }
0x8e: {  	_ =	swait.ge @!p0 [sflag:s19], $0x2000  }
0x8f: {  	s23 =	sor.u32 $0x20, s11;
	[sflag:s19] =	ssyncset.done @!p0 $0x0  }
0x90: {  	s21 =	sadd.s32 s15, s23;
	s22 =	rddreg [dreg:$0x6];
	[sflag:s19] =	ssyncadd.s32 @!p0 $0xFFFFE000  }
0x91: {  	[tilespmem:s22], [sflag:$0x3] =	stream.linear.gather [hbm4b:s21+s3], $0x80, $0x38;
	[tilespmem:$0x1C400] =	vst v63  }
0x92: {  	s18 =	simm.s32 @p0 $0x3;
	s22 =	sadd.s32 s16, s23  }
0x93: {  	[tilespmem:s2], [sflag:$0x3] =	stream.linear.gather [hbm4b:s22+s3], $0x80, $0x38;
	[tilespmem:$0x1C400] =	vst v63  }
0x94: {  	_ =	swait.ge @p0 [sflag:s18], $0x80  }
0x95: {  	[sflag:s18] =	ssyncset.done @p0 $0x0  }
0x96: {  	[sflag:s18] =	ssyncadd.s32 @p0 $0xFFFFFF80  }
0x97: {  	_ =	swait.ge @p0 [sflag:s18], $0x80  }
0x98: {  	[sflag:s18] =	ssyncset.done @p0 $0x0  }
0x99: {  	s17 =	simm.s32 @p0 $0x100;
	[sflag:s18] =	ssyncadd.s32 @p0 $0xFFFFFF80;
	s18 =	simm.s32 @p0 $0x4400  }
0x9a: {  	[tilespmem:s18], [sflag:$0x7] =	stream.indirect.gather @p0 [hbm4b:s4+s14], $0x80, s17, s14, $0xb8;
	[tilespmem:$0x1C400] =	vst v63  }
0x9b: {  	s14 =	simm.s32 @!p0 $0x8  }
0x9c: {  	_ =	swait.ge @!p0 [sflag:s14], $0x2000  }
0x9d: {  	[sflag:s14] =	ssyncset.done @!p0 $0x0  }
0x9e: {  	s17 =	simm.s32 @!p0 $0x6400;
	[sflag:s14] =	ssyncadd.s32 @!p0 $0xFFFFE000;
	s14 =	simm.s32 @!p0 $0x380  }
0x9f: {  	[spmem:s1] =	stream.indirect.scatter.add.f32 @!p0 [tilespmem:s17], [sflag:$0xC], $0x80, s14, s12, $0xb8;
	[tilespmem:$0x1C400] =	vst v63  }
0xa0: {  	s14 =	simm.s32 @!p0 $0x3  }
0xa1: {  	_ =	swait.ge @!p0 [sflag:s14], $0x80  }
0xa2: {  	[sflag:s14] =	ssyncset.done @!p0 $0x0  }
0xa3: {  	[sflag:s14] =	ssyncadd.s32 @!p0 $0xFFFFFF80  }
0xa4: {  	_ =	swait.ge @!p0 [sflag:s14], $0x80  }
0xa5: {  	[sflag:s14] =	ssyncset.done @!p0 $0x0  }
0xa6: {  	[sflag:s14] =	ssyncadd.s32 @!p0 $0xFFFFFF80;
	s14 =	simm.s32 @!p0 $0x100  }
0xa7: {  	[tilespmem:s20], [sflag:$0x7] =	stream.indirect.gather @!p0 [hbm4b:s4+s12], $0x80, s14, s12, $0xb8;
	[tilespmem:$0x1C400] =	vst v63  }
0xa8: {  	s12 =	simm.s32 @!p0 $0xC  }
0xa9: {  	_ =	swait.ge @!p0 [sflag:s12], $0x2000  }
0xaa: {  	s11 =	sor.u32 $0x30, s11;
	[sflag:s12] =	ssyncset.done @!p0 $0x0  }
0xab: {  	s23 =	sadd.s32 s15, s11;
	[sflag:s12] =	ssyncadd.s32 @!p0 $0xFFFFE000  }
0xac: {  	[tilespmem:s5], [sflag:$0x4] =	stream.linear.gather [hbm4b:s23+s3], $0x80, $0x38;
	[tilespmem:$0x1C400] =	vst v63  }
0xad: {  	s11 =	sadd.s32 s16, s11  }
0xae: {  	[tilespmem:s6], [sflag:$0x4] =	stream.linear.gather [hbm4b:s11+s3], $0x80, $0x38;
	[tilespmem:$0x1C400] =	vst v63  }
0xaf: {  	_ =	swait.ge [sflag:s7], $0x2000  }
0xb0: {  	[sflag:s7] =	ssyncset.done $0x0  }
0xb1: {  	[sflag:s7] =	ssyncadd.s32 $0xFFFFE000  }
0xb2: {  	[spmem:s1] =	stream.indirect.scatter.add.f32 [tilespmem:s29], [sflag:$0x9], $0x80, s31, s8, $0xb8;
	[tilespmem:$0x1C400] =	vst v63  }
0xb3: {  	_ =	swait.ge [sflag:s9], $0x80  }
0xb4: {  	[sflag:s9] =	ssyncset.done $0x0  }
0xb5: {  	[sflag:s9] =	ssyncadd.s32 $0xFFFFFF80  }
0xb6: {  	s28 =	simm.s32 $0x400;
	_ =	swait.ge [sflag:s9], $0x80  }
0xb7: {  	s14 =	simm.s32 $0x200;
	p0 =	por $0x0, $0x0;
	[sflag:s9] =	ssyncset.done $0x0  }
.LBB2_4:
0xb8: {  	s11 =	simm.s32 @!p0 $0x9;
	[sflag:s9] =	ssyncadd.s32 $0xFFFFFF80  }
0xb9: {  	[tilespmem:s10], [sflag:$0x8] =	stream.indirect.gather [hbm4b:s4+s8], $0x80, s5, s8, $0xb8;
	[tilespmem:$0x1C400] =	vst v63  }
0xba: {  	_ =	swait.ge @!p0 [sflag:s11], $0x2000  }
0xbb: {  	s19 =	sand.u32 $0x7C00, s14;
	[sflag:s11] =	ssyncset.done @!p0 $0x0;
	s17 =	rddreg [dreg:$0x4]  }
0xbc: {  	s20 =	sand.u32 $0x200, s14;
	[sflag:s11] =	ssyncadd.s32 @!p0 $0xFFFFE000;
	s11 =	sadd.s32 s17, s19  }
0xbd: {  	s11 =	sor.u32 s20, s11  }
0xbe: {  	s11 =	sshrl.u32 s11, $0x3  }
0xbf: {  	s21 =	sadd.s32 s15, s11  }
0xc0: {  	[tilespmem:s3], [sflag:$0x1] =	stream.linear.gather [hbm4b:s21+s3], $0x80, $0x38;
	[tilespmem:$0x1C400] =	vst v63  }
0xc1: {  	s18 =	simm.s32 @p0 $0x1;
	s22 =	sadd.s32 s16, s11  }
0xc2: {  	[tilespmem:s31], [sflag:$0x1] =	stream.linear.gather [hbm4b:s22+s3], $0x80, $0x38;
	[tilespmem:$0x1C400] =	vst v63  }
0xc3: {  	_ =	swait.ge @p0 [sflag:s18], $0x80  }
0xc4: {  	[sflag:s18] =	ssyncset.done @p0 $0x0  }
0xc5: {  	s12 =	smov.u32 s28;
	[sflag:s18] =	ssyncadd.s32 @p0 $0xFFFFFF80  }
0xc6: {  	s14 =	smov.u32 s12;
	_ =	swait.ge @p0 [sflag:s18], $0x80  }
0xc7: {  	s12 =	simm.s32 @p0 $0x400;
	s19 =	simm.s32 @p0 $0x0;
	[sflag:s18] =	ssyncset.done @p0 $0x0  }
0xc8: {  	s21 =	simm.s32 @!p0 $0x6;
	[sflag:s18] =	ssyncadd.s32 @p0 $0xFFFFFF80;
	s18 =	simm.s32 @p0 $0x40  }
0xc9: {  	[tilespmem:s12], [sflag:$0x5] =	stream.indirect.gather @p0 [hbm4b:s4+s18], $0x80, s19, s18, $0xb8;
	[tilespmem:$0x1C400] =	vst v63  }
0xca: {  	_ =	swait.ge @!p0 [sflag:s21], $0x2000  }
0xcb: {  	s22 =	simm.s32 @!p0 $0x1;
	s19 =	simm.s32 @!p0 $0x2400;
	[sflag:s21] =	ssyncset.done @!p0 $0x0  }
0xcc: {  	s12 =	simm.s32 @!p0 $0x40;
	[sflag:s21] =	ssyncadd.s32 @!p0 $0xFFFFE000;
	s21 =	simm.s32 @!p0 $0x280  }
0xcd: {  	[spmem:s1] =	stream.indirect.scatter.add.f32 @!p0 [tilespmem:s19], [sflag:$0xA], $0x80, s21, s12, $0xb8;
	[tilespmem:$0x1C400] =	vst v63  }
0xce: {  	_ =	swait.ge @!p0 [sflag:s22], $0x80  }
0xcf: {  	[sflag:s22] =	ssyncset.done @!p0 $0x0  }
0xd0: {  	[sflag:s22] =	ssyncadd.s32 @!p0 $0xFFFFFF80  }
0xd1: {  	_ =	swait.ge @!p0 [sflag:s22], $0x80  }
0xd2: {  	s23 =	simm.s32 @!p0 $0x400;
	[sflag:s22] =	ssyncset.done @!p0 $0x0  }
0xd3: {  	s21 =	simm.s32 @!p0 $0xA;
	[sflag:s22] =	ssyncadd.s32 @!p0 $0xFFFFFF80;
	s22 =	simm.s32 @!p0 $0x0  }
0xd4: {  	[tilespmem:s23], [sflag:$0x5] =	stream.indirect.gather @!p0 [hbm4b:s4+s12], $0x80, s22, s12, $0xb8;
	[tilespmem:$0x1C400] =	vst v63  }
0xd5: {  	_ =	swait.ge @!p0 [sflag:s21], $0x2000  }
0xd6: {  	s20 =	sor.u32 $0x10, s11;
	[sflag:s21] =	ssyncset.done @!p0 $0x0  }
0xd7: {  	s23 =	sadd.s32 s15, s20;
	s22 =	rddreg [dreg:$0x5];
	[sflag:s21] =	ssyncadd.s32 @!p0 $0xFFFFE000  }
0xd8: {  	[tilespmem:s22], [sflag:$0x2] =	stream.linear.gather [hbm4b:s23+s3], $0x80, $0x38;
	[tilespmem:$0x1C400] =	vst v63  }
0xd9: {  	s20 =	sadd.s32 s16, s20;
	s21 =	simm.s32 @p0 $0x2  }
0xda: {  	[tilespmem:s0], [sflag:$0x2] =	stream.linear.gather [hbm4b:s20+s3], $0x80, $0x38;
	[tilespmem:$0x1C400] =	vst v63  }
0xdb: {  	_ =	swait.ge @p0 [sflag:s21], $0x80  }
0xdc: {  	[sflag:s21] =	ssyncset.done @p0 $0x0  }
0xdd: {  	[sflag:s21] =	ssyncadd.s32 @p0 $0xFFFFFF80  }
0xde: {  	_ =	swait.ge @p0 [sflag:s21], $0x80  }
0xdf: {  	s22 =	simm.s32 @p0 $0x2400;
	[sflag:s21] =	ssyncset.done @p0 $0x0  }
0xe0: {  	s20 =	simm.s32 @!p0 $0x7;
	[sflag:s21] =	ssyncadd.s32 @p0 $0xFFFFFF80;
	s21 =	simm.s32 @p0 $0x80  }
0xe1: {  	[tilespmem:s22], [sflag:$0x6] =	stream.indirect.gather @p0 [hbm4b:s4+s18], $0x80, s21, s18, $0xb8;
	[tilespmem:$0x1C400] =	vst v63  }
0xe2: {  	_ =	swait.ge @!p0 [sflag:s20], $0x2000  }
0xe3: {  	s21 =	simm.s32 @!p0 $0x2;
	[sflag:s20] =	ssyncset.done @!p0 $0x0  }
0xe4: {  	s22 =	simm.s32 @!p0 $0x300;
	[sflag:s20] =	ssyncadd.s32 @!p0 $0xFFFFE000;
	s20 =	simm.s32 @!p0 $0x4400  }
0xe5: {  	[spmem:s1] =	stream.indirect.scatter.add.f32 @!p0 [tilespmem:s20], [sflag:$0xB], $0x80, s22, s12, $0xb8;
	[tilespmem:$0x1C400] =	vst v63  }
0xe6: {  	_ =	swait.ge @!p0 [sflag:s21], $0x80  }
0xe7: {  	[sflag:s21] =	ssyncset.done @!p0 $0x0  }
0xe8: {  	[sflag:s21] =	ssyncadd.s32 @!p0 $0xFFFFFF80  }
0xe9: {  	_ =	swait.ge @!p0 [sflag:s21], $0x80  }
0xea: {  	[sflag:s21] =	ssyncset.done @!p0 $0x0  }
0xeb: {  	s22 =	simm.s32 @!p0 $0xB;
	[sflag:s21] =	ssyncadd.s32 @!p0 $0xFFFFFF80;
	s21 =	simm.s32 @!p0 $0x80  }
0xec: {  	[tilespmem:s19], [sflag:$0x6] =	stream.indirect.gather @!p0 [hbm4b:s4+s12], $0x80, s21, s12, $0xb8;
	[tilespmem:$0x1C400] =	vst v63  }
0xed: {  	_ =	swait.ge @!p0 [sflag:s22], $0x2000  }
0xee: {  	s17 =	sor.u32 $0x20, s11;
	[sflag:s22] =	ssyncset.done @!p0 $0x0  }
0xef: {  	s21 =	rddreg [dreg:$0x6];
	[sflag:s22] =	ssyncadd.s32 @!p0 $0xFFFFE000;
	s22 =	sadd.s32 s15, s17  }
0xf0: {  	[tilespmem:s21], [sflag:$0x3] =	stream.linear.gather [hbm4b:s22+s3], $0x80, $0x38;
	[tilespmem:$0x1C400] =	vst v63  }
0xf1: {  	s19 =	simm.s32 @p0 $0x3;
	s17 =	sadd.s32 s16, s17  }
0xf2: {  	[tilespmem:s2], [sflag:$0x3] =	stream.linear.gather [hbm4b:s17+s3], $0x80, $0x38;
	[tilespmem:$0x1C400] =	vst v63  }
0xf3: {  	_ =	swait.ge @p0 [sflag:s19], $0x80  }
0xf4: {  	[sflag:s19] =	ssyncset.done @p0 $0x0  }
0xf5: {  	[sflag:s19] =	ssyncadd.s32 @p0 $0xFFFFFF80  }
0xf6: {  	_ =	swait.ge @p0 [sflag:s19], $0x80  }
0xf7: {  	s21 =	simm.s32 @p0 $0x4400;
	[sflag:s19] =	ssyncset.done @p0 $0x0  }
0xf8: {  	s17 =	simm.s32 @!p0 $0x8;
	[sflag:s19] =	ssyncadd.s32 @p0 $0xFFFFFF80;
	s19 =	simm.s32 @p0 $0x100  }
0xf9: {  	[tilespmem:s21], [sflag:$0x7] =	stream.indirect.gather @p0 [hbm4b:s4+s18], $0x80, s19, s18, $0xb8;
	[tilespmem:$0x1C400] =	vst v63  }
0xfa: {  	_ =	swait.ge @!p0 [sflag:s17], $0x2000  }
0xfb: {  	s18 =	simm.s32 @!p0 $0x3;
	[sflag:s17] =	ssyncset.done @!p0 $0x0  }
0xfc: {  	s19 =	simm.s32 @!p0 $0x6400;
	[sflag:s17] =	ssyncadd.s32 @!p0 $0xFFFFE000;
	s17 =	simm.s32 @!p0 $0x380  }
0xfd: {  	[spmem:s1] =	stream.indirect.scatter.add.f32 @!p0 [tilespmem:s19], [sflag:$0xC], $0x80, s17, s12, $0xb8;
	[tilespmem:$0x1C400] =	vst v63  }
0xfe: {  	_ =	swait.ge @!p0 [sflag:s18], $0x80  }
0xff: {  	[sflag:s18] =	ssyncset.done @!p0 $0x0  }
0x100: {  	[sflag:s18] =	ssyncadd.s32 @!p0 $0xFFFFFF80  }
0x101: {  	_ =	swait.ge @!p0 [sflag:s18], $0x80  }
0x102: {  	[sflag:s18] =	ssyncset.done @!p0 $0x0  }
0x103: {  	s17 =	simm.s32 @!p0 $0x100;
	[sflag:s18] =	ssyncadd.s32 @!p0 $0xFFFFFF80;
	s18 =	simm.s32 @!p0 $0xC  }
0x104: {  	[tilespmem:s20], [sflag:$0x7] =	stream.indirect.gather @!p0 [hbm4b:s4+s12], $0x80, s17, s12, $0xb8;
	[tilespmem:$0x1C400] =	vst v63  }
0x105: {  	_ =	swait.ge @!p0 [sflag:s18], $0x2000  }
0x106: {  	s11 =	sor.u32 $0x30, s11;
	[sflag:s18] =	ssyncset.done @!p0 $0x0  }
0x107: {  	s23 =	sadd.s32 s15, s11;
	[sflag:s18] =	ssyncadd.s32 @!p0 $0xFFFFE000  }
0x108: {  	[tilespmem:s5], [sflag:$0x4] =	stream.linear.gather [hbm4b:s23+s3], $0x80, $0x38;
	[tilespmem:$0x1C400] =	vst v63  }
0x109: {  	s11 =	sadd.s32 s16, s11  }
0x10a: {  	[tilespmem:s6], [sflag:$0x4] =	stream.linear.gather [hbm4b:s11+s3], $0x80, $0x38;
	[tilespmem:$0x1C400] =	vst v63  }
0x10b: {  	_ =	swait.ge [sflag:s7], $0x2000  }
0x10c: {  	s28 =	sadd.s32 $0x200, s28;
	[sflag:s7] =	ssyncset.done $0x0  }
0x10d: {  	p1 =	sne.s32 s28, $0x5000;
	[sflag:s7] =	ssyncadd.s32 $0xFFFFE000  }
0x10e: {  	[spmem:s1] =	stream.indirect.scatter.add.f32 [tilespmem:s29], [sflag:$0x9], $0x80, s31, s8, $0xb8;
	[tilespmem:$0x1C400] =	vst v63  }
.Ltmp1:
0x10f: {  	_ =	swait.ge [sflag:s9], $0x80;
	(pc) =	sbr.rel @p1 .LBB2_4-.Ltmp1, $4  }
0x110: {  	[sflag:s9] =	ssyncset.done $0x0  }
0x111: {  	[sflag:s9] =	ssyncadd.s32 $0xFFFFFF80  }
0x112: {  	_ =	swait.ge [sflag:s9], $0x80  }
0x113: {  	p0 =	seq.s32 s14, $0x0;
	[sflag:s9] =	ssyncset.done $0x0  }
0x114: {  	s12 =	simm.s32 @!p0 $0x9;
	[sflag:s9] =	ssyncadd.s32 $0xFFFFFF80  }
0x115: {  	[tilespmem:s10], [sflag:$0x8] =	stream.indirect.gather [hbm4b:s4+s8], $0x80, s5, s8, $0xb8;
	[tilespmem:$0x1C400] =	vst v63  }
0x116: {  	_ =	swait.ge @!p0 [sflag:s12], $0x2000  }
0x117: {  	s17 =	sand.u32 $0x7C00, s14;
	s11 =	rddreg [dreg:$0x4]  }
0x118: {  	s18 =	sand.u32 $0x200, s14;
	s11 =	sadd.s32 s11, s17  }
0x119: {  	s11 =	sor.u32 s18, s11  }
0x11a: {  	[sflag:s12] =	ssyncset.done @!p0 $0x0;
	s11 =	sshrl.u32 s11, $0x3  }
0x11b: {  	[sflag:s12] =	ssyncadd.s32 @!p0 $0xFFFFE000;
	s19 =	sadd.s32 s15, s11  }
0x11c: {  	[tilespmem:s3], [sflag:$0x1] =	stream.linear.gather [hbm4b:s19+s3], $0x80, $0x38;
	[tilespmem:$0x1C400] =	vst v63  }
0x11d: {  	s14 =	simm.s32 @p0 $0x1;
	s20 =	sadd.s32 s16, s11  }
0x11e: {  	[tilespmem:s31], [sflag:$0x1] =	stream.linear.gather [hbm4b:s20+s3], $0x80, $0x38;
	[tilespmem:$0x1C400] =	vst v63  }
0x11f: {  	_ =	swait.ge @p0 [sflag:s14], $0x80  }
0x120: {  	[sflag:s14] =	ssyncset.done @p0 $0x0  }
0x121: {  	[sflag:s14] =	ssyncadd.s32 @p0 $0xFFFFFF80  }
0x122: {  	_ =	swait.ge @p0 [sflag:s14], $0x80  }
0x123: {  	s12 =	simm.s32 @p0 $0x400;
	s17 =	simm.s32 @!p0 $0x6;
	[sflag:s14] =	ssyncset.done @p0 $0x0  }
0x124: {  	s18 =	simm.s32 @p0 $0x0;
	[sflag:s14] =	ssyncadd.s32 @p0 $0xFFFFFF80;
	s14 =	simm.s32 @p0 $0x40  }
0x125: {  	[tilespmem:s12], [sflag:$0x5] =	stream.indirect.gather @p0 [hbm4b:s4+s14], $0x80, s18, s14, $0xb8;
	[tilespmem:$0x1C400] =	vst v63  }
0x126: {  	_ =	swait.ge @!p0 [sflag:s17], $0x2000  }
0x127: {  	s19 =	simm.s32 @!p0 $0x1;
	s18 =	simm.s32 @!p0 $0x2400;
	[sflag:s17] =	ssyncset.done @!p0 $0x0  }
0x128: {  	s12 =	simm.s32 @!p0 $0x40;
	[sflag:s17] =	ssyncadd.s32 @!p0 $0xFFFFE000;
	s17 =	simm.s32 @!p0 $0x280  }
0x129: {  	[spmem:s1] =	stream.indirect.scatter.add.f32 @!p0 [tilespmem:s18], [sflag:$0xA], $0x80, s17, s12, $0xb8;
	[tilespmem:$0x1C400] =	vst v63  }
0x12a: {  	_ =	swait.ge @!p0 [sflag:s19], $0x80  }
0x12b: {  	[sflag:s19] =	ssyncset.done @!p0 $0x0  }
0x12c: {  	[sflag:s19] =	ssyncadd.s32 @!p0 $0xFFFFFF80  }
0x12d: {  	_ =	swait.ge @!p0 [sflag:s19], $0x80  }
0x12e: {  	s20 =	simm.s32 @!p0 $0x400;
	[sflag:s19] =	ssyncset.done @!p0 $0x0  }
0x12f: {  	s17 =	simm.s32 @!p0 $0xA;
	[sflag:s19] =	ssyncadd.s32 @!p0 $0xFFFFFF80;
	s19 =	simm.s32 @!p0 $0x0  }
0x130: {  	[tilespmem:s20], [sflag:$0x5] =	stream.indirect.gather @!p0 [hbm4b:s4+s12], $0x80, s19, s12, $0xb8;
	[tilespmem:$0x1C400] =	vst v63  }
0x131: {  	_ =	swait.ge @!p0 [sflag:s17], $0x2000  }
0x132: {  	s22 =	sor.u32 $0x10, s11;
	[sflag:s17] =	ssyncset.done @!p0 $0x0  }
0x133: {  	s23 =	sadd.s32 s15, s22;
	s21 =	rddreg [dreg:$0x5];
	[sflag:s17] =	ssyncadd.s32 @!p0 $0xFFFFE000  }
0x134: {  	[tilespmem:s21], [sflag:$0x2] =	stream.linear.gather [hbm4b:s23+s3], $0x80, $0x38;
	[tilespmem:$0x1C400] =	vst v63  }
0x135: {  	s19 =	simm.s32 @p0 $0x2;
	s21 =	sadd.s32 s16, s22  }
0x136: {  	[tilespmem:s0], [sflag:$0x2] =	stream.linear.gather [hbm4b:s21+s3], $0x80, $0x38;
	[tilespmem:$0x1C400] =	vst v63  }
0x137: {  	_ =	swait.ge @p0 [sflag:s19], $0x80  }
0x138: {  	[sflag:s19] =	ssyncset.done @p0 $0x0  }
0x139: {  	[sflag:s19] =	ssyncadd.s32 @p0 $0xFFFFFF80  }
0x13a: {  	_ =	swait.ge @p0 [sflag:s19], $0x80  }
0x13b: {  	s20 =	simm.s32 @p0 $0x2400;
	[sflag:s19] =	ssyncset.done @p0 $0x0  }
0x13c: {  	s17 =	simm.s32 @!p0 $0x7;
	[sflag:s19] =	ssyncadd.s32 @p0 $0xFFFFFF80;
	s19 =	simm.s32 @p0 $0x80  }
0x13d: {  	[tilespmem:s20], [sflag:$0x6] =	stream.indirect.gather @p0 [hbm4b:s4+s14], $0x80, s19, s14, $0xb8;
	[tilespmem:$0x1C400] =	vst v63  }
0x13e: {  	_ =	swait.ge @!p0 [sflag:s17], $0x2000  }
0x13f: {  	s19 =	simm.s32 @!p0 $0x2;
	[sflag:s17] =	ssyncset.done @!p0 $0x0  }
0x140: {  	s20 =	simm.s32 @!p0 $0x4400;
	[sflag:s17] =	ssyncadd.s32 @!p0 $0xFFFFE000;
	s17 =	simm.s32 @!p0 $0x300  }
0x141: {  	[spmem:s1] =	stream.indirect.scatter.add.f32 @!p0 [tilespmem:s20], [sflag:$0xB], $0x80, s17, s12, $0xb8;
	[tilespmem:$0x1C400] =	vst v63  }
0x142: {  	_ =	swait.ge @!p0 [sflag:s19], $0x80  }
0x143: {  	[sflag:s19] =	ssyncset.done @!p0 $0x0  }
0x144: {  	[sflag:s19] =	ssyncadd.s32 @!p0 $0xFFFFFF80  }
0x145: {  	_ =	swait.ge @!p0 [sflag:s19], $0x80  }
0x146: {  	[sflag:s19] =	ssyncset.done @!p0 $0x0  }
0x147: {  	s17 =	simm.s32 @!p0 $0x80;
	[sflag:s19] =	ssyncadd.s32 @!p0 $0xFFFFFF80;
	s19 =	simm.s32 @!p0 $0xB  }
0x148: {  	[tilespmem:s18], [sflag:$0x6] =	stream.indirect.gather @!p0 [hbm4b:s4+s12], $0x80, s17, s12, $0xb8;
	[tilespmem:$0x1C400] =	vst v63  }
0x149: {  	_ =	swait.ge @!p0 [sflag:s19], $0x2000  }
0x14a: {  	s23 =	sor.u32 $0x20, s11;
	[sflag:s19] =	ssyncset.done @!p0 $0x0  }
0x14b: {  	s21 =	sadd.s32 s15, s23;
	s22 =	rddreg [dreg:$0x6];
	[sflag:s19] =	ssyncadd.s32 @!p0 $0xFFFFE000  }
0x14c: {  	[tilespmem:s22], [sflag:$0x3] =	stream.linear.gather [hbm4b:s21+s3], $0x80, $0x38;
	[tilespmem:$0x1C400] =	vst v63  }
0x14d: {  	s18 =	simm.s32 @p0 $0x3;
	s22 =	sadd.s32 s16, s23  }
0x14e: {  	[tilespmem:s2], [sflag:$0x3] =	stream.linear.gather [hbm4b:s22+s3], $0x80, $0x38;
	[tilespmem:$0x1C400] =	vst v63  }
0x14f: {  	_ =	swait.ge @p0 [sflag:s18], $0x80  }
0x150: {  	[sflag:s18] =	ssyncset.done @p0 $0x0  }
0x151: {  	[sflag:s18] =	ssyncadd.s32 @p0 $0xFFFFFF80  }
0x152: {  	_ =	swait.ge @p0 [sflag:s18], $0x80  }
0x153: {  	[sflag:s18] =	ssyncset.done @p0 $0x0  }
0x154: {  	s17 =	simm.s32 @p0 $0x100;
	[sflag:s18] =	ssyncadd.s32 @p0 $0xFFFFFF80;
	s18 =	simm.s32 @p0 $0x4400  }
0x155: {  	[tilespmem:s18], [sflag:$0x7] =	stream.indirect.gather @p0 [hbm4b:s4+s14], $0x80, s17, s14, $0xb8;
	[tilespmem:$0x1C400] =	vst v63  }
0x156: {  	s14 =	simm.s32 @!p0 $0x8  }
0x157: {  	_ =	swait.ge @!p0 [sflag:s14], $0x2000  }
0x158: {  	[sflag:s14] =	ssyncset.done @!p0 $0x0  }
0x159: {  	s17 =	simm.s32 @!p0 $0x6400;
	[sflag:s14] =	ssyncadd.s32 @!p0 $0xFFFFE000;
	s14 =	simm.s32 @!p0 $0x380  }
0x15a: {  	[spmem:s1] =	stream.indirect.scatter.add.f32 @!p0 [tilespmem:s17], [sflag:$0xC], $0x80, s14, s12, $0xb8;
	[tilespmem:$0x1C400] =	vst v63  }
0x15b: {  	s14 =	simm.s32 @!p0 $0x3  }
0x15c: {  	_ =	swait.ge @!p0 [sflag:s14], $0x80  }
0x15d: {  	[sflag:s14] =	ssyncset.done @!p0 $0x0  }
0x15e: {  	[sflag:s14] =	ssyncadd.s32 @!p0 $0xFFFFFF80  }
0x15f: {  	_ =	swait.ge @!p0 [sflag:s14], $0x80  }
0x160: {  	[sflag:s14] =	ssyncset.done @!p0 $0x0  }
0x161: {  	[sflag:s14] =	ssyncadd.s32 @!p0 $0xFFFFFF80;
	s14 =	simm.s32 @!p0 $0x100  }
0x162: {  	[tilespmem:s20], [sflag:$0x7] =	stream.indirect.gather @!p0 [hbm4b:s4+s12], $0x80, s14, s12, $0xb8;
	[tilespmem:$0x1C400] =	vst v63  }
0x163: {  	s12 =	simm.s32 @!p0 $0xC  }
0x164: {  	_ =	swait.ge @!p0 [sflag:s12], $0x2000  }
0x165: {  	s11 =	sor.u32 $0x30, s11;
	[sflag:s12] =	ssyncset.done @!p0 $0x0  }
0x166: {  	s23 =	sadd.s32 s15, s11;
	[sflag:s12] =	ssyncadd.s32 @!p0 $0xFFFFE000  }
0x167: {  	[tilespmem:s5], [sflag:$0x4] =	stream.linear.gather [hbm4b:s23+s3], $0x80, $0x38;
	[tilespmem:$0x1C400] =	vst v63  }
0x168: {  	s11 =	sadd.s32 s16, s11  }
0x169: {  	[tilespmem:s6], [sflag:$0x4] =	stream.linear.gather [hbm4b:s11+s3], $0x80, $0x38;
	[tilespmem:$0x1C400] =	vst v63  }
0x16a: {  	_ =	swait.ge [sflag:s7], $0x2000  }
0x16b: {  	[sflag:s7] =	ssyncset.done $0x0  }
0x16c: {  	[sflag:s7] =	ssyncadd.s32 $0xFFFFE000  }
0x16d: {  	[spmem:s1] =	stream.indirect.scatter.add.f32 [tilespmem:s29], [sflag:$0x9], $0x80, s31, s8, $0xb8;
	[tilespmem:$0x1C400] =	vst v63  }
0x16e: {  	_ =	swait.ge [sflag:s9], $0x80  }
0x16f: {  	[sflag:s9] =	ssyncset.done $0x0  }
0x170: {  	[sflag:s9] =	ssyncadd.s32 $0xFFFFFF80  }
0x171: {  	_ =	swait.ge [sflag:s9], $0x80  }
0x172: {  	[sflag:s9] =	ssyncset.done $0x0  }
0x173: {  	s14 =	simm.s32 $0x6;
	[sflag:s9] =	ssyncadd.s32 $0xFFFFFF80  }
0x174: {  	[tilespmem:s10], [sflag:$0x8] =	stream.indirect.gather [hbm4b:s4+s8], $0x80, s5, s8, $0xb8;
	[tilespmem:$0x1C400] =	vst v63  }
0x175: {  	_ =	swait.ge [sflag:s14], $0x2000  }
0x176: {  	[sflag:s14] =	ssyncset.done $0x0  }
0x177: {  	s18 =	simm.s32 $0x7;
	s17 =	simm.s32 $0x2400;
	[sflag:s14] =	ssyncadd.s32 $0xFFFFE000  }
0x178: {  	[spmem:s1] =	stream.indirect.scatter.add.f32 [tilespmem:s17], [sflag:$0xA], $0x80, s0, s8, $0xb8;
	[tilespmem:$0x1C400] =	vst v63  }
0x179: {  	_ =	swait.ge [sflag:s18], $0x2000  }
0x17a: {  	[sflag:s18] =	ssyncset.done $0x0  }
0x17b: {  	s19 =	simm.s32 $0x4400;
	s20 =	simm.s32 $0x8;
	[sflag:s18] =	ssyncadd.s32 $0xFFFFE000  }
0x17c: {  	[spmem:s1] =	stream.indirect.scatter.add.f32 [tilespmem:s19], [sflag:$0xB], $0x80, s2, s8, $0xb8;
	[tilespmem:$0x1C400] =	vst v63  }
0x17d: {  	_ =	swait.ge [sflag:s20], $0x2000  }
0x17e: {  	[sflag:s20] =	ssyncset.done $0x0  }
0x17f: {  	s21 =	simm.s32 $0x9;
	[sflag:s20] =	ssyncadd.s32 $0xFFFFE000  }
0x180: {  	[spmem:s1] =	stream.indirect.scatter.add.f32 [tilespmem:s10], [sflag:$0xC], $0x80, s6, s8, $0xb8;
	[tilespmem:$0x1C400] =	vst v63  }
0x181: {  	_ =	swait.ge [sflag:s21], $0x2000  }
0x182: {  	[sflag:s21] =	ssyncset.done $0x0  }
0x183: {  	s22 =	simm.s32 $0xA;
	[sflag:s21] =	ssyncadd.s32 $0xFFFFE000  }
0x184: {  	_ =	swait.ge [sflag:s22], $0x2000  }
0x185: {  	[sflag:s22] =	ssyncset.done $0x0  }
0x186: {  	s23 =	simm.s32 $0xB;
	[sflag:s22] =	ssyncadd.s32 $0xFFFFE000  }
0x187: {  	_ =	swait.ge [sflag:s23], $0x2000  }
0x188: {  	[sflag:s23] =	ssyncset.done $0x0  }
0x189: {  	s12 =	simm.s32 $0xC;
	[sflag:s23] =	ssyncadd.s32 $0xFFFFE000  }
0x18a: {  	_ =	swait.ge [sflag:s12], $0x2000  }
0x18b: {  	[sflag:s12] =	ssyncset.done $0x0  }
0x18c: {  	[sflag:s12] =	ssyncadd.s32 $0xFFFFE000  }
0x18d: {  	[bflag:$0x0] =	sbarrier.arrive $0xFFFF  }
0x18e: {  	[tilespmem:s29], [sflag:$0xD] =	stream.linear.gather [spmem:s24], $0x2000, $0x38;
	[tilespmem:$0x1C400] =	vst v63  }
0x18f: {  	_ =	swait.ge [sflag:s30], $0x2000  }
0x190: {  	[sflag:s30] =	ssyncset.done $0x0  }
0x191: {  	s14 =	rddreg [dreg:$0x7];
	[sflag:s30] =	ssyncadd.s32 $0xFFFFE000  }
0x192: {  	[hbm4b:s14+s3] =	stream.linear.scatter [tilespmem:s29], [sflag:$0xD], $0x2000, $0x38;
	[tilespmem:$0x1C400] =	vst v63  }
0x193: {  	_ =	swait.ge [sflag:s30], $0x2000  }
0x194: {  	[sflag:s30] =	ssyncset.done $0x0  }
0x195: {  	[sflag:s30] =	ssyncadd.s32 $0xFFFFE000  }
0x196: {  	[tilespmem:s29], [sflag:$0xD] =	stream.linear.gather [spmem:s25], $0x2000, $0x38;
	[tilespmem:$0x1C400] =	vst v63  }
0x197: {  	_ =	swait.ge [sflag:s30], $0x2000  }
0x198: {  	[sflag:s30] =	ssyncset.done $0x0  }
0x199: {  	s17 =	rddreg [dreg:$0x8];
	[sflag:s30] =	ssyncadd.s32 $0xFFFFE000  }
0x19a: {  	[hbm4b:s17+s3] =	stream.linear.scatter [tilespmem:s29], [sflag:$0xD], $0x2000, $0x38;
	[tilespmem:$0x1C400] =	vst v63  }
0x19b: {  	_ =	swait.ge [sflag:s30], $0x2000  }
0x19c: {  	[sflag:s30] =	ssyncset.done $0x0  }
0x19d: {  	[sflag:s30] =	ssyncadd.s32 $0xFFFFE000  }
0x19e: {  	[tilespmem:s29], [sflag:$0xD] =	stream.linear.gather [spmem:s26], $0x2000, $0x38;
	[tilespmem:$0x1C400] =	vst v63  }
0x19f: {  	_ =	swait.ge [sflag:s30], $0x2000  }
0x1a0: {  	[sflag:s30] =	ssyncset.done $0x0  }
0x1a1: {  	s18 =	rddreg [dreg:$0x9];
	[sflag:s30] =	ssyncadd.s32 $0xFFFFE000  }
0x1a2: {  	[hbm4b:s18+s3] =	stream.linear.scatter [tilespmem:s29], [sflag:$0xD], $0x2000, $0x38;
	[tilespmem:$0x1C400] =	vst v63  }
0x1a3: {  	_ =	swait.ge [sflag:s30], $0x2000  }
0x1a4: {  	[sflag:s30] =	ssyncset.done $0x0  }
0x1a5: {  	s28 =	rddreg [dreg:$0x11];
	[sflag:s30] =	ssyncadd.s32 $0xFFFFE000  }
0x1a6: {  	[tilespmem:s29], [sflag:$0xD] =	stream.linear.gather [spmem:s28], $0x2000, $0x38;
	[tilespmem:$0x1C400] =	vst v63  }
0x1a7: {  	_ =	swait.ge [sflag:s30], $0x2000  }
0x1a8: {  	[sflag:s30] =	ssyncset.done $0x0  }
0x1a9: {  	s19 =	rddreg [dreg:$0xa];
	[sflag:s30] =	ssyncadd.s32 $0xFFFFE000  }
0x1aa: {  	[hbm4b:s19+s3] =	stream.linear.scatter [tilespmem:s29], [sflag:$0xD], $0x2000, $0x38;
	[tilespmem:$0x1C400] =	vst v63  }
0x1ab: {  	_ =	swait.ge [sflag:s30], $0x2000  }
0x1ac: {  	[sflag:s30] =	ssyncset.done $0x0  }
0x1ad: {  	s20 =	rddreg [dreg:$0x12];
	[sflag:s30] =	ssyncadd.s32 $0xFFFFE000  }
0x1ae: {  	[tilespmem:s29], [sflag:$0xD] =	stream.linear.gather [spmem:s20], $0x2000, $0x38;
	[tilespmem:$0x1C400] =	vst v63  }
0x1af: {  	_ =	swait.ge [sflag:s30], $0x2000  }
0x1b0: {  	[sflag:s30] =	ssyncset.done $0x0  }
0x1b1: {  	s21 =	smov.u32 s24;
	s24 =	rddreg [dreg:$0xb];
	[sflag:s30] =	ssyncadd.s32 $0xFFFFE000  }
0x1b2: {  	[hbm4b:s24+s3] =	stream.linear.scatter [tilespmem:s29], [sflag:$0xD], $0x2000, $0x38;
	[tilespmem:$0x1C400] =	vst v63  }
0x1b3: {  	_ =	swait.ge [sflag:s30], $0x2000  }
0x1b4: {  	[sflag:s30] =	ssyncset.done $0x0  }
0x1b5: {  	s18 =	rddreg [dreg:$0x13];
	[sflag:s30] =	ssyncadd.s32 $0xFFFFE000  }
0x1b6: {  	[tilespmem:s29], [sflag:$0xD] =	stream.linear.gather [spmem:s18], $0x2000, $0x38;
	[tilespmem:$0x1C400] =	vst v63  }
0x1b7: {  	_ =	swait.ge [sflag:s30], $0x2000  }
0x1b8: {  	[sflag:s30] =	ssyncset.done $0x0  }
0x1b9: {  	s22 =	smov.u32 s25;
	s25 =	rddreg [dreg:$0xc];
	[sflag:s30] =	ssyncadd.s32 $0xFFFFE000  }
0x1ba: {  	[hbm4b:s25+s3] =	stream.linear.scatter [tilespmem:s29], [sflag:$0xD], $0x2000, $0x38;
	[tilespmem:$0x1C400] =	vst v63  }
0x1bb: {  	_ =	swait.ge [sflag:s30], $0x2000  }
0x1bc: {  	[sflag:s30] =	ssyncset.done $0x0  }
0x1bd: {  	s23 =	smov.u32 s26;
	s26 =	rddreg [dreg:$0x14];
	[sflag:s30] =	ssyncadd.s32 $0xFFFFE000  }
0x1be: {  	[tilespmem:s29], [sflag:$0xD] =	stream.linear.gather [spmem:s26], $0x2000, $0x38;
	[tilespmem:$0x1C400] =	vst v63  }
0x1bf: {  	_ =	swait.ge [sflag:s30], $0x2000  }
0x1c0: {  	[sflag:s30] =	ssyncset.done $0x0  }
0x1c1: {  	s12 =	rddreg [dreg:$0xd];
	[sflag:s30] =	ssyncadd.s32 $0xFFFFE000  }
0x1c2: {  	[hbm4b:s12+s3] =	stream.linear.scatter [tilespmem:s29], [sflag:$0xD], $0x2000, $0x38;
	[tilespmem:$0x1C400] =	vst v63  }
0x1c3: {  	_ =	swait.ge [sflag:s30], $0x2000  }
0x1c4: {  	[sflag:s30] =	ssyncset.done $0x0  }
0x1c5: {  	s19 =	rddreg [dreg:$0x15];
	[sflag:s30] =	ssyncadd.s32 $0xFFFFE000  }
0x1c6: {  	[tilespmem:s29], [sflag:$0xD] =	stream.linear.gather [spmem:s19], $0x2000, $0x38;
	[tilespmem:$0x1C400] =	vst v63  }
0x1c7: {  	_ =	swait.ge [sflag:s30], $0x2000  }
0x1c8: {  	[sflag:s30] =	ssyncset.done $0x0  }
0x1c9: {  	s14 =	rddreg [dreg:$0xe];
	[sflag:s30] =	ssyncadd.s32 $0xFFFFE000  }
0x1ca: {  	[hbm4b:s14+s3] =	stream.linear.scatter [tilespmem:s29], [sflag:$0xD], $0x2000, $0x38;
	[tilespmem:$0x1C400] =	vst v63  }
0x1cb: {  	_ =	swait.ge [sflag:s30], $0x2000  }
0x1cc: {  	[sflag:s30] =	ssyncset.done $0x0  }
0x1cd: {  	s20 =	rddreg [dreg:$0x16];
	[sflag:s30] =	ssyncadd.s32 $0xFFFFE000  }
0x1ce: {  	[tilespmem:s29], [sflag:$0xD] =	stream.linear.gather [spmem:s20], $0x2000, $0x38;
	[tilespmem:$0x1C400] =	vst v63  }
0x1cf: {  	_ =	swait.ge [sflag:s30], $0x2000  }
0x1d0: {  	[sflag:s30] =	ssyncset.done $0x0  }
0x1d1: {  	s17 =	rddreg [dreg:$0xf];
	[sflag:s30] =	ssyncadd.s32 $0xFFFFE000  }
0x1d2: {  	[hbm4b:s17+s3] =	stream.linear.scatter [tilespmem:s29], [sflag:$0xD], $0x2000, $0x38;
	[tilespmem:$0x1C400] =	vst v63  }
0x1d3: {  	_ =	swait.ge [sflag:s30], $0x2000  }
0x1d4: {  	[sflag:s30] =	ssyncset.done $0x0  }
0x1d5: {  	s24 =	rddreg [dreg:$0x17];
	[sflag:s30] =	ssyncadd.s32 $0xFFFFE000  }
0x1d6: {  	[tilespmem:s29], [sflag:$0xD] =	stream.linear.gather [spmem:s24], $0x2000, $0x38;
	[tilespmem:$0x1C400] =	vst v63  }
0x1d7: {  	_ =	swait.ge [sflag:s30], $0x2000  }
0x1d8: {  	[sflag:s30] =	ssyncset.done $0x0  }
0x1d9: {  	s25 =	rddreg [dreg:$0x10];
	[sflag:s30] =	ssyncadd.s32 $0xFFFFE000  }
0x1da: {  	[hbm4b:s25+s3] =	stream.linear.scatter [tilespmem:s29], [sflag:$0xD], $0x2000, $0x38;
	[tilespmem:$0x1C400] =	vst v63  }
0x1db: {  	_ =	swait.ge [sflag:s30], $0x2000  }
0x1dc: {  	s13 =	sadd.s32 $0x1, s13;
	s26 =	rddreg [dreg:$0x18]  }
0x1dd: {  	p0 =	sne.s32 s13, s26  }
.Ltmp2:
0x1de: {  	_ = 	snop;
	(pc) =	sbr.rel @p0 .LBB2_1-.Ltmp2, $3  }
0x1df: {  	_ =	sdelay $0x1  }
0x1e0: {  	[sflag:s30] =	ssyncset.done $0x0  }
0x1e1: {  	[sflag:s30] =	ssyncadd.s32 $0xFFFFE000  }
0x1e2: {  	_ =	sfence.sel $0x180000  }
0x1e3: {  	[bflag:$0x0] =	sbarrier.arrive $0xFFFF  }
0x1e4: {  	_ =	strace $0x9000004A  }
0x1e5: {  	s0 =	stileid.u32;
	[bflag:$0x2] =	sbarrier.arrive $0xFFFF  }
0x1e6: {  	p0 =	sne.s32 s0, $0x0;
	s0 =	rddreg [dreg:$0x3]  }
0x1e7: {  	s0 =	sadd.s32 @!p0 $0x100000, s0  }
0x1e8: {  	[sflag:s0] =	ssyncadd.tile.s32 @!p0 $0x1;
	_ =	shalt  }
.Lfunc_end2:
_tile_overlayer_lowered:
.L_overlay_start_2:
0x1e9: {  	(tag) =	ssettag $0x2  }
0x1ea: {  	s0 =	rddreg [dreg:$0x0];
	s2 =	stileid.u32  }
0x1eb: {  	s1 =	rddreg [dreg:$0x1];
	p0 =	sne.s32 s2, $0x0  }
0x1ec: {  	s3 =	rddreg [dreg:$0x2];
	[bflag:$0x3] =	sbarrier.arrive $0xFFFF;
	s2 =	simm.s32 @!p0 $0x1C0D  }
0x1ed: {  	[timem:s3], [sflag:s2] =	dma.local @!p0 [hbm:s0], s1  }
0x1ee: {  	s0 =	simm.s32 @!p0 $0xD  }
0x1ef: {  	_ =	swait.ge @!p0 [sflag:s0], s1  }
0x1f0: {  	s1 =	ssub.s32 @!p0 $0x0, s1;
	[sflag:s0] =	ssyncset.done @!p0 $0x0  }
0x1f1: {  	[sflag:s0] =	ssyncadd.s32 @!p0 s1  }
0x1f2: {  	[bflag:$0x3] =	sbarrier.arrive $0xFFFF  }
0x1f3: {  	_ =	shalt  }

</sc_bundles>
